<compile_context>
chip_gen: v7x
topology: tpu7x:2x2x1
jax: 0.10.2.dev20260603
libtpu: 0.0.44.dev20260713+nightly
codegen_flags: <defaults>
</compile_context>

<pallas_src>
import jax
import jax.numpy as jnp
from jax import lax
from jax.experimental import pallas as pl
from jax.experimental.pallas import tpu as pltpu
from jax.experimental.pallas import tpu_sc as plsc

_NC = 2
_NS = 16
_NW = _NC * _NS
_CE = 800


def _mesh():
    return plsc.VectorSubcoreMesh(
        core_axis_name="c", subcore_axis_name="s",
        num_cores=_NC, num_subcores=_NS)


def _n_pad(n_nodes):
    return ((n_nodes + _NS * 8 - 1) // (_NS * 8)) * (_NS * 8)


def _make_edge_pass(n_nodes, n_edges, feat, mode):
    n_chunks = n_edges // _CE
    workers = _NS if mode == "halves" else _NW
    base, rem = divmod(n_chunks, workers)
    max_steps = base + (1 if rem else 0)
    n_pad = _n_pad(n_nodes)
    rows_per_tile = n_pad // _NS
    gather = mode != "ones"

    scratch = {
        "idx_d0": pltpu.VMEM((_CE,), jnp.int32),
        "idx_d1": pltpu.VMEM((_CE,), jnp.int32),
        "accum": pltpu.VMEM_SHARED((n_pad, feat), jnp.float32),
    }
    if gather:
        scratch.update({
            "idx_s0": pltpu.VMEM((_CE,), jnp.int32),
            "idx_s1": pltpu.VMEM((_CE,), jnp.int32),
            "rows0": pltpu.VMEM((_CE, feat), jnp.float32),
            "rows1": pltpu.VMEM((_CE, feat), jnp.float32),
            "gsem0": pltpu.SemaphoreType.DMA,
            "gsem1": pltpu.SemaphoreType.DMA,
        })
    else:
        scratch["ones_v"] = pltpu.VMEM((_CE, feat), jnp.float32)

    def body(*refs, **kw):
        if gather:
            table_hbm, src_hbm, dst_hbm, zrow_hbm, out_hbm = refs
        else:
            dst_hbm, ones_hbm, zrow_hbm, out_hbm = refs
        cid = lax.axis_index("c")
        sid = lax.axis_index("s")
        wid = sid * _NC + cid if mode != "halves" else sid
        accum = kw["accum"]

        pltpu.sync_copy(zrow_hbm, accum.at[pl.ds(sid * rows_per_tile,
                                                 rows_per_tile)])
        if not gather:
            pltpu.sync_copy(ones_hbm, kw["ones_v"])
        plsc.subcore_barrier()

        cnt = base + jnp.where(wid < rem, 1, 0) if rem else base
        start = wid * base + (jnp.minimum(wid, rem) if rem else 0)

        if gather:
            idx_s = (kw["idx_s0"], kw["idx_s1"])
            idx_d = (kw["idx_d0"], kw["idx_d1"])
            rows = (kw["rows0"], kw["rows1"])
            gsem = (kw["gsem0"], kw["gsem1"])
            if mode == "halves":
                table = table_hbm.at[cid]
            else:
                table = table_hbm

            def load_idx(i, b):
                e0 = (start + i) * _CE
                pltpu.sync_copy(src_hbm.at[pl.ds(e0, _CE)], idx_s[b])
                pltpu.sync_copy(dst_hbm.at[pl.ds(e0, _CE)], idx_d[b])

            def fire(b):
                pltpu.async_copy(table.at[idx_s[b]], rows[b], gsem[b])

            def drain(b):
                pltpu.make_async_copy(table.at[idx_s[b]], rows[b],
                                      gsem[b]).wait()

            def scatter(b):
                pltpu.sync_copy(rows[b], accum.at[idx_d[b]], add=True)

            load_idx(0, 0)
            fire(0)
            load_idx(1, 1)

            def step(i, b):
                valid = i < cnt

                @pl.when(valid)
                def _():
                    drain(b)

                @pl.when(i + 1 < cnt)
                def _():
                    fire(1 - b)

                @pl.when(valid)
                def _():
                    scatter(b)

                @pl.when(i + 2 < cnt)
                def _():
                    load_idx(i + 2, b)

            def pair(j, _):
                step(2 * j, 0)
                step(2 * j + 1, 1)
                return 0

            lax.fori_loop(0, (max_steps + 2) // 2, pair, 0)
        else:
            idx_d = (kw["idx_d0"], kw["idx_d1"])
            ones_v = kw["ones_v"]

            def load_idx(i, b):
                e0 = (start + i) * _CE
                pltpu.sync_copy(dst_hbm.at[pl.ds(e0, _CE)], idx_d[b])

            def scatter(b):
                pltpu.sync_copy(ones_v, accum.at[idx_d[b]], add=True)

            load_idx(0, 0)

            def step(i, b):
                @pl.when(i + 1 < cnt)
                def _():
                    load_idx(i + 1, 1 - b)

                @pl.when(i < cnt)
                def _():
                    scatter(b)

            def pair(j, _):
                step(2 * j, 0)
                step(2 * j + 1, 1)
                return 0

            lax.fori_loop(0, (max_steps + 2) // 2, pair, 0)

        plsc.subcore_barrier()
        off = sid * rows_per_tile
        pltpu.sync_copy(accum.at[pl.ds(off, rows_per_tile)],
                        out_hbm.at[cid, pl.ds(off, rows_per_tile)])

    return pl.kernel(
        body,
        out_type=jax.ShapeDtypeStruct((_NC, n_pad, feat), jnp.float32),
        mesh=_mesh(),
        scratch_types=scratch,
        compiler_params=pltpu.CompilerParams(use_tc_tiling_on_sc=False),
    )


def _tc(body, grid, in_specs, out_specs, out_shape):
    return pl.pallas_call(
        body, grid=grid, in_specs=in_specs, out_specs=out_specs,
        out_shape=out_shape)


def kernel(x, edge_index, W1, b1, W2, b2, W3, b3):
    n = x.shape[0]
    e = edge_index.shape[1]
    src1d = edge_index[0]
    dst1d = edge_index[1]
    n_pad = _n_pad(n)
    rows_per_tile = n_pad // _NS

    edge16 = _make_edge_pass(n, e, 16, "split")
    edge16h = _make_edge_pass(n, e, 16, "halves")
    edge16b = _make_edge_pass(n, e, 16, "split")
    deg_pass = _make_edge_pass(n, e, 16, "ones")

    zrow16 = jnp.zeros((rows_per_tile, 16), jnp.float32)
    ones16 = jnp.ones((_CE, 16), jnp.float32)

    bn = 2000
    grid = (n // bn,)
    part16 = pl.BlockSpec((_NC, bn, 16), lambda i: (0, i, 0))
    vec_spec = pl.BlockSpec((bn, 1), lambda i: (i, 0))
    f16_spec = pl.BlockSpec((bn, 16), lambda i: (i, 0))
    f16b_spec = pl.BlockSpec((bn, 16), lambda i: (i, 0))
    half_spec = pl.BlockSpec((_NC, bn, 16), lambda i: (0, i, 0))

    def full(a):
        return pl.BlockSpec(a.shape, lambda i: tuple(0 for _ in a.shape))

    def pre1_body(p_ref, x_ref, w_ref, dis_ref, g_ref):
        p = p_ref[...]
        dis = lax.rsqrt(p[0, :, 0:1] + p[1, :, 0:1] + 1.0)
        dis_ref[...] = dis
        t = jnp.dot(x_ref[...], w_ref[...],
                    preferred_element_type=jnp.float32)
        g_ref[...] = t * dis

    def mid1_body(p_ref, g1_ref, dis_ref, b1_ref, w2_ref, g2_ref):
        p = p_ref[...]
        dis = dis_ref[...]
        s = (p[0] + p[1] + g1_ref[...]) * dis + b1_ref[...]
        h = jnp.maximum(s, 0.0)
        t = jnp.dot(h, w2_ref[...], preferred_element_type=jnp.float32) * dis
        g2_ref[0] = t[:, :16]
        g2_ref[1] = t[:, 16:]

    def mid2_body(p_ref, g2_ref, dis_ref, b2_ref, w3_ref, g3_ref):
        p = p_ref[...]
        g2 = g2_ref[...]
        dis = dis_ref[...]
        sa = p[0] + g2[0]
        sb = p[1] + g2[1]
        s = jnp.concatenate([sa, sb], axis=1) * dis + b2_ref[...]
        h = jnp.maximum(s, 0.0)
        t = jnp.dot(h, w3_ref[...], preferred_element_type=jnp.float32) * dis
        g3_ref[...] = jnp.concatenate(
            [t, jnp.zeros((t.shape[0], 15), jnp.float32)], axis=1)

    def fin_body(p_ref, g3_ref, dis_ref, b3_ref, out_ref):
        p = p_ref[...]
        s = p[0, :, 0:1] + p[1, :, 0:1] + g3_ref[...][:, 0:1]
        out_ref[...] = s * dis_ref[...] + b3_ref[...]

    b1r = b1.reshape(1, -1)
    b2r = b2.reshape(1, -1)
    b3r = b3.reshape(1, -1)

    deg_part = deg_pass(dst1d, ones16, zrow16)

    dis, g1 = _tc(pre1_body, grid,
                  [part16, pl.BlockSpec((bn, 2), lambda i: (i, 0)),
                   full(W1)],
                  [vec_spec, f16_spec],
                  [jax.ShapeDtypeStruct((n, 1), jnp.float32),
                   jax.ShapeDtypeStruct((n, 16), jnp.float32)])(
                      deg_part, x, W1)
    p1 = edge16(g1, src1d, dst1d, zrow16)

    g2 = _tc(mid1_body, grid,
             [part16, f16_spec, vec_spec, full(b1r), full(W2)],
             half_spec,
             jax.ShapeDtypeStruct((_NC, n, 16), jnp.float32))(
                 p1, g1, dis, b1r, W2)
    p2 = edge16h(g2, src1d, dst1d, zrow16)

    g3 = _tc(mid2_body, grid,
             [part16, half_spec, vec_spec, full(b2r), full(W3)],
             f16b_spec, jax.ShapeDtypeStruct((n, 16), jnp.float32))(
                 p2, g2, dis, b2r, W3)
    p3 = edge16b(g3, src1d, dst1d, zrow16)

    out = _tc(fin_body, grid,
              [part16, f16b_spec, vec_spec, full(b3r)],
              vec_spec, jax.ShapeDtypeStruct((n, 1), jnp.float32))(
                  p3, g3, dis, b3r)
    return out

# --- scband reference (transcript-rebuilt; emitter-appended) ---
"""Pipeline reference for scband-cfdgnn-46342697124161 (READ-ONLY COPY).

The authoritative reference and input builder live on the scoring server;
editing this copy changes nothing except your own understanding.
"""

import jax, jax.numpy as jnp
import numpy as np

N = 100000
E = 6400000

def _glorot(k, shape):
    fan_in, fan_out = shape[0], shape[1]
    std = (2.0 / (fan_in + fan_out)) ** 0.5
    return jax.random.normal(k, shape, dtype=jnp.float32) * std

def setup_inputs(seed: int = 0) -> dict:
    key = jax.random.key(seed)
    ks = jax.random.split(key, 8)
    x = jax.random.normal(ks[0], (N, 2), dtype=jnp.float32)
    edge_index = jax.random.randint(ks[1], (2, E), 0, N, dtype=jnp.int32)
    W1 = _glorot(ks[2], (2, 16)); b1 = jnp.zeros((16,), dtype=jnp.float32)
    W2 = _glorot(ks[3], (16, 32)); b2 = jnp.zeros((32,), dtype=jnp.float32)
    W3 = _glorot(ks[4], (32, 1)); b3 = jnp.zeros((1,), dtype=jnp.float32)
    return {"x": x, "edge_index": edge_index, "W1": W1, "b1": b1, "W2": W2, "b2": b2, "W3": W3, "b3": b3}

def _gcn_conv(h, src, dst, deg_inv_sqrt, W, b):
    # PyG GCNConv: h' = D^{-1/2} (A + I) D^{-1/2} (h W) + b
    h = h @ W
    norm = deg_inv_sqrt[src] * deg_inv_sqrt[dst]
    msg = h[src] * norm[:, None]
    out = jnp.zeros((N, h.shape[1]), dtype=h.dtype).at[dst].add(msg)
    return out + b

def reference(x, edge_index, W1, b1, W2, b2, W3, b3):
    loop = jnp.arange(N, dtype=edge_index.dtype)
    src = jnp.concatenate([edge_index[0], loop])
    dst = jnp.concatenate([edge_index[1], loop])
    ones = jnp.ones((src.shape[0],), dtype=jnp.float32)
    deg = jnp.zeros((N,), dtype=jnp.float32).at[dst].add(ones)
    deg_inv_sqrt = jnp.where(deg > 0, deg ** -0.5, 0.0)
    h = jax.nn.relu(_gcn_conv(x, src, dst, deg_inv_sqrt, W1, b1))
    h = jax.nn.relu(_gcn_conv(h, src, dst, deg_inv_sqrt, W2, b2))
    h = _gcn_conv(h, src, dst, deg_inv_sqrt, W3, b3)
    return h

if __name__ == "__main__":
    import jax
    _d = setup_inputs()
    print(jax.jit(kernel)(*tuple(_d.values())))

</pallas_src>

<mosaic_0001>
#map = affine_map<(d0, d1) -> (0, 0)>
#map1 = affine_map<(d0, d1) -> (0)>
#map2 = affine_map<(d0, d1) -> (0, 0, 0)>
module attributes {stable_mosaic.version = 14 : i64} {
  func.func @body(%arg0: i32, %arg1: i32, %arg2: memref<100000x16xf32, #tpu.memory_space<hbm>>, %arg3: memref<6400000xi32, #tpu.memory_space<hbm>>, %arg4: memref<6400000xi32, #tpu.memory_space<hbm>>, %arg5: memref<6256x16xf32, #tpu.memory_space<hbm>>, %arg6: memref<2x100096x16xf32, #tpu.memory_space<hbm>>, %arg7: memref<100096x16xf32, #tpu.memory_space<vmem_shared>>, %arg8: memref<!tpu.dma_semaphore, #tpu.memory_space<semaphore_mem>>, %arg9: memref<!tpu.dma_semaphore, #tpu.memory_space<semaphore_mem>>, %arg10: memref<800xi32, #tpu.memory_space<vmem>>, %arg11: memref<800xi32, #tpu.memory_space<vmem>>, %arg12: memref<800xi32, #tpu.memory_space<vmem>>, %arg13: memref<800xi32, #tpu.memory_space<vmem>>, %arg14: memref<800x16xf32, #tpu.memory_space<vmem>>, %arg15: memref<800x16xf32, #tpu.memory_space<vmem>>) attributes {dimension_semantics = [#tpu.dimension_semantics<core_parallel>, #tpu.dimension_semantics<subcore_parallel>], iteration_bounds = array<i64: 2, 16>, scalar_prefetch = 0 : i64, scratch_operands = 9 : i64, tpu.core_type = #tpu.core_type<sc_vector_subcore>, window_params = [{transform_indices = #map}, {transform_indices = #map1}, {transform_indices = #map1}, {transform_indices = #map}, {transform_indices = #map2}]} {
    %mul3A = arith.constant 2 : i32
    %mul3A_0 = arith.muli %arg1, %mul3A : i32
    %add3A = arith.addi %mul3A_0, %arg0 : i32
    %mul3A_1 = arith.constant 6256 : i32
    %mul3A_2 = arith.muli %arg1, %mul3A_1 : i32
    "tpu.region"() ({
      %run_scoped3A = tpu.sem_alloc : memref<!tpu.dma_semaphore, #tpu.memory_space<semaphore_mem>>
      %dma_start3A_26 = arith.constant 0 : i32
      %dma_start3A_27 = tpu.memref_slice %arg7[%mul3A_2, %dma_start3A_26] : memref<100096x16xf32, #tpu.memory_space<vmem_shared>> -> memref<6256x16xf32, #tpu.memory_space<vmem_shared>>
      tpu.enqueue_dma source(%arg5 : memref<6256x16xf32, #tpu.memory_space<hbm>>) target(%dma_start3A_27 : memref<6256x16xf32, #tpu.memory_space<vmem_shared>>) target_semaphore(%run_scoped3A : memref<!tpu.dma_semaphore, #tpu.memory_space<semaphore_mem>>)
      %dma_wait3A = arith.constant 0 : i32
      %dma_wait3A_28 = tpu.memref_slice %arg7[%mul3A_2, %dma_wait3A] : memref<100096x16xf32, #tpu.memory_space<vmem_shared>> -> memref<6256x16xf32, #tpu.memory_space<vmem_shared>>
      tpu.wait_dma2 semaphore(%run_scoped3A : memref<!tpu.dma_semaphore, #tpu.memory_space<semaphore_mem>>) src(%arg5 : memref<6256x16xf32, #tpu.memory_space<hbm>>) dst(%dma_wait3A_28 : memref<6256x16xf32, #tpu.memory_space<vmem_shared>>)
      tpu.yield
    }) : () -> ()
    %barrier3A = arith.constant 0 : index
    tpu.barrier barrier_id(%barrier3A)
    %mul3A_3 = arith.constant 250 : i32
    %mul3A_4 = arith.muli %add3A, %mul3A_3 : i32
    %add3A_5 = arith.constant 0 : i32
    %add3A_6 = arith.addi %mul3A_4, %add3A_5 : i32
    %add3A_7 = arith.constant 0 : i32
    %add3A_8 = arith.addi %add3A_6, %add3A_7 : i32
    %mul3A_9 = arith.constant 800 : i32
    %mul3A_10 = arith.muli %add3A_8, %mul3A_9 : i32
    "tpu.region"() ({
      %run_scoped3A = tpu.sem_alloc : memref<!tpu.dma_semaphore, #tpu.memory_space<semaphore_mem>>
      %dma_start3A_26 = tpu.memref_slice %arg3[%mul3A_10] : memref<6400000xi32, #tpu.memory_space<hbm>> -> memref<800xi32, #tpu.memory_space<hbm>>
      %dma_start3A_27 = tpu.memref_slice %arg3[%mul3A_10] : memref<6400000xi32, #tpu.memory_space<hbm>> -> memref<800xi32, #tpu.memory_space<hbm>>
      tpu.enqueue_dma source(%dma_start3A_27 : memref<800xi32, #tpu.memory_space<hbm>>) target(%arg12 : memref<800xi32, #tpu.memory_space<vmem>>) target_semaphore(%run_scoped3A : memref<!tpu.dma_semaphore, #tpu.memory_space<semaphore_mem>>)
      %dma_wait3A = tpu.memref_slice %arg3[%mul3A_10] : memref<6400000xi32, #tpu.memory_space<hbm>> -> memref<800xi32, #tpu.memory_space<hbm>>
      %dma_wait3A_28 = tpu.memref_slice %arg3[%mul3A_10] : memref<6400000xi32, #tpu.memory_space<hbm>> -> memref<800xi32, #tpu.memory_space<hbm>>
      tpu.wait_dma2 semaphore(%run_scoped3A : memref<!tpu.dma_semaphore, #tpu.memory_space<semaphore_mem>>) src(%dma_wait3A_28 : memref<800xi32, #tpu.memory_space<hbm>>) dst(%arg12 : memref<800xi32, #tpu.memory_space<vmem>>)
      tpu.yield
    }) : () -> ()
    "tpu.region"() ({
      %run_scoped3A = tpu.sem_alloc : memref<!tpu.dma_semaphore, #tpu.memory_space<semaphore_mem>>
      %dma_start3A_26 = tpu.memref_slice %arg4[%mul3A_10] : memref<6400000xi32, #tpu.memory_space<hbm>> -> memref<800xi32, #tpu.memory_space<hbm>>
      %dma_start3A_27 = tpu.memref_slice %arg4[%mul3A_10] : memref<6400000xi32, #tpu.memory_space<hbm>> -> memref<800xi32, #tpu.memory_space<hbm>>
      tpu.enqueue_dma source(%dma_start3A_27 : memref<800xi32, #tpu.memory_space<hbm>>) target(%arg10 : memref<800xi32, #tpu.memory_space<vmem>>) target_semaphore(%run_scoped3A : memref<!tpu.dma_semaphore, #tpu.memory_space<semaphore_mem>>)
      %dma_wait3A = tpu.memref_slice %arg4[%mul3A_10] : memref<6400000xi32, #tpu.memory_space<hbm>> -> memref<800xi32, #tpu.memory_space<hbm>>
      %dma_wait3A_28 = tpu.memref_slice %arg4[%mul3A_10] : memref<6400000xi32, #tpu.memory_space<hbm>> -> memref<800xi32, #tpu.memory_space<hbm>>
      tpu.wait_dma2 semaphore(%run_scoped3A : memref<!tpu.dma_semaphore, #tpu.memory_space<semaphore_mem>>) src(%dma_wait3A_28 : memref<800xi32, #tpu.memory_space<hbm>>) dst(%arg10 : memref<800xi32, #tpu.memory_space<vmem>>)
      tpu.yield
    }) : () -> ()
    %dma_start3A = arith.constant 0 : i32
    %dma_start3A_11 = arith.constant 0 : i32
    %dma_start3A_12 = tpu.memref_slice %arg2[%dma_start3A, %dma_start3A_11] : memref<100000x16xf32, #tpu.memory_space<hbm>> -> memref<100000x16xf32, #tpu.memory_space<hbm>>
    tpu.enqueue_indirect_dma source(%dma_start3A_12 : memref<100000x16xf32, #tpu.memory_space<hbm>>) target(%arg14 : memref<800x16xf32, #tpu.memory_space<vmem>>) offsets(%arg12 : memref<800xi32, #tpu.memory_space<vmem>>) semaphore(%arg8 : memref<!tpu.dma_semaphore, #tpu.memory_space<semaphore_mem>>)
    %add3A_13 = arith.constant 1 : i32
    %add3A_14 = arith.addi %add3A_6, %add3A_13 : i32
    %mul3A_15 = arith.constant 800 : i32
    %mul3A_16 = arith.muli %add3A_14, %mul3A_15 : i32
    "tpu.region"() ({
      %run_scoped3A = tpu.sem_alloc : memref<!tpu.dma_semaphore, #tpu.memory_space<semaphore_mem>>
      %dma_start3A_26 = tpu.memref_slice %arg3[%mul3A_16] : memref<6400000xi32, #tpu.memory_space<hbm>> -> memref<800xi32, #tpu.memory_space<hbm>>
      %dma_start3A_27 = tpu.memref_slice %arg3[%mul3A_16] : memref<6400000xi32, #tpu.memory_space<hbm>> -> memref<800xi32, #tpu.memory_space<hbm>>
      tpu.enqueue_dma source(%dma_start3A_27 : memref<800xi32, #tpu.memory_space<hbm>>) target(%arg13 : memref<800xi32, #tpu.memory_space<vmem>>) target_semaphore(%run_scoped3A : memref<!tpu.dma_semaphore, #tpu.memory_space<semaphore_mem>>)
      %dma_wait3A = tpu.memref_slice %arg3[%mul3A_16] : memref<6400000xi32, #tpu.memory_space<hbm>> -> memref<800xi32, #tpu.memory_space<hbm>>
      %dma_wait3A_28 = tpu.memref_slice %arg3[%mul3A_16] : memref<6400000xi32, #tpu.memory_space<hbm>> -> memref<800xi32, #tpu.memory_space<hbm>>
      tpu.wait_dma2 semaphore(%run_scoped3A : memref<!tpu.dma_semaphore, #tpu.memory_space<semaphore_mem>>) src(%dma_wait3A_28 : memref<800xi32, #tpu.memory_space<hbm>>) dst(%arg13 : memref<800xi32, #tpu.memory_space<vmem>>)
      tpu.yield
    }) : () -> ()
    "tpu.region"() ({
      %run_scoped3A = tpu.sem_alloc : memref<!tpu.dma_semaphore, #tpu.memory_space<semaphore_mem>>
      %dma_start3A_26 = tpu.memref_slice %arg4[%mul3A_16] : memref<6400000xi32, #tpu.memory_space<hbm>> -> memref<800xi32, #tpu.memory_space<hbm>>
      %dma_start3A_27 = tpu.memref_slice %arg4[%mul3A_16] : memref<6400000xi32, #tpu.memory_space<hbm>> -> memref<800xi32, #tpu.memory_space<hbm>>
      tpu.enqueue_dma source(%dma_start3A_27 : memref<800xi32, #tpu.memory_space<hbm>>) target(%arg11 : memref<800xi32, #tpu.memory_space<vmem>>) target_semaphore(%run_scoped3A : memref<!tpu.dma_semaphore, #tpu.memory_space<semaphore_mem>>)
      %dma_wait3A = tpu.memref_slice %arg4[%mul3A_16] : memref<6400000xi32, #tpu.memory_space<hbm>> -> memref<800xi32, #tpu.memory_space<hbm>>
      %dma_wait3A_28 = tpu.memref_slice %arg4[%mul3A_16] : memref<6400000xi32, #tpu.memory_space<hbm>> -> memref<800xi32, #tpu.memory_space<hbm>>
      tpu.wait_dma2 semaphore(%run_scoped3A : memref<!tpu.dma_semaphore, #tpu.memory_space<semaphore_mem>>) src(%dma_wait3A_28 : memref<800xi32, #tpu.memory_space<hbm>>) dst(%arg11 : memref<800xi32, #tpu.memory_space<vmem>>)
      tpu.yield
    }) : () -> ()
    %scan3A = arith.constant 0 : i32
    %scan3A_17 = arith.constant 0 : i32
    %scan3A_18 = arith.constant 126 : i32
    %scan3A_19 = arith.addi %scan3A_17, %scan3A_18 : i32
    %scan3A_20 = arith.constant 1 : i32
    %scan3A_21 = scf.for %scan3A_26 = %scan3A_17 to %scan3A_19 step %scan3A_20 iter_args(%scan3A_27 = %scan3A) -> (i32)  : i32 {
      %mul3A_28 = arith.constant 2 : i32
      %mul3A_29 = arith.muli %mul3A_28, %scan3A_26 : i32
      %lt3A = arith.constant 250 : i32
      %lt3A_30 = arith.cmpi slt, %mul3A_29, %lt3A : i32
      %convert_element_type3A = arith.extui %lt3A_30 : i1 to i32
      %cond3A = arith.constant 0 : i32
      %cond3A_31 = arith.cmpi ne, %convert_element_type3A, %cond3A : i32
      scf.if %cond3A_31 {
        %dma_wait3A = arith.constant 0 : i32
        %dma_wait3A_76 = arith.constant 0 : i32
        %dma_wait3A_77 = tpu.memref_slice %arg2[%dma_wait3A, %dma_wait3A_76] : memref<100000x16xf32, #tpu.memory_space<hbm>> -> memref<100000x16xf32, #tpu.memory_space<hbm>>
        tpu.wait_indirect_dma semaphore(%arg8 : memref<!tpu.dma_semaphore, #tpu.memory_space<semaphore_mem>>) src(%dma_wait3A_77 : memref<100000x16xf32, #tpu.memory_space<hbm>>) dst(%arg14 : memref<800x16xf32, #tpu.memory_space<vmem>>)
      } else {
      }
      %add3A_32 = arith.constant 1 : i32
      %add3A_33 = arith.addi %mul3A_29, %add3A_32 : i32
      %lt3A_34 = arith.constant 250 : i32
      %lt3A_35 = arith.cmpi slt, %add3A_33, %lt3A_34 : i32
      %convert_element_type3A_36 = arith.extui %lt3A_35 : i1 to i32
      %cond3A_37 = arith.constant 0 : i32
      %cond3A_38 = arith.cmpi ne, %convert_element_type3A_36, %cond3A_37 : i32
      scf.if %cond3A_38 {
        %dma_start3A_76 = arith.constant 0 : i32
        %dma_start3A_77 = arith.constant 0 : i32
        %dma_start3A_78 = tpu.memref_slice %arg2[%dma_start3A_76, %dma_start3A_77] : memref<100000x16xf32, #tpu.memory_space<hbm>> -> memref<100000x16xf32, #tpu.memory_space<hbm>>
        tpu.enqueue_indirect_dma source(%dma_start3A_78 : memref<100000x16xf32, #tpu.memory_space<hbm>>) target(%arg15 : memref<800x16xf32, #tpu.memory_space<vmem>>) offsets(%arg13 : memref<800xi32, #tpu.memory_space<vmem>>) semaphore(%arg9 : memref<!tpu.dma_semaphore, #tpu.memory_space<semaphore_mem>>)
      } else {
      }
      %convert_element_type3A_39 = arith.extui %lt3A_30 : i1 to i32
      %cond3A_40 = arith.constant 0 : i32
      %cond3A_41 = arith.cmpi ne, %convert_element_type3A_39, %cond3A_40 : i32
      scf.if %cond3A_41 {
        "tpu.region"() ({
          %run_scoped3A = tpu.sem_alloc : memref<!tpu.dma_semaphore, #tpu.memory_space<semaphore_mem>>
          %dma_start3A_76 = arith.constant 0 : i32
          %dma_start3A_77 = arith.constant 0 : i32
          %dma_start3A_78 = tpu.memref_slice %arg7[%dma_start3A_76, %dma_start3A_77] : memref<100096x16xf32, #tpu.memory_space<vmem_shared>> -> memref<100096x16xf32, #tpu.memory_space<vmem_shared>>
          tpu.enqueue_indirect_dma source(%arg14 : memref<800x16xf32, #tpu.memory_space<vmem>>) target(%dma_start3A_78 : memref<100096x16xf32, #tpu.memory_space<vmem_shared>>) offsets(%arg10 : memref<800xi32, #tpu.memory_space<vmem>>) semaphore(%run_scoped3A : memref<!tpu.dma_semaphore, #tpu.memory_space<semaphore_mem>>) {add = true}
          %dma_wait3A = arith.constant 0 : i32
          %dma_wait3A_79 = arith.constant 0 : i32
          %dma_wait3A_80 = tpu.memref_slice %arg7[%dma_wait3A, %dma_wait3A_79] : memref<100096x16xf32, #tpu.memory_space<vmem_shared>> -> memref<100096x16xf32, #tpu.memory_space<vmem_shared>>
          tpu.wait_indirect_dma semaphore(%run_scoped3A : memref<!tpu.dma_semaphore, #tpu.memory_space<semaphore_mem>>) src(%arg14 : memref<800x16xf32, #tpu.memory_space<vmem>>) dst(%dma_wait3A_80 : memref<100096x16xf32, #tpu.memory_space<vmem_shared>>)
          tpu.yield
        }) : () -> ()
      } else {
      }
      %add3A_42 = arith.constant 2 : i32
      %add3A_43 = arith.addi %mul3A_29, %add3A_42 : i32
      %lt3A_44 = arith.constant 250 : i32
      %lt3A_45 = arith.cmpi slt, %add3A_43, %lt3A_44 : i32
      %convert_element_type3A_46 = arith.extui %lt3A_45 : i1 to i32
      %cond3A_47 = arith.constant 0 : i32
      %cond3A_48 = arith.cmpi ne, %convert_element_type3A_46, %cond3A_47 : i32
      scf.if %cond3A_48 {
        %add3A_76 = arith.constant 2 : i32
        %add3A_77 = arith.addi %mul3A_29, %add3A_76 : i32
        %add3A_78 = arith.addi %add3A_6, %add3A_77 : i32
        %mul3A_79 = arith.constant 800 : i32
        %mul3A_80 = arith.muli %add3A_78, %mul3A_79 : i32
        "tpu.region"() ({
          %run_scoped3A = tpu.sem_alloc : memref<!tpu.dma_semaphore, #tpu.memory_space<semaphore_mem>>
          %dma_start3A_81 = tpu.memref_slice %arg3[%mul3A_80] : memref<6400000xi32, #tpu.memory_space<hbm>> -> memref<800xi32, #tpu.memory_space<hbm>>
          %dma_start3A_82 = tpu.memref_slice %arg3[%mul3A_80] : memref<6400000xi32, #tpu.memory_space<hbm>> -> memref<800xi32, #tpu.memory_space<hbm>>
          tpu.enqueue_dma source(%dma_start3A_82 : memref<800xi32, #tpu.memory_space<hbm>>) target(%arg12 : memref<800xi32, #tpu.memory_space<vmem>>) target_semaphore(%run_scoped3A : memref<!tpu.dma_semaphore, #tpu.memory_space<semaphore_mem>>)
          %dma_wait3A = tpu.memref_slice %arg3[%mul3A_80] : memref<6400000xi32, #tpu.memory_space<hbm>> -> memref<800xi32, #tpu.memory_space<hbm>>
          %dma_wait3A_83 = tpu.memref_slice %arg3[%mul3A_80] : memref<6400000xi32, #tpu.memory_space<hbm>> -> memref<800xi32, #tpu.memory_space<hbm>>
          tpu.wait_dma2 semaphore(%run_scoped3A : memref<!tpu.dma_semaphore, #tpu.memory_space<semaphore_mem>>) src(%dma_wait3A_83 : memref<800xi32, #tpu.memory_space<hbm>>) dst(%arg12 : memref<800xi32, #tpu.memory_space<vmem>>)
          tpu.yield
        }) : () -> ()
        "tpu.region"() ({
          %run_scoped3A = tpu.sem_alloc : memref<!tpu.dma_semaphore, #tpu.memory_space<semaphore_mem>>
          %dma_start3A_81 = tpu.memref_slice %arg4[%mul3A_80] : memref<6400000xi32, #tpu.memory_space<hbm>> -> memref<800xi32, #tpu.memory_space<hbm>>
          %dma_start3A_82 = tpu.memref_slice %arg4[%mul3A_80] : memref<6400000xi32, #tpu.memory_space<hbm>> -> memref<800xi32, #tpu.memory_space<hbm>>
          tpu.enqueue_dma source(%dma_start3A_82 : memref<800xi32, #tpu.memory_space<hbm>>) target(%arg10 : memref<800xi32, #tpu.memory_space<vmem>>) target_semaphore(%run_scoped3A : memref<!tpu.dma_semaphore, #tpu.memory_space<semaphore_mem>>)
          %dma_wait3A = tpu.memref_slice %arg4[%mul3A_80] : memref<6400000xi32, #tpu.memory_space<hbm>> -> memref<800xi32, #tpu.memory_space<hbm>>
          %dma_wait3A_83 = tpu.memref_slice %arg4[%mul3A_80] : memref<6400000xi32, #tpu.memory_space<hbm>> -> memref<800xi32, #tpu.memory_space<hbm>>
          tpu.wait_dma2 semaphore(%run_scoped3A : memref<!tpu.dma_semaphore, #tpu.memory_space<semaphore_mem>>) src(%dma_wait3A_83 : memref<800xi32, #tpu.memory_space<hbm>>) dst(%arg10 : memref<800xi32, #tpu.memory_space<vmem>>)
          tpu.yield
        }) : () -> ()
      } else {
      }
      %mul3A_49 = arith.constant 2 : i32
      %mul3A_50 = arith.muli %mul3A_49, %scan3A_26 : i32
      %add3A_51 = arith.constant 1 : i32
      %add3A_52 = arith.addi %mul3A_50, %add3A_51 : i32
      %lt3A_53 = arith.constant 250 : i32
      %lt3A_54 = arith.cmpi slt, %add3A_52, %lt3A_53 : i32
      %convert_element_type3A_55 = arith.extui %lt3A_54 : i1 to i32
      %cond3A_56 = arith.constant 0 : i32
      %cond3A_57 = arith.cmpi ne, %convert_element_type3A_55, %cond3A_56 : i32
      scf.if %cond3A_57 {
        %dma_wait3A = arith.constant 0 : i32
        %dma_wait3A_76 = arith.constant 0 : i32
        %dma_wait3A_77 = tpu.memref_slice %arg2[%dma_wait3A, %dma_wait3A_76] : memref<100000x16xf32, #tpu.memory_space<hbm>> -> memref<100000x16xf32, #tpu.memory_space<hbm>>
        tpu.wait_indirect_dma semaphore(%arg9 : memref<!tpu.dma_semaphore, #tpu.memory_space<semaphore_mem>>) src(%dma_wait3A_77 : memref<100000x16xf32, #tpu.memory_space<hbm>>) dst(%arg15 : memref<800x16xf32, #tpu.memory_space<vmem>>)
      } else {
      }
      %add3A_58 = arith.constant 1 : i32
      %add3A_59 = arith.addi %add3A_52, %add3A_58 : i32
      %lt3A_60 = arith.constant 250 : i32
      %lt3A_61 = arith.cmpi slt, %add3A_59, %lt3A_60 : i32
      %convert_element_type3A_62 = arith.extui %lt3A_61 : i1 to i32
      %cond3A_63 = arith.constant 0 : i32
      %cond3A_64 = arith.cmpi ne, %convert_element_type3A_62, %cond3A_63 : i32
      scf.if %cond3A_64 {
        %dma_start3A_76 = arith.constant 0 : i32
        %dma_start3A_77 = arith.constant 0 : i32
        %dma_start3A_78 = tpu.memref_slice %arg2[%dma_start3A_76, %dma_start3A_77] : memref<100000x16xf32, #tpu.memory_space<hbm>> -> memref<100000x16xf32, #tpu.memory_space<hbm>>
        tpu.enqueue_indirect_dma source(%dma_start3A_78 : memref<100000x16xf32, #tpu.memory_space<hbm>>) target(%arg14 : memref<800x16xf32, #tpu.memory_space<vmem>>) offsets(%arg12 : memref<800xi32, #tpu.memory_space<vmem>>) semaphore(%arg8 : memref<!tpu.dma_semaphore, #tpu.memory_space<semaphore_mem>>)
      } else {
      }
      %convert_element_type3A_65 = arith.extui %lt3A_54 : i1 to i32
      %cond3A_66 = arith.constant 0 : i32
      %cond3A_67 = arith.cmpi ne, %convert_element_type3A_65, %cond3A_66 : i32
      scf.if %cond3A_67 {
        "tpu.region"() ({
          %run_scoped3A = tpu.sem_alloc : memref<!tpu.dma_semaphore, #tpu.memory_space<semaphore_mem>>
          %dma_start3A_76 = arith.constant 0 : i32
          %dma_start3A_77 = arith.constant 0 : i32
          %dma_start3A_78 = tpu.memref_slice %arg7[%dma_start3A_76, %dma_start3A_77] : memref<100096x16xf32, #tpu.memory_space<vmem_shared>> -> memref<100096x16xf32, #tpu.memory_space<vmem_shared>>
          tpu.enqueue_indirect_dma source(%arg15 : memref<800x16xf32, #tpu.memory_space<vmem>>) target(%dma_start3A_78 : memref<100096x16xf32, #tpu.memory_space<vmem_shared>>) offsets(%arg11 : memref<800xi32, #tpu.memory_space<vmem>>) semaphore(%run_scoped3A : memref<!tpu.dma_semaphore, #tpu.memory_space<semaphore_mem>>) {add = true}
          %dma_wait3A = arith.constant 0 : i32
          %dma_wait3A_79 = arith.constant 0 : i32
          %dma_wait3A_80 = tpu.memref_slice %arg7[%dma_wait3A, %dma_wait3A_79] : memref<100096x16xf32, #tpu.memory_space<vmem_shared>> -> memref<100096x16xf32, #tpu.memory_space<vmem_shared>>
          tpu.wait_indirect_dma semaphore(%run_scoped3A : memref<!tpu.dma_semaphore, #tpu.memory_space<semaphore_mem>>) src(%arg15 : memref<800x16xf32, #tpu.memory_space<vmem>>) dst(%dma_wait3A_80 : memref<100096x16xf32, #tpu.memory_space<vmem_shared>>)
          tpu.yield
        }) : () -> ()
      } else {
      }
      %add3A_68 = arith.constant 2 : i32
      %add3A_69 = arith.addi %add3A_52, %add3A_68 : i32
      %lt3A_70 = arith.constant 250 : i32
      %lt3A_71 = arith.cmpi slt, %add3A_69, %lt3A_70 : i32
      %convert_element_type3A_72 = arith.extui %lt3A_71 : i1 to i32
      %cond3A_73 = arith.constant 0 : i32
      %cond3A_74 = arith.cmpi ne, %convert_element_type3A_72, %cond3A_73 : i32
      scf.if %cond3A_74 {
        %add3A_76 = arith.constant 2 : i32
        %add3A_77 = arith.addi %add3A_52, %add3A_76 : i32
        %add3A_78 = arith.addi %add3A_6, %add3A_77 : i32
        %mul3A_79 = arith.constant 800 : i32
        %mul3A_80 = arith.muli %add3A_78, %mul3A_79 : i32
        "tpu.region"() ({
          %run_scoped3A = tpu.sem_alloc : memref<!tpu.dma_semaphore, #tpu.memory_space<semaphore_mem>>
          %dma_start3A_81 = tpu.memref_slice %arg3[%mul3A_80] : memref<6400000xi32, #tpu.memory_space<hbm>> -> memref<800xi32, #tpu.memory_space<hbm>>
          %dma_start3A_82 = tpu.memref_slice %arg3[%mul3A_80] : memref<6400000xi32, #tpu.memory_space<hbm>> -> memref<800xi32, #tpu.memory_space<hbm>>
          tpu.enqueue_dma source(%dma_start3A_82 : memref<800xi32, #tpu.memory_space<hbm>>) target(%arg13 : memref<800xi32, #tpu.memory_space<vmem>>) target_semaphore(%run_scoped3A : memref<!tpu.dma_semaphore, #tpu.memory_space<semaphore_mem>>)
          %dma_wait3A = tpu.memref_slice %arg3[%mul3A_80] : memref<6400000xi32, #tpu.memory_space<hbm>> -> memref<800xi32, #tpu.memory_space<hbm>>
          %dma_wait3A_83 = tpu.memref_slice %arg3[%mul3A_80] : memref<6400000xi32, #tpu.memory_space<hbm>> -> memref<800xi32, #tpu.memory_space<hbm>>
          tpu.wait_dma2 semaphore(%run_scoped3A : memref<!tpu.dma_semaphore, #tpu.memory_space<semaphore_mem>>) src(%dma_wait3A_83 : memref<800xi32, #tpu.memory_space<hbm>>) dst(%arg13 : memref<800xi32, #tpu.memory_space<vmem>>)
          tpu.yield
        }) : () -> ()
        "tpu.region"() ({
          %run_scoped3A = tpu.sem_alloc : memref<!tpu.dma_semaphore, #tpu.memory_space<semaphore_mem>>
          %dma_start3A_81 = tpu.memref_slice %arg4[%mul3A_80] : memref<6400000xi32, #tpu.memory_space<hbm>> -> memref<800xi32, #tpu.memory_space<hbm>>
          %dma_start3A_82 = tpu.memref_slice %arg4[%mul3A_80] : memref<6400000xi32, #tpu.memory_space<hbm>> -> memref<800xi32, #tpu.memory_space<hbm>>
          tpu.enqueue_dma source(%dma_start3A_82 : memref<800xi32, #tpu.memory_space<hbm>>) target(%arg11 : memref<800xi32, #tpu.memory_space<vmem>>) target_semaphore(%run_scoped3A : memref<!tpu.dma_semaphore, #tpu.memory_space<semaphore_mem>>)
          %dma_wait3A = tpu.memref_slice %arg4[%mul3A_80] : memref<6400000xi32, #tpu.memory_space<hbm>> -> memref<800xi32, #tpu.memory_space<hbm>>
          %dma_wait3A_83 = tpu.memref_slice %arg4[%mul3A_80] : memref<6400000xi32, #tpu.memory_space<hbm>> -> memref<800xi32, #tpu.memory_space<hbm>>
          tpu.wait_dma2 semaphore(%run_scoped3A : memref<!tpu.dma_semaphore, #tpu.memory_space<semaphore_mem>>) src(%dma_wait3A_83 : memref<800xi32, #tpu.memory_space<hbm>>) dst(%arg11 : memref<800xi32, #tpu.memory_space<vmem>>)
          tpu.yield
        }) : () -> ()
      } else {
      }
      %scan3A_75 = arith.constant 0 : i32
      scf.yield %scan3A_75 : i32
    }
    %scan3A_22 = arith.constant 126 : i32
    %barrier3A_23 = arith.constant 0 : index
    tpu.barrier barrier_id(%barrier3A_23)
    %mul3A_24 = arith.constant 6256 : i32
    %mul3A_25 = arith.muli %arg1, %mul3A_24 : i32
    "tpu.region"() ({
      %run_scoped3A = tpu.sem_alloc : memref<!tpu.dma_semaphore, #tpu.memory_space<semaphore_mem>>
      %dma_start3A_26 = arith.constant 0 : i32
      %dma_start3A_27 = tpu.memref_slice %arg6[%arg0, %mul3A_25, %dma_start3A_26] : memref<2x100096x16xf32, #tpu.memory_space<hbm>> -> memref<1x6256x16xf32, #tpu.memory_space<hbm>>
      %dma_start3A_28 = tpu.memref_squeeze %dma_start3A_27 : memref<1x6256x16xf32, #tpu.memory_space<hbm>> -> memref<6256x16xf32, #tpu.memory_space<hbm>>
      %dma_start3A_29 = arith.constant 0 : i32
      %dma_start3A_30 = tpu.memref_slice %arg7[%mul3A_25, %dma_start3A_29] : memref<100096x16xf32, #tpu.memory_space<vmem_shared>> -> memref<6256x16xf32, #tpu.memory_space<vmem_shared>>
      tpu.enqueue_dma source(%dma_start3A_30 : memref<6256x16xf32, #tpu.memory_space<vmem_shared>>) target(%dma_start3A_28 : memref<6256x16xf32, #tpu.memory_space<hbm>>) target_semaphore(%run_scoped3A : memref<!tpu.dma_semaphore, #tpu.memory_space<semaphore_mem>>)
      %dma_wait3A = arith.constant 0 : i32
      %dma_wait3A_31 = tpu.memref_slice %arg6[%arg0, %mul3A_25, %dma_wait3A] : memref<2x100096x16xf32, #tpu.memory_space<hbm>> -> memref<1x6256x16xf32, #tpu.memory_space<hbm>>
      %dma_wait3A_32 = tpu.memref_squeeze %dma_wait3A_31 : memref<1x6256x16xf32, #tpu.memory_space<hbm>> -> memref<6256x16xf32, #tpu.memory_space<hbm>>
      %dma_wait3A_33 = arith.constant 0 : i32
      %dma_wait3A_34 = tpu.memref_slice %arg7[%mul3A_25, %dma_wait3A_33] : memref<100096x16xf32, #tpu.memory_space<vmem_shared>> -> memref<6256x16xf32, #tpu.memory_space<vmem_shared>>
      tpu.wait_dma2 semaphore(%run_scoped3A : memref<!tpu.dma_semaphore, #tpu.memory_space<semaphore_mem>>) src(%dma_wait3A_34 : memref<6256x16xf32, #tpu.memory_space<vmem_shared>>) dst(%dma_wait3A_32 : memref<6256x16xf32, #tpu.memory_space<hbm>>)
      tpu.yield
    }) : () -> ()
    return
  }
}

#map = affine_map<(d0, d1) -> (0, 0, 0)>
#map1 = affine_map<(d0, d1) -> (0)>
#map2 = affine_map<(d0, d1) -> (0, 0)>
module attributes {stable_mosaic.version = 14 : i64} {
  func.func @body(%arg0: i32, %arg1: i32, %arg2: memref<2x100000x16xf32, #tpu.memory_space<hbm>>, %arg3: memref<6400000xi32, #tpu.memory_space<hbm>>, %arg4: memref<6400000xi32, #tpu.memory_space<hbm>>, %arg5: memref<6256x16xf32, #tpu.memory_space<hbm>>, %arg6: memref<2x100096x16xf32, #tpu.memory_space<hbm>>, %arg7: memref<100096x16xf32, #tpu.memory_space<vmem_shared>>, %arg8: memref<!tpu.dma_semaphore, #tpu.memory_space<semaphore_mem>>, %arg9: memref<!tpu.dma_semaphore, #tpu.memory_space<semaphore_mem>>, %arg10: memref<800xi32, #tpu.memory_space<vmem>>, %arg11: memref<800xi32, #tpu.memory_space<vmem>>, %arg12: memref<800xi32, #tpu.memory_space<vmem>>, %arg13: memref<800xi32, #tpu.memory_space<vmem>>, %arg14: memref<800x16xf32, #tpu.memory_space<vmem>>, %arg15: memref<800x16xf32, #tpu.memory_space<vmem>>) attributes {dimension_semantics = [#tpu.dimension_semantics<core_parallel>, #tpu.dimension_semantics<subcore_parallel>], iteration_bounds = array<i64: 2, 16>, scalar_prefetch = 0 : i64, scratch_operands = 9 : i64, tpu.core_type = #tpu.core_type<sc_vector_subcore>, window_params = [{transform_indices = #map}, {transform_indices = #map1}, {transform_indices = #map1}, {transform_indices = #map2}, {transform_indices = #map}]} {
    %mul3A = arith.constant 6256 : i32
    %mul3A_0 = arith.muli %arg1, %mul3A : i32
    "tpu.region"() ({
      %run_scoped3A = tpu.sem_alloc : memref<!tpu.dma_semaphore, #tpu.memory_space<semaphore_mem>>
      %dma_start3A_27 = arith.constant 0 : i32
      %dma_start3A_28 = tpu.memref_slice %arg7[%mul3A_0, %dma_start3A_27] : memref<100096x16xf32, #tpu.memory_space<vmem_shared>> -> memref<6256x16xf32, #tpu.memory_space<vmem_shared>>
      tpu.enqueue_dma source(%arg5 : memref<6256x16xf32, #tpu.memory_space<hbm>>) target(%dma_start3A_28 : memref<6256x16xf32, #tpu.memory_space<vmem_shared>>) target_semaphore(%run_scoped3A : memref<!tpu.dma_semaphore, #tpu.memory_space<semaphore_mem>>)
      %dma_wait3A = arith.constant 0 : i32
      %dma_wait3A_29 = tpu.memref_slice %arg7[%mul3A_0, %dma_wait3A] : memref<100096x16xf32, #tpu.memory_space<vmem_shared>> -> memref<6256x16xf32, #tpu.memory_space<vmem_shared>>
      tpu.wait_dma2 semaphore(%run_scoped3A : memref<!tpu.dma_semaphore, #tpu.memory_space<semaphore_mem>>) src(%arg5 : memref<6256x16xf32, #tpu.memory_space<hbm>>) dst(%dma_wait3A_29 : memref<6256x16xf32, #tpu.memory_space<vmem_shared>>)
      tpu.yield
    }) : () -> ()
    %barrier3A = arith.constant 0 : index
    tpu.barrier barrier_id(%barrier3A)
    %mul3A_1 = arith.constant 500 : i32
    %mul3A_2 = arith.muli %arg1, %mul3A_1 : i32
    %add3A = arith.constant 0 : i32
    %add3A_3 = arith.addi %mul3A_2, %add3A : i32
    %add3A_4 = arith.constant 0 : i32
    %add3A_5 = arith.addi %add3A_3, %add3A_4 : i32
    %mul3A_6 = arith.constant 800 : i32
    %mul3A_7 = arith.muli %add3A_5, %mul3A_6 : i32
    "tpu.region"() ({
      %run_scoped3A = tpu.sem_alloc : memref<!tpu.dma_semaphore, #tpu.memory_space<semaphore_mem>>
      %dma_start3A_27 = tpu.memref_slice %arg3[%mul3A_7] : memref<6400000xi32, #tpu.memory_space<hbm>> -> memref<800xi32, #tpu.memory_space<hbm>>
      %dma_start3A_28 = tpu.memref_slice %arg3[%mul3A_7] : memref<6400000xi32, #tpu.memory_space<hbm>> -> memref<800xi32, #tpu.memory_space<hbm>>
      tpu.enqueue_dma source(%dma_start3A_28 : memref<800xi32, #tpu.memory_space<hbm>>) target(%arg12 : memref<800xi32, #tpu.memory_space<vmem>>) target_semaphore(%run_scoped3A : memref<!tpu.dma_semaphore, #tpu.memory_space<semaphore_mem>>)
      %dma_wait3A = tpu.memref_slice %arg3[%mul3A_7] : memref<6400000xi32, #tpu.memory_space<hbm>> -> memref<800xi32, #tpu.memory_space<hbm>>
      %dma_wait3A_29 = tpu.memref_slice %arg3[%mul3A_7] : memref<6400000xi32, #tpu.memory_space<hbm>> -> memref<800xi32, #tpu.memory_space<hbm>>
      tpu.wait_dma2 semaphore(%run_scoped3A : memref<!tpu.dma_semaphore, #tpu.memory_space<semaphore_mem>>) src(%dma_wait3A_29 : memref<800xi32, #tpu.memory_space<hbm>>) dst(%arg12 : memref<800xi32, #tpu.memory_space<vmem>>)
      tpu.yield
    }) : () -> ()
    "tpu.region"() ({
      %run_scoped3A = tpu.sem_alloc : memref<!tpu.dma_semaphore, #tpu.memory_space<semaphore_mem>>
      %dma_start3A_27 = tpu.memref_slice %arg4[%mul3A_7] : memref<6400000xi32, #tpu.memory_space<hbm>> -> memref<800xi32, #tpu.memory_space<hbm>>
      %dma_start3A_28 = tpu.memref_slice %arg4[%mul3A_7] : memref<6400000xi32, #tpu.memory_space<hbm>> -> memref<800xi32, #tpu.memory_space<hbm>>
      tpu.enqueue_dma source(%dma_start3A_28 : memref<800xi32, #tpu.memory_space<hbm>>) target(%arg10 : memref<800xi32, #tpu.memory_space<vmem>>) target_semaphore(%run_scoped3A : memref<!tpu.dma_semaphore, #tpu.memory_space<semaphore_mem>>)
      %dma_wait3A = tpu.memref_slice %arg4[%mul3A_7] : memref<6400000xi32, #tpu.memory_space<hbm>> -> memref<800xi32, #tpu.memory_space<hbm>>
      %dma_wait3A_29 = tpu.memref_slice %arg4[%mul3A_7] : memref<6400000xi32, #tpu.memory_space<hbm>> -> memref<800xi32, #tpu.memory_space<hbm>>
      tpu.wait_dma2 semaphore(%run_scoped3A : memref<!tpu.dma_semaphore, #tpu.memory_space<semaphore_mem>>) src(%dma_wait3A_29 : memref<800xi32, #tpu.memory_space<hbm>>) dst(%arg10 : memref<800xi32, #tpu.memory_space<vmem>>)
      tpu.yield
    }) : () -> ()
    %dma_start3A = arith.constant 0 : i32
    %dma_start3A_8 = arith.constant 0 : i32
    %dma_start3A_9 = tpu.memref_slice %arg2[%arg0, %dma_start3A, %dma_start3A_8] : memref<2x100000x16xf32, #tpu.memory_space<hbm>> -> memref<1x100000x16xf32, #tpu.memory_space<hbm>>
    %dma_start3A_10 = tpu.memref_squeeze %dma_start3A_9 : memref<1x100000x16xf32, #tpu.memory_space<hbm>> -> memref<100000x16xf32, #tpu.memory_space<hbm>>
    %dma_start3A_11 = arith.constant 0 : i32
    %dma_start3A_12 = arith.constant 0 : i32
    %dma_start3A_13 = tpu.memref_slice %dma_start3A_10[%dma_start3A_11, %dma_start3A_12] : memref<100000x16xf32, #tpu.memory_space<hbm>> -> memref<100000x16xf32, #tpu.memory_space<hbm>>
    tpu.enqueue_indirect_dma source(%dma_start3A_13 : memref<100000x16xf32, #tpu.memory_space<hbm>>) target(%arg14 : memref<800x16xf32, #tpu.memory_space<vmem>>) offsets(%arg12 : memref<800xi32, #tpu.memory_space<vmem>>) semaphore(%arg8 : memref<!tpu.dma_semaphore, #tpu.memory_space<semaphore_mem>>)
    %add3A_14 = arith.constant 1 : i32
    %add3A_15 = arith.addi %add3A_3, %add3A_14 : i32
    %mul3A_16 = arith.constant 800 : i32
    %mul3A_17 = arith.muli %add3A_15, %mul3A_16 : i32
    "tpu.region"() ({
      %run_scoped3A = tpu.sem_alloc : memref<!tpu.dma_semaphore, #tpu.memory_space<semaphore_mem>>
      %dma_start3A_27 = tpu.memref_slice %arg3[%mul3A_17] : memref<6400000xi32, #tpu.memory_space<hbm>> -> memref<800xi32, #tpu.memory_space<hbm>>
      %dma_start3A_28 = tpu.memref_slice %arg3[%mul3A_17] : memref<6400000xi32, #tpu.memory_space<hbm>> -> memref<800xi32, #tpu.memory_space<hbm>>
      tpu.enqueue_dma source(%dma_start3A_28 : memref<800xi32, #tpu.memory_space<hbm>>) target(%arg13 : memref<800xi32, #tpu.memory_space<vmem>>) target_semaphore(%run_scoped3A : memref<!tpu.dma_semaphore, #tpu.memory_space<semaphore_mem>>)
      %dma_wait3A = tpu.memref_slice %arg3[%mul3A_17] : memref<6400000xi32, #tpu.memory_space<hbm>> -> memref<800xi32, #tpu.memory_space<hbm>>
      %dma_wait3A_29 = tpu.memref_slice %arg3[%mul3A_17] : memref<6400000xi32, #tpu.memory_space<hbm>> -> memref<800xi32, #tpu.memory_space<hbm>>
      tpu.wait_dma2 semaphore(%run_scoped3A : memref<!tpu.dma_semaphore, #tpu.memory_space<semaphore_mem>>) src(%dma_wait3A_29 : memref<800xi32, #tpu.memory_space<hbm>>) dst(%arg13 : memref<800xi32, #tpu.memory_space<vmem>>)
      tpu.yield
    }) : () -> ()
    "tpu.region"() ({
      %run_scoped3A = tpu.sem_alloc : memref<!tpu.dma_semaphore, #tpu.memory_space<semaphore_mem>>
      %dma_start3A_27 = tpu.memref_slice %arg4[%mul3A_17] : memref<6400000xi32, #tpu.memory_space<hbm>> -> memref<800xi32, #tpu.memory_space<hbm>>
      %dma_start3A_28 = tpu.memref_slice %arg4[%mul3A_17] : memref<6400000xi32, #tpu.memory_space<hbm>> -> memref<800xi32, #tpu.memory_space<hbm>>
      tpu.enqueue_dma source(%dma_start3A_28 : memref<800xi32, #tpu.memory_space<hbm>>) target(%arg11 : memref<800xi32, #tpu.memory_space<vmem>>) target_semaphore(%run_scoped3A : memref<!tpu.dma_semaphore, #tpu.memory_space<semaphore_mem>>)
      %dma_wait3A = tpu.memref_slice %arg4[%mul3A_17] : memref<6400000xi32, #tpu.memory_space<hbm>> -> memref<800xi32, #tpu.memory_space<hbm>>
      %dma_wait3A_29 = tpu.memref_slice %arg4[%mul3A_17] : memref<6400000xi32, #tpu.memory_space<hbm>> -> memref<800xi32, #tpu.memory_space<hbm>>
      tpu.wait_dma2 semaphore(%run_scoped3A : memref<!tpu.dma_semaphore, #tpu.memory_space<semaphore_mem>>) src(%dma_wait3A_29 : memref<800xi32, #tpu.memory_space<hbm>>) dst(%arg11 : memref<800xi32, #tpu.memory_space<vmem>>)
      tpu.yield
    }) : () -> ()
    %scan3A = arith.constant 0 : i32
    %scan3A_18 = arith.constant 0 : i32
    %scan3A_19 = arith.constant 251 : i32
    %scan3A_20 = arith.addi %scan3A_18, %scan3A_19 : i32
    %scan3A_21 = arith.constant 1 : i32
    %scan3A_22 = scf.for %scan3A_27 = %scan3A_18 to %scan3A_20 step %scan3A_21 iter_args(%scan3A_28 = %scan3A) -> (i32)  : i32 {
      %mul3A_29 = arith.constant 2 : i32
      %mul3A_30 = arith.muli %mul3A_29, %scan3A_27 : i32
      %lt3A = arith.constant 500 : i32
      %lt3A_31 = arith.cmpi slt, %mul3A_30, %lt3A : i32
      %convert_element_type3A = arith.extui %lt3A_31 : i1 to i32
      %cond3A = arith.constant 0 : i32
      %cond3A_32 = arith.cmpi ne, %convert_element_type3A, %cond3A : i32
      scf.if %cond3A_32 {
        %dma_wait3A = arith.constant 0 : i32
        %dma_wait3A_77 = arith.constant 0 : i32
        %dma_wait3A_78 = tpu.memref_slice %arg2[%arg0, %dma_wait3A, %dma_wait3A_77] : memref<2x100000x16xf32, #tpu.memory_space<hbm>> -> memref<1x100000x16xf32, #tpu.memory_space<hbm>>
        %dma_wait3A_79 = tpu.memref_squeeze %dma_wait3A_78 : memref<1x100000x16xf32, #tpu.memory_space<hbm>> -> memref<100000x16xf32, #tpu.memory_space<hbm>>
        %dma_wait3A_80 = arith.constant 0 : i32
        %dma_wait3A_81 = arith.constant 0 : i32
        %dma_wait3A_82 = tpu.memref_slice %dma_wait3A_79[%dma_wait3A_80, %dma_wait3A_81] : memref<100000x16xf32, #tpu.memory_space<hbm>> -> memref<100000x16xf32, #tpu.memory_space<hbm>>
        tpu.wait_indirect_dma semaphore(%arg8 : memref<!tpu.dma_semaphore, #tpu.memory_space<semaphore_mem>>) src(%dma_wait3A_82 : memref<100000x16xf32, #tpu.memory_space<hbm>>) dst(%arg14 : memref<800x16xf32, #tpu.memory_space<vmem>>)
      } else {
      }
      %add3A_33 = arith.constant 1 : i32
      %add3A_34 = arith.addi %mul3A_30, %add3A_33 : i32
      %lt3A_35 = arith.constant 500 : i32
      %lt3A_36 = arith.cmpi slt, %add3A_34, %lt3A_35 : i32
      %convert_element_type3A_37 = arith.extui %lt3A_36 : i1 to i32
      %cond3A_38 = arith.constant 0 : i32
      %cond3A_39 = arith.cmpi ne, %convert_element_type3A_37, %cond3A_38 : i32
      scf.if %cond3A_39 {
        %dma_start3A_77 = arith.constant 0 : i32
        %dma_start3A_78 = arith.constant 0 : i32
        %dma_start3A_79 = tpu.memref_slice %arg2[%arg0, %dma_start3A_77, %dma_start3A_78] : memref<2x100000x16xf32, #tpu.memory_space<hbm>> -> memref<1x100000x16xf32, #tpu.memory_space<hbm>>
        %dma_start3A_80 = tpu.memref_squeeze %dma_start3A_79 : memref<1x100000x16xf32, #tpu.memory_space<hbm>> -> memref<100000x16xf32, #tpu.memory_space<hbm>>
        %dma_start3A_81 = arith.constant 0 : i32
        %dma_start3A_82 = arith.constant 0 : i32
        %dma_start3A_83 = tpu.memref_slice %dma_start3A_80[%dma_start3A_81, %dma_start3A_82] : memref<100000x16xf32, #tpu.memory_space<hbm>> -> memref<100000x16xf32, #tpu.memory_space<hbm>>
        tpu.enqueue_indirect_dma source(%dma_start3A_83 : memref<100000x16xf32, #tpu.memory_space<hbm>>) target(%arg15 : memref<800x16xf32, #tpu.memory_space<vmem>>) offsets(%arg13 : memref<800xi32, #tpu.memory_space<vmem>>) semaphore(%arg9 : memref<!tpu.dma_semaphore, #tpu.memory_space<semaphore_mem>>)
      } else {
      }
      %convert_element_type3A_40 = arith.extui %lt3A_31 : i1 to i32
      %cond3A_41 = arith.constant 0 : i32
      %cond3A_42 = arith.cmpi ne, %convert_element_type3A_40, %cond3A_41 : i32
      scf.if %cond3A_42 {
        "tpu.region"() ({
          %run_scoped3A = tpu.sem_alloc : memref<!tpu.dma_semaphore, #tpu.memory_space<semaphore_mem>>
          %dma_start3A_77 = arith.constant 0 : i32
          %dma_start3A_78 = arith.constant 0 : i32
          %dma_start3A_79 = tpu.memref_slice %arg7[%dma_start3A_77, %dma_start3A_78] : memref<100096x16xf32, #tpu.memory_space<vmem_shared>> -> memref<100096x16xf32, #tpu.memory_space<vmem_shared>>
          tpu.enqueue_indirect_dma source(%arg14 : memref<800x16xf32, #tpu.memory_space<vmem>>) target(%dma_start3A_79 : memref<100096x16xf32, #tpu.memory_space<vmem_shared>>) offsets(%arg10 : memref<800xi32, #tpu.memory_space<vmem>>) semaphore(%run_scoped3A : memref<!tpu.dma_semaphore, #tpu.memory_space<semaphore_mem>>) {add = true}
          %dma_wait3A = arith.constant 0 : i32
          %dma_wait3A_80 = arith.constant 0 : i32
          %dma_wait3A_81 = tpu.memref_slice %arg7[%dma_wait3A, %dma_wait3A_80] : memref<100096x16xf32, #tpu.memory_space<vmem_shared>> -> memref<100096x16xf32, #tpu.memory_space<vmem_shared>>
          tpu.wait_indirect_dma semaphore(%run_scoped3A : memref<!tpu.dma_semaphore, #tpu.memory_space<semaphore_mem>>) src(%arg14 : memref<800x16xf32, #tpu.memory_space<vmem>>) dst(%dma_wait3A_81 : memref<100096x16xf32, #tpu.memory_space<vmem_shared>>)
          tpu.yield
        }) : () -> ()
      } else {
      }
      %add3A_43 = arith.constant 2 : i32
      %add3A_44 = arith.addi %mul3A_30, %add3A_43 : i32
      %lt3A_45 = arith.constant 500 : i32
      %lt3A_46 = arith.cmpi slt, %add3A_44, %lt3A_45 : i32
      %convert_element_type3A_47 = arith.extui %lt3A_46 : i1 to i32
      %cond3A_48 = arith.constant 0 : i32
      %cond3A_49 = arith.cmpi ne, %convert_element_type3A_47, %cond3A_48 : i32
      scf.if %cond3A_49 {
        %add3A_77 = arith.constant 2 : i32
        %add3A_78 = arith.addi %mul3A_30, %add3A_77 : i32
        %add3A_79 = arith.addi %add3A_3, %add3A_78 : i32
        %mul3A_80 = arith.constant 800 : i32
        %mul3A_81 = arith.muli %add3A_79, %mul3A_80 : i32
        "tpu.region"() ({
          %run_scoped3A = tpu.sem_alloc : memref<!tpu.dma_semaphore, #tpu.memory_space<semaphore_mem>>
          %dma_start3A_82 = tpu.memref_slice %arg3[%mul3A_81] : memref<6400000xi32, #tpu.memory_space<hbm>> -> memref<800xi32, #tpu.memory_space<hbm>>
          %dma_start3A_83 = tpu.memref_slice %arg3[%mul3A_81] : memref<6400000xi32, #tpu.memory_space<hbm>> -> memref<800xi32, #tpu.memory_space<hbm>>
          tpu.enqueue_dma source(%dma_start3A_83 : memref<800xi32, #tpu.memory_space<hbm>>) target(%arg12 : memref<800xi32, #tpu.memory_space<vmem>>) target_semaphore(%run_scoped3A : memref<!tpu.dma_semaphore, #tpu.memory_space<semaphore_mem>>)
          %dma_wait3A = tpu.memref_slice %arg3[%mul3A_81] : memref<6400000xi32, #tpu.memory_space<hbm>> -> memref<800xi32, #tpu.memory_space<hbm>>
          %dma_wait3A_84 = tpu.memref_slice %arg3[%mul3A_81] : memref<6400000xi32, #tpu.memory_space<hbm>> -> memref<800xi32, #tpu.memory_space<hbm>>
          tpu.wait_dma2 semaphore(%run_scoped3A : memref<!tpu.dma_semaphore, #tpu.memory_space<semaphore_mem>>) src(%dma_wait3A_84 : memref<800xi32, #tpu.memory_space<hbm>>) dst(%arg12 : memref<800xi32, #tpu.memory_space<vmem>>)
          tpu.yield
        }) : () -> ()
        "tpu.region"() ({
          %run_scoped3A = tpu.sem_alloc : memref<!tpu.dma_semaphore, #tpu.memory_space<semaphore_mem>>
          %dma_start3A_82 = tpu.memref_slice %arg4[%mul3A_81] : memref<6400000xi32, #tpu.memory_space<hbm>> -> memref<800xi32, #tpu.memory_space<hbm>>
          %dma_start3A_83 = tpu.memref_slice %arg4[%mul3A_81] : memref<6400000xi32, #tpu.memory_space<hbm>> -> memref<800xi32, #tpu.memory_space<hbm>>
          tpu.enqueue_dma source(%dma_start3A_83 : memref<800xi32, #tpu.memory_space<hbm>>) target(%arg10 : memref<800xi32, #tpu.memory_space<vmem>>) target_semaphore(%run_scoped3A : memref<!tpu.dma_semaphore, #tpu.memory_space<semaphore_mem>>)
          %dma_wait3A = tpu.memref_slice %arg4[%mul3A_81] : memref<6400000xi32, #tpu.memory_space<hbm>> -> memref<800xi32, #tpu.memory_space<hbm>>
          %dma_wait3A_84 = tpu.memref_slice %arg4[%mul3A_81] : memref<6400000xi32, #tpu.memory_space<hbm>> -> memref<800xi32, #tpu.memory_space<hbm>>
          tpu.wait_dma2 semaphore(%run_scoped3A : memref<!tpu.dma_semaphore, #tpu.memory_space<semaphore_mem>>) src(%dma_wait3A_84 : memref<800xi32, #tpu.memory_space<hbm>>) dst(%arg10 : memref<800xi32, #tpu.memory_space<vmem>>)
          tpu.yield
        }) : () -> ()
      } else {
      }
      %mul3A_50 = arith.constant 2 : i32
      %mul3A_51 = arith.muli %mul3A_50, %scan3A_27 : i32
      %add3A_52 = arith.constant 1 : i32
      %add3A_53 = arith.addi %mul3A_51, %add3A_52 : i32
      %lt3A_54 = arith.constant 500 : i32
      %lt3A_55 = arith.cmpi slt, %add3A_53, %lt3A_54 : i32
      %convert_element_type3A_56 = arith.extui %lt3A_55 : i1 to i32
      %cond3A_57 = arith.constant 0 : i32
      %cond3A_58 = arith.cmpi ne, %convert_element_type3A_56, %cond3A_57 : i32
      scf.if %cond3A_58 {
        %dma_wait3A = arith.constant 0 : i32
        %dma_wait3A_77 = arith.constant 0 : i32
        %dma_wait3A_78 = tpu.memref_slice %arg2[%arg0, %dma_wait3A, %dma_wait3A_77] : memref<2x100000x16xf32, #tpu.memory_space<hbm>> -> memref<1x100000x16xf32, #tpu.memory_space<hbm>>
        %dma_wait3A_79 = tpu.memref_squeeze %dma_wait3A_78 : memref<1x100000x16xf32, #tpu.memory_space<hbm>> -> memref<100000x16xf32, #tpu.memory_space<hbm>>
        %dma_wait3A_80 = arith.constant 0 : i32
        %dma_wait3A_81 = arith.constant 0 : i32
        %dma_wait3A_82 = tpu.memref_slice %dma_wait3A_79[%dma_wait3A_80, %dma_wait3A_81] : memref<100000x16xf32, #tpu.memory_space<hbm>> -> memref<100000x16xf32, #tpu.memory_space<hbm>>
        tpu.wait_indirect_dma semaphore(%arg9 : memref<!tpu.dma_semaphore, #tpu.memory_space<semaphore_mem>>) src(%dma_wait3A_82 : memref<100000x16xf32, #tpu.memory_space<hbm>>) dst(%arg15 : memref<800x16xf32, #tpu.memory_space<vmem>>)
      } else {
      }
      %add3A_59 = arith.constant 1 : i32
      %add3A_60 = arith.addi %add3A_53, %add3A_59 : i32
      %lt3A_61 = arith.constant 500 : i32
      %lt3A_62 = arith.cmpi slt, %add3A_60, %lt3A_61 : i32
      %convert_element_type3A_63 = arith.extui %lt3A_62 : i1 to i32
      %cond3A_64 = arith.constant 0 : i32
      %cond3A_65 = arith.cmpi ne, %convert_element_type3A_63, %cond3A_64 : i32
      scf.if %cond3A_65 {
        %dma_start3A_77 = arith.constant 0 : i32
        %dma_start3A_78 = arith.constant 0 : i32
        %dma_start3A_79 = tpu.memref_slice %arg2[%arg0, %dma_start3A_77, %dma_start3A_78] : memref<2x100000x16xf32, #tpu.memory_space<hbm>> -> memref<1x100000x16xf32, #tpu.memory_space<hbm>>
        %dma_start3A_80 = tpu.memref_squeeze %dma_start3A_79 : memref<1x100000x16xf32, #tpu.memory_space<hbm>> -> memref<100000x16xf32, #tpu.memory_space<hbm>>
        %dma_start3A_81 = arith.constant 0 : i32
        %dma_start3A_82 = arith.constant 0 : i32
        %dma_start3A_83 = tpu.memref_slice %dma_start3A_80[%dma_start3A_81, %dma_start3A_82] : memref<100000x16xf32, #tpu.memory_space<hbm>> -> memref<100000x16xf32, #tpu.memory_space<hbm>>
        tpu.enqueue_indirect_dma source(%dma_start3A_83 : memref<100000x16xf32, #tpu.memory_space<hbm>>) target(%arg14 : memref<800x16xf32, #tpu.memory_space<vmem>>) offsets(%arg12 : memref<800xi32, #tpu.memory_space<vmem>>) semaphore(%arg8 : memref<!tpu.dma_semaphore, #tpu.memory_space<semaphore_mem>>)
      } else {
      }
      %convert_element_type3A_66 = arith.extui %lt3A_55 : i1 to i32
      %cond3A_67 = arith.constant 0 : i32
      %cond3A_68 = arith.cmpi ne, %convert_element_type3A_66, %cond3A_67 : i32
      scf.if %cond3A_68 {
        "tpu.region"() ({
          %run_scoped3A = tpu.sem_alloc : memref<!tpu.dma_semaphore, #tpu.memory_space<semaphore_mem>>
          %dma_start3A_77 = arith.constant 0 : i32
          %dma_start3A_78 = arith.constant 0 : i32
          %dma_start3A_79 = tpu.memref_slice %arg7[%dma_start3A_77, %dma_start3A_78] : memref<100096x16xf32, #tpu.memory_space<vmem_shared>> -> memref<100096x16xf32, #tpu.memory_space<vmem_shared>>
          tpu.enqueue_indirect_dma source(%arg15 : memref<800x16xf32, #tpu.memory_space<vmem>>) target(%dma_start3A_79 : memref<100096x16xf32, #tpu.memory_space<vmem_shared>>) offsets(%arg11 : memref<800xi32, #tpu.memory_space<vmem>>) semaphore(%run_scoped3A : memref<!tpu.dma_semaphore, #tpu.memory_space<semaphore_mem>>) {add = true}
          %dma_wait3A = arith.constant 0 : i32
          %dma_wait3A_80 = arith.constant 0 : i32
          %dma_wait3A_81 = tpu.memref_slice %arg7[%dma_wait3A, %dma_wait3A_80] : memref<100096x16xf32, #tpu.memory_space<vmem_shared>> -> memref<100096x16xf32, #tpu.memory_space<vmem_shared>>
          tpu.wait_indirect_dma semaphore(%run_scoped3A : memref<!tpu.dma_semaphore, #tpu.memory_space<semaphore_mem>>) src(%arg15 : memref<800x16xf32, #tpu.memory_space<vmem>>) dst(%dma_wait3A_81 : memref<100096x16xf32, #tpu.memory_space<vmem_shared>>)
          tpu.yield
        }) : () -> ()
      } else {
      }
      %add3A_69 = arith.constant 2 : i32
      %add3A_70 = arith.addi %add3A_53, %add3A_69 : i32
      %lt3A_71 = arith.constant 500 : i32
      %lt3A_72 = arith.cmpi slt, %add3A_70, %lt3A_71 : i32
      %convert_element_type3A_73 = arith.extui %lt3A_72 : i1 to i32
      %cond3A_74 = arith.constant 0 : i32
      %cond3A_75 = arith.cmpi ne, %convert_element_type3A_73, %cond3A_74 : i32
      scf.if %cond3A_75 {
        %add3A_77 = arith.constant 2 : i32
        %add3A_78 = arith.addi %add3A_53, %add3A_77 : i32
        %add3A_79 = arith.addi %add3A_3, %add3A_78 : i32
        %mul3A_80 = arith.constant 800 : i32
        %mul3A_81 = arith.muli %add3A_79, %mul3A_80 : i32
        "tpu.region"() ({
          %run_scoped3A = tpu.sem_alloc : memref<!tpu.dma_semaphore, #tpu.memory_space<semaphore_mem>>
          %dma_start3A_82 = tpu.memref_slice %arg3[%mul3A_81] : memref<6400000xi32, #tpu.memory_space<hbm>> -> memref<800xi32, #tpu.memory_space<hbm>>
          %dma_start3A_83 = tpu.memref_slice %arg3[%mul3A_81] : memref<6400000xi32, #tpu.memory_space<hbm>> -> memref<800xi32, #tpu.memory_space<hbm>>
          tpu.enqueue_dma source(%dma_start3A_83 : memref<800xi32, #tpu.memory_space<hbm>>) target(%arg13 : memref<800xi32, #tpu.memory_space<vmem>>) target_semaphore(%run_scoped3A : memref<!tpu.dma_semaphore, #tpu.memory_space<semaphore_mem>>)
          %dma_wait3A = tpu.memref_slice %arg3[%mul3A_81] : memref<6400000xi32, #tpu.memory_space<hbm>> -> memref<800xi32, #tpu.memory_space<hbm>>
          %dma_wait3A_84 = tpu.memref_slice %arg3[%mul3A_81] : memref<6400000xi32, #tpu.memory_space<hbm>> -> memref<800xi32, #tpu.memory_space<hbm>>
          tpu.wait_dma2 semaphore(%run_scoped3A : memref<!tpu.dma_semaphore, #tpu.memory_space<semaphore_mem>>) src(%dma_wait3A_84 : memref<800xi32, #tpu.memory_space<hbm>>) dst(%arg13 : memref<800xi32, #tpu.memory_space<vmem>>)
          tpu.yield
        }) : () -> ()
        "tpu.region"() ({
          %run_scoped3A = tpu.sem_alloc : memref<!tpu.dma_semaphore, #tpu.memory_space<semaphore_mem>>
          %dma_start3A_82 = tpu.memref_slice %arg4[%mul3A_81] : memref<6400000xi32, #tpu.memory_space<hbm>> -> memref<800xi32, #tpu.memory_space<hbm>>
          %dma_start3A_83 = tpu.memref_slice %arg4[%mul3A_81] : memref<6400000xi32, #tpu.memory_space<hbm>> -> memref<800xi32, #tpu.memory_space<hbm>>
          tpu.enqueue_dma source(%dma_start3A_83 : memref<800xi32, #tpu.memory_space<hbm>>) target(%arg11 : memref<800xi32, #tpu.memory_space<vmem>>) target_semaphore(%run_scoped3A : memref<!tpu.dma_semaphore, #tpu.memory_space<semaphore_mem>>)
          %dma_wait3A = tpu.memref_slice %arg4[%mul3A_81] : memref<6400000xi32, #tpu.memory_space<hbm>> -> memref<800xi32, #tpu.memory_space<hbm>>
          %dma_wait3A_84 = tpu.memref_slice %arg4[%mul3A_81] : memref<6400000xi32, #tpu.memory_space<hbm>> -> memref<800xi32, #tpu.memory_space<hbm>>
          tpu.wait_dma2 semaphore(%run_scoped3A : memref<!tpu.dma_semaphore, #tpu.memory_space<semaphore_mem>>) src(%dma_wait3A_84 : memref<800xi32, #tpu.memory_space<hbm>>) dst(%arg11 : memref<800xi32, #tpu.memory_space<vmem>>)
          tpu.yield
        }) : () -> ()
      } else {
      }
      %scan3A_76 = arith.constant 0 : i32
      scf.yield %scan3A_76 : i32
    }
    %scan3A_23 = arith.constant 251 : i32
    %barrier3A_24 = arith.constant 0 : index
    tpu.barrier barrier_id(%barrier3A_24)
    %mul3A_25 = arith.constant 6256 : i32
    %mul3A_26 = arith.muli %arg1, %mul3A_25 : i32
    "tpu.region"() ({
      %run_scoped3A = tpu.sem_alloc : memref<!tpu.dma_semaphore, #tpu.memory_space<semaphore_mem>>
      %dma_start3A_27 = arith.constant 0 : i32
      %dma_start3A_28 = tpu.memref_slice %arg6[%arg0, %mul3A_26, %dma_start3A_27] : memref<2x100096x16xf32, #tpu.memory_space<hbm>> -> memref<1x6256x16xf32, #tpu.memory_space<hbm>>
      %dma_start3A_29 = tpu.memref_squeeze %dma_start3A_28 : memref<1x6256x16xf32, #tpu.memory_space<hbm>> -> memref<6256x16xf32, #tpu.memory_space<hbm>>
      %dma_start3A_30 = arith.constant 0 : i32
      %dma_start3A_31 = tpu.memref_slice %arg7[%mul3A_26, %dma_start3A_30] : memref<100096x16xf32, #tpu.memory_space<vmem_shared>> -> memref<6256x16xf32, #tpu.memory_space<vmem_shared>>
      tpu.enqueue_dma source(%dma_start3A_31 : memref<6256x16xf32, #tpu.memory_space<vmem_shared>>) target(%dma_start3A_29 : memref<6256x16xf32, #tpu.memory_space<hbm>>) target_semaphore(%run_scoped3A : memref<!tpu.dma_semaphore, #tpu.memory_space<semaphore_mem>>)
      %dma_wait3A = arith.constant 0 : i32
      %dma_wait3A_32 = tpu.memref_slice %arg6[%arg0, %mul3A_26, %dma_wait3A] : memref<2x100096x16xf32, #tpu.memory_space<hbm>> -> memref<1x6256x16xf32, #tpu.memory_space<hbm>>
      %dma_wait3A_33 = tpu.memref_squeeze %dma_wait3A_32 : memref<1x6256x16xf32, #tpu.memory_space<hbm>> -> memref<6256x16xf32, #tpu.memory_space<hbm>>
      %dma_wait3A_34 = arith.constant 0 : i32
      %dma_wait3A_35 = tpu.memref_slice %arg7[%mul3A_26, %dma_wait3A_34] : memref<100096x16xf32, #tpu.memory_space<vmem_shared>> -> memref<6256x16xf32, #tpu.memory_space<vmem_shared>>
      tpu.wait_dma2 semaphore(%run_scoped3A : memref<!tpu.dma_semaphore, #tpu.memory_space<semaphore_mem>>) src(%dma_wait3A_35 : memref<6256x16xf32, #tpu.memory_space<vmem_shared>>) dst(%dma_wait3A_33 : memref<6256x16xf32, #tpu.memory_space<hbm>>)
      tpu.yield
    }) : () -> ()
    return
  }
}

#map = affine_map<(d0, d1) -> (0, 0)>
#map1 = affine_map<(d0, d1) -> (0)>
#map2 = affine_map<(d0, d1) -> (0, 0, 0)>
module attributes {stable_mosaic.version = 14 : i64} {
  func.func @body(%arg0: i32, %arg1: i32, %arg2: memref<100000x16xf32, #tpu.memory_space<hbm>>, %arg3: memref<6400000xi32, #tpu.memory_space<hbm>>, %arg4: memref<6400000xi32, #tpu.memory_space<hbm>>, %arg5: memref<6256x16xf32, #tpu.memory_space<hbm>>, %arg6: memref<2x100096x16xf32, #tpu.memory_space<hbm>>, %arg7: memref<100096x16xf32, #tpu.memory_space<vmem_shared>>, %arg8: memref<!tpu.dma_semaphore, #tpu.memory_space<semaphore_mem>>, %arg9: memref<!tpu.dma_semaphore, #tpu.memory_space<semaphore_mem>>, %arg10: memref<800xi32, #tpu.memory_space<vmem>>, %arg11: memref<800xi32, #tpu.memory_space<vmem>>, %arg12: memref<800xi32, #tpu.memory_space<vmem>>, %arg13: memref<800xi32, #tpu.memory_space<vmem>>, %arg14: memref<800x16xf32, #tpu.memory_space<vmem>>, %arg15: memref<800x16xf32, #tpu.memory_space<vmem>>) attributes {dimension_semantics = [#tpu.dimension_semantics<core_parallel>, #tpu.dimension_semantics<subcore_parallel>], iteration_bounds = array<i64: 2, 16>, scalar_prefetch = 0 : i64, scratch_operands = 9 : i64, tpu.core_type = #tpu.core_type<sc_vector_subcore>, window_params = [{transform_indices = #map}, {transform_indices = #map1}, {transform_indices = #map1}, {transform_indices = #map}, {transform_indices = #map2}]} {
    %mul3A = arith.constant 2 : i32
    %mul3A_0 = arith.muli %arg1, %mul3A : i32
    %add3A = arith.addi %mul3A_0, %arg0 : i32
    %mul3A_1 = arith.constant 6256 : i32
    %mul3A_2 = arith.muli %arg1, %mul3A_1 : i32
    "tpu.region"() ({
      %run_scoped3A = tpu.sem_alloc : memref<!tpu.dma_semaphore, #tpu.memory_space<semaphore_mem>>
      %dma_start3A_26 = arith.constant 0 : i32
      %dma_start3A_27 = tpu.memref_slice %arg7[%mul3A_2, %dma_start3A_26] : memref<100096x16xf32, #tpu.memory_space<vmem_shared>> -> memref<6256x16xf32, #tpu.memory_space<vmem_shared>>
      tpu.enqueue_dma source(%arg5 : memref<6256x16xf32, #tpu.memory_space<hbm>>) target(%dma_start3A_27 : memref<6256x16xf32, #tpu.memory_space<vmem_shared>>) target_semaphore(%run_scoped3A : memref<!tpu.dma_semaphore, #tpu.memory_space<semaphore_mem>>)
      %dma_wait3A = arith.constant 0 : i32
      %dma_wait3A_28 = tpu.memref_slice %arg7[%mul3A_2, %dma_wait3A] : memref<100096x16xf32, #tpu.memory_space<vmem_shared>> -> memref<6256x16xf32, #tpu.memory_space<vmem_shared>>
      tpu.wait_dma2 semaphore(%run_scoped3A : memref<!tpu.dma_semaphore, #tpu.memory_space<semaphore_mem>>) src(%arg5 : memref<6256x16xf32, #tpu.memory_space<hbm>>) dst(%dma_wait3A_28 : memref<6256x16xf32, #tpu.memory_space<vmem_shared>>)
      tpu.yield
    }) : () -> ()
    %barrier3A = arith.constant 0 : index
    tpu.barrier barrier_id(%barrier3A)
    %mul3A_3 = arith.constant 250 : i32
    %mul3A_4 = arith.muli %add3A, %mul3A_3 : i32
    %add3A_5 = arith.constant 0 : i32
    %add3A_6 = arith.addi %mul3A_4, %add3A_5 : i32
    %add3A_7 = arith.constant 0 : i32
    %add3A_8 = arith.addi %add3A_6, %add3A_7 : i32
    %mul3A_9 = arith.constant 800 : i32
    %mul3A_10 = arith.muli %add3A_8, %mul3A_9 : i32
    "tpu.region"() ({
      %run_scoped3A = tpu.sem_alloc : memref<!tpu.dma_semaphore, #tpu.memory_space<semaphore_mem>>
      %dma_start3A_26 = tpu.memref_slice %arg3[%mul3A_10] : memref<6400000xi32, #tpu.memory_space<hbm>> -> memref<800xi32, #tpu.memory_space<hbm>>
      %dma_start3A_27 = tpu.memref_slice %arg3[%mul3A_10] : memref<6400000xi32, #tpu.memory_space<hbm>> -> memref<800xi32, #tpu.memory_space<hbm>>
      tpu.enqueue_dma source(%dma_start3A_27 : memref<800xi32, #tpu.memory_space<hbm>>) target(%arg12 : memref<800xi32, #tpu.memory_space<vmem>>) target_semaphore(%run_scoped3A : memref<!tpu.dma_semaphore, #tpu.memory_space<semaphore_mem>>)
      %dma_wait3A = tpu.memref_slice %arg3[%mul3A_10] : memref<6400000xi32, #tpu.memory_space<hbm>> -> memref<800xi32, #tpu.memory_space<hbm>>
      %dma_wait3A_28 = tpu.memref_slice %arg3[%mul3A_10] : memref<6400000xi32, #tpu.memory_space<hbm>> -> memref<800xi32, #tpu.memory_space<hbm>>
      tpu.wait_dma2 semaphore(%run_scoped3A : memref<!tpu.dma_semaphore, #tpu.memory_space<semaphore_mem>>) src(%dma_wait3A_28 : memref<800xi32, #tpu.memory_space<hbm>>) dst(%arg12 : memref<800xi32, #tpu.memory_space<vmem>>)
      tpu.yield
    }) : () -> ()
    "tpu.region"() ({
      %run_scoped3A = tpu.sem_alloc : memref<!tpu.dma_semaphore, #tpu.memory_space<semaphore_mem>>
      %dma_start3A_26 = tpu.memref_slice %arg4[%mul3A_10] : memref<6400000xi32, #tpu.memory_space<hbm>> -> memref<800xi32, #tpu.memory_space<hbm>>
      %dma_start3A_27 = tpu.memref_slice %arg4[%mul3A_10] : memref<6400000xi32, #tpu.memory_space<hbm>> -> memref<800xi32, #tpu.memory_space<hbm>>
      tpu.enqueue_dma source(%dma_start3A_27 : memref<800xi32, #tpu.memory_space<hbm>>) target(%arg10 : memref<800xi32, #tpu.memory_space<vmem>>) target_semaphore(%run_scoped3A : memref<!tpu.dma_semaphore, #tpu.memory_space<semaphore_mem>>)
      %dma_wait3A = tpu.memref_slice %arg4[%mul3A_10] : memref<6400000xi32, #tpu.memory_space<hbm>> -> memref<800xi32, #tpu.memory_space<hbm>>
      %dma_wait3A_28 = tpu.memref_slice %arg4[%mul3A_10] : memref<6400000xi32, #tpu.memory_space<hbm>> -> memref<800xi32, #tpu.memory_space<hbm>>
      tpu.wait_dma2 semaphore(%run_scoped3A : memref<!tpu.dma_semaphore, #tpu.memory_space<semaphore_mem>>) src(%dma_wait3A_28 : memref<800xi32, #tpu.memory_space<hbm>>) dst(%arg10 : memref<800xi32, #tpu.memory_space<vmem>>)
      tpu.yield
    }) : () -> ()
    %dma_start3A = arith.constant 0 : i32
    %dma_start3A_11 = arith.constant 0 : i32
    %dma_start3A_12 = tpu.memref_slice %arg2[%dma_start3A, %dma_start3A_11] : memref<100000x16xf32, #tpu.memory_space<hbm>> -> memref<100000x16xf32, #tpu.memory_space<hbm>>
    tpu.enqueue_indirect_dma source(%dma_start3A_12 : memref<100000x16xf32, #tpu.memory_space<hbm>>) target(%arg14 : memref<800x16xf32, #tpu.memory_space<vmem>>) offsets(%arg12 : memref<800xi32, #tpu.memory_space<vmem>>) semaphore(%arg8 : memref<!tpu.dma_semaphore, #tpu.memory_space<semaphore_mem>>)
    %add3A_13 = arith.constant 1 : i32
    %add3A_14 = arith.addi %add3A_6, %add3A_13 : i32
    %mul3A_15 = arith.constant 800 : i32
    %mul3A_16 = arith.muli %add3A_14, %mul3A_15 : i32
    "tpu.region"() ({
      %run_scoped3A = tpu.sem_alloc : memref<!tpu.dma_semaphore, #tpu.memory_space<semaphore_mem>>
      %dma_start3A_26 = tpu.memref_slice %arg3[%mul3A_16] : memref<6400000xi32, #tpu.memory_space<hbm>> -> memref<800xi32, #tpu.memory_space<hbm>>
      %dma_start3A_27 = tpu.memref_slice %arg3[%mul3A_16] : memref<6400000xi32, #tpu.memory_space<hbm>> -> memref<800xi32, #tpu.memory_space<hbm>>
      tpu.enqueue_dma source(%dma_start3A_27 : memref<800xi32, #tpu.memory_space<hbm>>) target(%arg13 : memref<800xi32, #tpu.memory_space<vmem>>) target_semaphore(%run_scoped3A : memref<!tpu.dma_semaphore, #tpu.memory_space<semaphore_mem>>)
      %dma_wait3A = tpu.memref_slice %arg3[%mul3A_16] : memref<6400000xi32, #tpu.memory_space<hbm>> -> memref<800xi32, #tpu.memory_space<hbm>>
      %dma_wait3A_28 = tpu.memref_slice %arg3[%mul3A_16] : memref<6400000xi32, #tpu.memory_space<hbm>> -> memref<800xi32, #tpu.memory_space<hbm>>
      tpu.wait_dma2 semaphore(%run_scoped3A : memref<!tpu.dma_semaphore, #tpu.memory_space<semaphore_mem>>) src(%dma_wait3A_28 : memref<800xi32, #tpu.memory_space<hbm>>) dst(%arg13 : memref<800xi32, #tpu.memory_space<vmem>>)
      tpu.yield
    }) : () -> ()
    "tpu.region"() ({
      %run_scoped3A = tpu.sem_alloc : memref<!tpu.dma_semaphore, #tpu.memory_space<semaphore_mem>>
      %dma_start3A_26 = tpu.memref_slice %arg4[%mul3A_16] : memref<6400000xi32, #tpu.memory_space<hbm>> -> memref<800xi32, #tpu.memory_space<hbm>>
      %dma_start3A_27 = tpu.memref_slice %arg4[%mul3A_16] : memref<6400000xi32, #tpu.memory_space<hbm>> -> memref<800xi32, #tpu.memory_space<hbm>>
      tpu.enqueue_dma source(%dma_start3A_27 : memref<800xi32, #tpu.memory_space<hbm>>) target(%arg11 : memref<800xi32, #tpu.memory_space<vmem>>) target_semaphore(%run_scoped3A : memref<!tpu.dma_semaphore, #tpu.memory_space<semaphore_mem>>)
      %dma_wait3A = tpu.memref_slice %arg4[%mul3A_16] : memref<6400000xi32, #tpu.memory_space<hbm>> -> memref<800xi32, #tpu.memory_space<hbm>>
      %dma_wait3A_28 = tpu.memref_slice %arg4[%mul3A_16] : memref<6400000xi32, #tpu.memory_space<hbm>> -> memref<800xi32, #tpu.memory_space<hbm>>
      tpu.wait_dma2 semaphore(%run_scoped3A : memref<!tpu.dma_semaphore, #tpu.memory_space<semaphore_mem>>) src(%dma_wait3A_28 : memref<800xi32, #tpu.memory_space<hbm>>) dst(%arg11 : memref<800xi32, #tpu.memory_space<vmem>>)
      tpu.yield
    }) : () -> ()
    %scan3A = arith.constant 0 : i32
    %scan3A_17 = arith.constant 0 : i32
    %scan3A_18 = arith.constant 126 : i32
    %scan3A_19 = arith.addi %scan3A_17, %scan3A_18 : i32
    %scan3A_20 = arith.constant 1 : i32
    %scan3A_21 = scf.for %scan3A_26 = %scan3A_17 to %scan3A_19 step %scan3A_20 iter_args(%scan3A_27 = %scan3A) -> (i32)  : i32 {
      %mul3A_28 = arith.constant 2 : i32
      %mul3A_29 = arith.muli %mul3A_28, %scan3A_26 : i32
      %lt3A = arith.constant 250 : i32
      %lt3A_30 = arith.cmpi slt, %mul3A_29, %lt3A : i32
      %convert_element_type3A = arith.extui %lt3A_30 : i1 to i32
      %cond3A = arith.constant 0 : i32
      %cond3A_31 = arith.cmpi ne, %convert_element_type3A, %cond3A : i32
      scf.if %cond3A_31 {
        %dma_wait3A = arith.constant 0 : i32
        %dma_wait3A_76 = arith.constant 0 : i32
        %dma_wait3A_77 = tpu.memref_slice %arg2[%dma_wait3A, %dma_wait3A_76] : memref<100000x16xf32, #tpu.memory_space<hbm>> -> memref<100000x16xf32, #tpu.memory_space<hbm>>
        tpu.wait_indirect_dma semaphore(%arg8 : memref<!tpu.dma_semaphore, #tpu.memory_space<semaphore_mem>>) src(%dma_wait3A_77 : memref<100000x16xf32, #tpu.memory_space<hbm>>) dst(%arg14 : memref<800x16xf32, #tpu.memory_space<vmem>>)
      } else {
      }
      %add3A_32 = arith.constant 1 : i32
      %add3A_33 = arith.addi %mul3A_29, %add3A_32 : i32
      %lt3A_34 = arith.constant 250 : i32
      %lt3A_35 = arith.cmpi slt, %add3A_33, %lt3A_34 : i32
      %convert_element_type3A_36 = arith.extui %lt3A_35 : i1 to i32
      %cond3A_37 = arith.constant 0 : i32
      %cond3A_38 = arith.cmpi ne, %convert_element_type3A_36, %cond3A_37 : i32
      scf.if %cond3A_38 {
        %dma_start3A_76 = arith.constant 0 : i32
        %dma_start3A_77 = arith.constant 0 : i32
        %dma_start3A_78 = tpu.memref_slice %arg2[%dma_start3A_76, %dma_start3A_77] : memref<100000x16xf32, #tpu.memory_space<hbm>> -> memref<100000x16xf32, #tpu.memory_space<hbm>>
        tpu.enqueue_indirect_dma source(%dma_start3A_78 : memref<100000x16xf32, #tpu.memory_space<hbm>>) target(%arg15 : memref<800x16xf32, #tpu.memory_space<vmem>>) offsets(%arg13 : memref<800xi32, #tpu.memory_space<vmem>>) semaphore(%arg9 : memref<!tpu.dma_semaphore, #tpu.memory_space<semaphore_mem>>)
      } else {
      }
      %convert_element_type3A_39 = arith.extui %lt3A_30 : i1 to i32
      %cond3A_40 = arith.constant 0 : i32
      %cond3A_41 = arith.cmpi ne, %convert_element_type3A_39, %cond3A_40 : i32
      scf.if %cond3A_41 {
        "tpu.region"() ({
          %run_scoped3A = tpu.sem_alloc : memref<!tpu.dma_semaphore, #tpu.memory_space<semaphore_mem>>
          %dma_start3A_76 = arith.constant 0 : i32
          %dma_start3A_77 = arith.constant 0 : i32
          %dma_start3A_78 = tpu.memref_slice %arg7[%dma_start3A_76, %dma_start3A_77] : memref<100096x16xf32, #tpu.memory_space<vmem_shared>> -> memref<100096x16xf32, #tpu.memory_space<vmem_shared>>
          tpu.enqueue_indirect_dma source(%arg14 : memref<800x16xf32, #tpu.memory_space<vmem>>) target(%dma_start3A_78 : memref<100096x16xf32, #tpu.memory_space<vmem_shared>>) offsets(%arg10 : memref<800xi32, #tpu.memory_space<vmem>>) semaphore(%run_scoped3A : memref<!tpu.dma_semaphore, #tpu.memory_space<semaphore_mem>>) {add = true}
          %dma_wait3A = arith.constant 0 : i32
          %dma_wait3A_79 = arith.constant 0 : i32
          %dma_wait3A_80 = tpu.memref_slice %arg7[%dma_wait3A, %dma_wait3A_79] : memref<100096x16xf32, #tpu.memory_space<vmem_shared>> -> memref<100096x16xf32, #tpu.memory_space<vmem_shared>>
          tpu.wait_indirect_dma semaphore(%run_scoped3A : memref<!tpu.dma_semaphore, #tpu.memory_space<semaphore_mem>>) src(%arg14 : memref<800x16xf32, #tpu.memory_space<vmem>>) dst(%dma_wait3A_80 : memref<100096x16xf32, #tpu.memory_space<vmem_shared>>)
          tpu.yield
        }) : () -> ()
      } else {
      }
      %add3A_42 = arith.constant 2 : i32
      %add3A_43 = arith.addi %mul3A_29, %add3A_42 : i32
      %lt3A_44 = arith.constant 250 : i32
      %lt3A_45 = arith.cmpi slt, %add3A_43, %lt3A_44 : i32
      %convert_element_type3A_46 = arith.extui %lt3A_45 : i1 to i32
      %cond3A_47 = arith.constant 0 : i32
      %cond3A_48 = arith.cmpi ne, %convert_element_type3A_46, %cond3A_47 : i32
      scf.if %cond3A_48 {
        %add3A_76 = arith.constant 2 : i32
        %add3A_77 = arith.addi %mul3A_29, %add3A_76 : i32
        %add3A_78 = arith.addi %add3A_6, %add3A_77 : i32
        %mul3A_79 = arith.constant 800 : i32
        %mul3A_80 = arith.muli %add3A_78, %mul3A_79 : i32
        "tpu.region"() ({
          %run_scoped3A = tpu.sem_alloc : memref<!tpu.dma_semaphore, #tpu.memory_space<semaphore_mem>>
          %dma_start3A_81 = tpu.memref_slice %arg3[%mul3A_80] : memref<6400000xi32, #tpu.memory_space<hbm>> -> memref<800xi32, #tpu.memory_space<hbm>>
          %dma_start3A_82 = tpu.memref_slice %arg3[%mul3A_80] : memref<6400000xi32, #tpu.memory_space<hbm>> -> memref<800xi32, #tpu.memory_space<hbm>>
          tpu.enqueue_dma source(%dma_start3A_82 : memref<800xi32, #tpu.memory_space<hbm>>) target(%arg12 : memref<800xi32, #tpu.memory_space<vmem>>) target_semaphore(%run_scoped3A : memref<!tpu.dma_semaphore, #tpu.memory_space<semaphore_mem>>)
          %dma_wait3A = tpu.memref_slice %arg3[%mul3A_80] : memref<6400000xi32, #tpu.memory_space<hbm>> -> memref<800xi32, #tpu.memory_space<hbm>>
          %dma_wait3A_83 = tpu.memref_slice %arg3[%mul3A_80] : memref<6400000xi32, #tpu.memory_space<hbm>> -> memref<800xi32, #tpu.memory_space<hbm>>
          tpu.wait_dma2 semaphore(%run_scoped3A : memref<!tpu.dma_semaphore, #tpu.memory_space<semaphore_mem>>) src(%dma_wait3A_83 : memref<800xi32, #tpu.memory_space<hbm>>) dst(%arg12 : memref<800xi32, #tpu.memory_space<vmem>>)
          tpu.yield
        }) : () -> ()
        "tpu.region"() ({
          %run_scoped3A = tpu.sem_alloc : memref<!tpu.dma_semaphore, #tpu.memory_space<semaphore_mem>>
          %dma_start3A_81 = tpu.memref_slice %arg4[%mul3A_80] : memref<6400000xi32, #tpu.memory_space<hbm>> -> memref<800xi32, #tpu.memory_space<hbm>>
          %dma_start3A_82 = tpu.memref_slice %arg4[%mul3A_80] : memref<6400000xi32, #tpu.memory_space<hbm>> -> memref<800xi32, #tpu.memory_space<hbm>>
          tpu.enqueue_dma source(%dma_start3A_82 : memref<800xi32, #tpu.memory_space<hbm>>) target(%arg10 : memref<800xi32, #tpu.memory_space<vmem>>) target_semaphore(%run_scoped3A : memref<!tpu.dma_semaphore, #tpu.memory_space<semaphore_mem>>)
          %dma_wait3A = tpu.memref_slice %arg4[%mul3A_80] : memref<6400000xi32, #tpu.memory_space<hbm>> -> memref<800xi32, #tpu.memory_space<hbm>>
          %dma_wait3A_83 = tpu.memref_slice %arg4[%mul3A_80] : memref<6400000xi32, #tpu.memory_space<hbm>> -> memref<800xi32, #tpu.memory_space<hbm>>
          tpu.wait_dma2 semaphore(%run_scoped3A : memref<!tpu.dma_semaphore, #tpu.memory_space<semaphore_mem>>) src(%dma_wait3A_83 : memref<800xi32, #tpu.memory_space<hbm>>) dst(%arg10 : memref<800xi32, #tpu.memory_space<vmem>>)
          tpu.yield
        }) : () -> ()
      } else {
      }
      %mul3A_49 = arith.constant 2 : i32
      %mul3A_50 = arith.muli %mul3A_49, %scan3A_26 : i32
      %add3A_51 = arith.constant 1 : i32
      %add3A_52 = arith.addi %mul3A_50, %add3A_51 : i32
      %lt3A_53 = arith.constant 250 : i32
      %lt3A_54 = arith.cmpi slt, %add3A_52, %lt3A_53 : i32
      %convert_element_type3A_55 = arith.extui %lt3A_54 : i1 to i32
      %cond3A_56 = arith.constant 0 : i32
      %cond3A_57 = arith.cmpi ne, %convert_element_type3A_55, %cond3A_56 : i32
      scf.if %cond3A_57 {
        %dma_wait3A = arith.constant 0 : i32
        %dma_wait3A_76 = arith.constant 0 : i32
        %dma_wait3A_77 = tpu.memref_slice %arg2[%dma_wait3A, %dma_wait3A_76] : memref<100000x16xf32, #tpu.memory_space<hbm>> -> memref<100000x16xf32, #tpu.memory_space<hbm>>
        tpu.wait_indirect_dma semaphore(%arg9 : memref<!tpu.dma_semaphore, #tpu.memory_space<semaphore_mem>>) src(%dma_wait3A_77 : memref<100000x16xf32, #tpu.memory_space<hbm>>) dst(%arg15 : memref<800x16xf32, #tpu.memory_space<vmem>>)
      } else {
      }
      %add3A_58 = arith.constant 1 : i32
      %add3A_59 = arith.addi %add3A_52, %add3A_58 : i32
      %lt3A_60 = arith.constant 250 : i32
      %lt3A_61 = arith.cmpi slt, %add3A_59, %lt3A_60 : i32
      %convert_element_type3A_62 = arith.extui %lt3A_61 : i1 to i32
      %cond3A_63 = arith.constant 0 : i32
      %cond3A_64 = arith.cmpi ne, %convert_element_type3A_62, %cond3A_63 : i32
      scf.if %cond3A_64 {
        %dma_start3A_76 = arith.constant 0 : i32
        %dma_start3A_77 = arith.constant 0 : i32
        %dma_start3A_78 = tpu.memref_slice %arg2[%dma_start3A_76, %dma_start3A_77] : memref<100000x16xf32, #tpu.memory_space<hbm>> -> memref<100000x16xf32, #tpu.memory_space<hbm>>
        tpu.enqueue_indirect_dma source(%dma_start3A_78 : memref<100000x16xf32, #tpu.memory_space<hbm>>) target(%arg14 : memref<800x16xf32, #tpu.memory_space<vmem>>) offsets(%arg12 : memref<800xi32, #tpu.memory_space<vmem>>) semaphore(%arg8 : memref<!tpu.dma_semaphore, #tpu.memory_space<semaphore_mem>>)
      } else {
      }
      %convert_element_type3A_65 = arith.extui %lt3A_54 : i1 to i32
      %cond3A_66 = arith.constant 0 : i32
      %cond3A_67 = arith.cmpi ne, %convert_element_type3A_65, %cond3A_66 : i32
      scf.if %cond3A_67 {
        "tpu.region"() ({
          %run_scoped3A = tpu.sem_alloc : memref<!tpu.dma_semaphore, #tpu.memory_space<semaphore_mem>>
          %dma_start3A_76 = arith.constant 0 : i32
          %dma_start3A_77 = arith.constant 0 : i32
          %dma_start3A_78 = tpu.memref_slice %arg7[%dma_start3A_76, %dma_start3A_77] : memref<100096x16xf32, #tpu.memory_space<vmem_shared>> -> memref<100096x16xf32, #tpu.memory_space<vmem_shared>>
          tpu.enqueue_indirect_dma source(%arg15 : memref<800x16xf32, #tpu.memory_space<vmem>>) target(%dma_start3A_78 : memref<100096x16xf32, #tpu.memory_space<vmem_shared>>) offsets(%arg11 : memref<800xi32, #tpu.memory_space<vmem>>) semaphore(%run_scoped3A : memref<!tpu.dma_semaphore, #tpu.memory_space<semaphore_mem>>) {add = true}
          %dma_wait3A = arith.constant 0 : i32
          %dma_wait3A_79 = arith.constant 0 : i32
          %dma_wait3A_80 = tpu.memref_slice %arg7[%dma_wait3A, %dma_wait3A_79] : memref<100096x16xf32, #tpu.memory_space<vmem_shared>> -> memref<100096x16xf32, #tpu.memory_space<vmem_shared>>
          tpu.wait_indirect_dma semaphore(%run_scoped3A : memref<!tpu.dma_semaphore, #tpu.memory_space<semaphore_mem>>) src(%arg15 : memref<800x16xf32, #tpu.memory_space<vmem>>) dst(%dma_wait3A_80 : memref<100096x16xf32, #tpu.memory_space<vmem_shared>>)
          tpu.yield
        }) : () -> ()
      } else {
      }
      %add3A_68 = arith.constant 2 : i32
      %add3A_69 = arith.addi %add3A_52, %add3A_68 : i32
      %lt3A_70 = arith.constant 250 : i32
      %lt3A_71 = arith.cmpi slt, %add3A_69, %lt3A_70 : i32
      %convert_element_type3A_72 = arith.extui %lt3A_71 : i1 to i32
      %cond3A_73 = arith.constant 0 : i32
      %cond3A_74 = arith.cmpi ne, %convert_element_type3A_72, %cond3A_73 : i32
      scf.if %cond3A_74 {
        %add3A_76 = arith.constant 2 : i32
        %add3A_77 = arith.addi %add3A_52, %add3A_76 : i32
        %add3A_78 = arith.addi %add3A_6, %add3A_77 : i32
        %mul3A_79 = arith.constant 800 : i32
        %mul3A_80 = arith.muli %add3A_78, %mul3A_79 : i32
        "tpu.region"() ({
          %run_scoped3A = tpu.sem_alloc : memref<!tpu.dma_semaphore, #tpu.memory_space<semaphore_mem>>
          %dma_start3A_81 = tpu.memref_slice %arg3[%mul3A_80] : memref<6400000xi32, #tpu.memory_space<hbm>> -> memref<800xi32, #tpu.memory_space<hbm>>
          %dma_start3A_82 = tpu.memref_slice %arg3[%mul3A_80] : memref<6400000xi32, #tpu.memory_space<hbm>> -> memref<800xi32, #tpu.memory_space<hbm>>
          tpu.enqueue_dma source(%dma_start3A_82 : memref<800xi32, #tpu.memory_space<hbm>>) target(%arg13 : memref<800xi32, #tpu.memory_space<vmem>>) target_semaphore(%run_scoped3A : memref<!tpu.dma_semaphore, #tpu.memory_space<semaphore_mem>>)
          %dma_wait3A = tpu.memref_slice %arg3[%mul3A_80] : memref<6400000xi32, #tpu.memory_space<hbm>> -> memref<800xi32, #tpu.memory_space<hbm>>
          %dma_wait3A_83 = tpu.memref_slice %arg3[%mul3A_80] : memref<6400000xi32, #tpu.memory_space<hbm>> -> memref<800xi32, #tpu.memory_space<hbm>>
          tpu.wait_dma2 semaphore(%run_scoped3A : memref<!tpu.dma_semaphore, #tpu.memory_space<semaphore_mem>>) src(%dma_wait3A_83 : memref<800xi32, #tpu.memory_space<hbm>>) dst(%arg13 : memref<800xi32, #tpu.memory_space<vmem>>)
          tpu.yield
        }) : () -> ()
        "tpu.region"() ({
          %run_scoped3A = tpu.sem_alloc : memref<!tpu.dma_semaphore, #tpu.memory_space<semaphore_mem>>
          %dma_start3A_81 = tpu.memref_slice %arg4[%mul3A_80] : memref<6400000xi32, #tpu.memory_space<hbm>> -> memref<800xi32, #tpu.memory_space<hbm>>
          %dma_start3A_82 = tpu.memref_slice %arg4[%mul3A_80] : memref<6400000xi32, #tpu.memory_space<hbm>> -> memref<800xi32, #tpu.memory_space<hbm>>
          tpu.enqueue_dma source(%dma_start3A_82 : memref<800xi32, #tpu.memory_space<hbm>>) target(%arg11 : memref<800xi32, #tpu.memory_space<vmem>>) target_semaphore(%run_scoped3A : memref<!tpu.dma_semaphore, #tpu.memory_space<semaphore_mem>>)
          %dma_wait3A = tpu.memref_slice %arg4[%mul3A_80] : memref<6400000xi32, #tpu.memory_space<hbm>> -> memref<800xi32, #tpu.memory_space<hbm>>
          %dma_wait3A_83 = tpu.memref_slice %arg4[%mul3A_80] : memref<6400000xi32, #tpu.memory_space<hbm>> -> memref<800xi32, #tpu.memory_space<hbm>>
          tpu.wait_dma2 semaphore(%run_scoped3A : memref<!tpu.dma_semaphore, #tpu.memory_space<semaphore_mem>>) src(%dma_wait3A_83 : memref<800xi32, #tpu.memory_space<hbm>>) dst(%arg11 : memref<800xi32, #tpu.memory_space<vmem>>)
          tpu.yield
        }) : () -> ()
      } else {
      }
      %scan3A_75 = arith.constant 0 : i32
      scf.yield %scan3A_75 : i32
    }
    %scan3A_22 = arith.constant 126 : i32
    %barrier3A_23 = arith.constant 0 : index
    tpu.barrier barrier_id(%barrier3A_23)
    %mul3A_24 = arith.constant 6256 : i32
    %mul3A_25 = arith.muli %arg1, %mul3A_24 : i32
    "tpu.region"() ({
      %run_scoped3A = tpu.sem_alloc : memref<!tpu.dma_semaphore, #tpu.memory_space<semaphore_mem>>
      %dma_start3A_26 = arith.constant 0 : i32
      %dma_start3A_27 = tpu.memref_slice %arg6[%arg0, %mul3A_25, %dma_start3A_26] : memref<2x100096x16xf32, #tpu.memory_space<hbm>> -> memref<1x6256x16xf32, #tpu.memory_space<hbm>>
      %dma_start3A_28 = tpu.memref_squeeze %dma_start3A_27 : memref<1x6256x16xf32, #tpu.memory_space<hbm>> -> memref<6256x16xf32, #tpu.memory_space<hbm>>
      %dma_start3A_29 = arith.constant 0 : i32
      %dma_start3A_30 = tpu.memref_slice %arg7[%mul3A_25, %dma_start3A_29] : memref<100096x16xf32, #tpu.memory_space<vmem_shared>> -> memref<6256x16xf32, #tpu.memory_space<vmem_shared>>
      tpu.enqueue_dma source(%dma_start3A_30 : memref<6256x16xf32, #tpu.memory_space<vmem_shared>>) target(%dma_start3A_28 : memref<6256x16xf32, #tpu.memory_space<hbm>>) target_semaphore(%run_scoped3A : memref<!tpu.dma_semaphore, #tpu.memory_space<semaphore_mem>>)
      %dma_wait3A = arith.constant 0 : i32
      %dma_wait3A_31 = tpu.memref_slice %arg6[%arg0, %mul3A_25, %dma_wait3A] : memref<2x100096x16xf32, #tpu.memory_space<hbm>> -> memref<1x6256x16xf32, #tpu.memory_space<hbm>>
      %dma_wait3A_32 = tpu.memref_squeeze %dma_wait3A_31 : memref<1x6256x16xf32, #tpu.memory_space<hbm>> -> memref<6256x16xf32, #tpu.memory_space<hbm>>
      %dma_wait3A_33 = arith.constant 0 : i32
      %dma_wait3A_34 = tpu.memref_slice %arg7[%mul3A_25, %dma_wait3A_33] : memref<100096x16xf32, #tpu.memory_space<vmem_shared>> -> memref<6256x16xf32, #tpu.memory_space<vmem_shared>>
      tpu.wait_dma2 semaphore(%run_scoped3A : memref<!tpu.dma_semaphore, #tpu.memory_space<semaphore_mem>>) src(%dma_wait3A_34 : memref<6256x16xf32, #tpu.memory_space<vmem_shared>>) dst(%dma_wait3A_32 : memref<6256x16xf32, #tpu.memory_space<hbm>>)
      tpu.yield
    }) : () -> ()
    return
  }
}

#map = affine_map<(d0, d1) -> (0)>
#map1 = affine_map<(d0, d1) -> (0, 0)>
#map2 = affine_map<(d0, d1) -> (0, 0, 0)>
module attributes {stable_mosaic.version = 14 : i64} {
  func.func @body(%arg0: i32, %arg1: i32, %arg2: memref<6400000xi32, #tpu.memory_space<hbm>>, %arg3: memref<800x16xf32, #tpu.memory_space<hbm>>, %arg4: memref<6256x16xf32, #tpu.memory_space<hbm>>, %arg5: memref<2x100096x16xf32, #tpu.memory_space<hbm>>, %arg6: memref<100096x16xf32, #tpu.memory_space<vmem_shared>>, %arg7: memref<800xi32, #tpu.memory_space<vmem>>, %arg8: memref<800xi32, #tpu.memory_space<vmem>>, %arg9: memref<800x16xf32, #tpu.memory_space<vmem>>) attributes {dimension_semantics = [#tpu.dimension_semantics<core_parallel>, #tpu.dimension_semantics<subcore_parallel>], iteration_bounds = array<i64: 2, 16>, scalar_prefetch = 0 : i64, scratch_operands = 4 : i64, tpu.core_type = #tpu.core_type<sc_vector_subcore>, window_params = [{transform_indices = #map}, {transform_indices = #map1}, {transform_indices = #map1}, {transform_indices = #map2}]} {
    %mul3A = arith.constant 2 : i32
    %mul3A_0 = arith.muli %arg1, %mul3A : i32
    %add3A = arith.addi %mul3A_0, %arg0 : i32
    %mul3A_1 = arith.constant 6256 : i32
    %mul3A_2 = arith.muli %arg1, %mul3A_1 : i32
    "tpu.region"() ({
      %run_scoped3A = tpu.sem_alloc : memref<!tpu.dma_semaphore, #tpu.memory_space<semaphore_mem>>
      %dma_start3A = arith.constant 0 : i32
      %dma_start3A_20 = tpu.memref_slice %arg6[%mul3A_2, %dma_start3A] : memref<100096x16xf32, #tpu.memory_space<vmem_shared>> -> memref<6256x16xf32, #tpu.memory_space<vmem_shared>>
      tpu.enqueue_dma source(%arg4 : memref<6256x16xf32, #tpu.memory_space<hbm>>) target(%dma_start3A_20 : memref<6256x16xf32, #tpu.memory_space<vmem_shared>>) target_semaphore(%run_scoped3A : memref<!tpu.dma_semaphore, #tpu.memory_space<semaphore_mem>>)
      %dma_wait3A = arith.constant 0 : i32
      %dma_wait3A_21 = tpu.memref_slice %arg6[%mul3A_2, %dma_wait3A] : memref<100096x16xf32, #tpu.memory_space<vmem_shared>> -> memref<6256x16xf32, #tpu.memory_space<vmem_shared>>
      tpu.wait_dma2 semaphore(%run_scoped3A : memref<!tpu.dma_semaphore, #tpu.memory_space<semaphore_mem>>) src(%arg4 : memref<6256x16xf32, #tpu.memory_space<hbm>>) dst(%dma_wait3A_21 : memref<6256x16xf32, #tpu.memory_space<vmem_shared>>)
      tpu.yield
    }) : () -> ()
    "tpu.region"() ({
      %run_scoped3A = tpu.sem_alloc : memref<!tpu.dma_semaphore, #tpu.memory_space<semaphore_mem>>
      tpu.enqueue_dma source(%arg3 : memref<800x16xf32, #tpu.memory_space<hbm>>) target(%arg9 : memref<800x16xf32, #tpu.memory_space<vmem>>) target_semaphore(%run_scoped3A : memref<!tpu.dma_semaphore, #tpu.memory_space<semaphore_mem>>)
      tpu.wait_dma2 semaphore(%run_scoped3A : memref<!tpu.dma_semaphore, #tpu.memory_space<semaphore_mem>>) src(%arg3 : memref<800x16xf32, #tpu.memory_space<hbm>>) dst(%arg9 : memref<800x16xf32, #tpu.memory_space<vmem>>)
      tpu.yield
    }) : () -> ()
    %barrier3A = arith.constant 0 : index
    tpu.barrier barrier_id(%barrier3A)
    %mul3A_3 = arith.constant 250 : i32
    %mul3A_4 = arith.muli %add3A, %mul3A_3 : i32
    %add3A_5 = arith.constant 0 : i32
    %add3A_6 = arith.addi %mul3A_4, %add3A_5 : i32
    %add3A_7 = arith.constant 0 : i32
    %add3A_8 = arith.addi %add3A_6, %add3A_7 : i32
    %mul3A_9 = arith.constant 800 : i32
    %mul3A_10 = arith.muli %add3A_8, %mul3A_9 : i32
    "tpu.region"() ({
      %run_scoped3A = tpu.sem_alloc : memref<!tpu.dma_semaphore, #tpu.memory_space<semaphore_mem>>
      %dma_start3A = tpu.memref_slice %arg2[%mul3A_10] : memref<6400000xi32, #tpu.memory_space<hbm>> -> memref<800xi32, #tpu.memory_space<hbm>>
      %dma_start3A_20 = tpu.memref_slice %arg2[%mul3A_10] : memref<6400000xi32, #tpu.memory_space<hbm>> -> memref<800xi32, #tpu.memory_space<hbm>>
      tpu.enqueue_dma source(%dma_start3A_20 : memref<800xi32, #tpu.memory_space<hbm>>) target(%arg7 : memref<800xi32, #tpu.memory_space<vmem>>) target_semaphore(%run_scoped3A : memref<!tpu.dma_semaphore, #tpu.memory_space<semaphore_mem>>)
      %dma_wait3A = tpu.memref_slice %arg2[%mul3A_10] : memref<6400000xi32, #tpu.memory_space<hbm>> -> memref<800xi32, #tpu.memory_space<hbm>>
      %dma_wait3A_21 = tpu.memref_slice %arg2[%mul3A_10] : memref<6400000xi32, #tpu.memory_space<hbm>> -> memref<800xi32, #tpu.memory_space<hbm>>
      tpu.wait_dma2 semaphore(%run_scoped3A : memref<!tpu.dma_semaphore, #tpu.memory_space<semaphore_mem>>) src(%dma_wait3A_21 : memref<800xi32, #tpu.memory_space<hbm>>) dst(%arg7 : memref<800xi32, #tpu.memory_space<vmem>>)
      tpu.yield
    }) : () -> ()
    %scan3A = arith.constant 0 : i32
    %scan3A_11 = arith.constant 0 : i32
    %scan3A_12 = arith.constant 126 : i32
    %scan3A_13 = arith.addi %scan3A_11, %scan3A_12 : i32
    %scan3A_14 = arith.constant 1 : i32
    %scan3A_15 = scf.for %scan3A_20 = %scan3A_11 to %scan3A_13 step %scan3A_14 iter_args(%scan3A_21 = %scan3A) -> (i32)  : i32 {
      %mul3A_22 = arith.constant 2 : i32
      %mul3A_23 = arith.muli %mul3A_22, %scan3A_20 : i32
      %add3A_24 = arith.constant 1 : i32
      %add3A_25 = arith.addi %mul3A_23, %add3A_24 : i32
      %lt3A = arith.constant 250 : i32
      %lt3A_26 = arith.cmpi slt, %add3A_25, %lt3A : i32
      %convert_element_type3A = arith.extui %lt3A_26 : i1 to i32
      %cond3A = arith.constant 0 : i32
      %cond3A_27 = arith.cmpi ne, %convert_element_type3A, %cond3A : i32
      scf.if %cond3A_27 {
        %add3A_50 = arith.constant 1 : i32
        %add3A_51 = arith.addi %mul3A_23, %add3A_50 : i32
        %add3A_52 = arith.addi %add3A_6, %add3A_51 : i32
        %mul3A_53 = arith.constant 800 : i32
        %mul3A_54 = arith.muli %add3A_52, %mul3A_53 : i32
        "tpu.region"() ({
          %run_scoped3A = tpu.sem_alloc : memref<!tpu.dma_semaphore, #tpu.memory_space<semaphore_mem>>
          %dma_start3A = tpu.memref_slice %arg2[%mul3A_54] : memref<6400000xi32, #tpu.memory_space<hbm>> -> memref<800xi32, #tpu.memory_space<hbm>>
          %dma_start3A_55 = tpu.memref_slice %arg2[%mul3A_54] : memref<6400000xi32, #tpu.memory_space<hbm>> -> memref<800xi32, #tpu.memory_space<hbm>>
          tpu.enqueue_dma source(%dma_start3A_55 : memref<800xi32, #tpu.memory_space<hbm>>) target(%arg8 : memref<800xi32, #tpu.memory_space<vmem>>) target_semaphore(%run_scoped3A : memref<!tpu.dma_semaphore, #tpu.memory_space<semaphore_mem>>)
          %dma_wait3A = tpu.memref_slice %arg2[%mul3A_54] : memref<6400000xi32, #tpu.memory_space<hbm>> -> memref<800xi32, #tpu.memory_space<hbm>>
          %dma_wait3A_56 = tpu.memref_slice %arg2[%mul3A_54] : memref<6400000xi32, #tpu.memory_space<hbm>> -> memref<800xi32, #tpu.memory_space<hbm>>
          tpu.wait_dma2 semaphore(%run_scoped3A : memref<!tpu.dma_semaphore, #tpu.memory_space<semaphore_mem>>) src(%dma_wait3A_56 : memref<800xi32, #tpu.memory_space<hbm>>) dst(%arg8 : memref<800xi32, #tpu.memory_space<vmem>>)
          tpu.yield
        }) : () -> ()
      } else {
      }
      %lt3A_28 = arith.constant 250 : i32
      %lt3A_29 = arith.cmpi slt, %mul3A_23, %lt3A_28 : i32
      %convert_element_type3A_30 = arith.extui %lt3A_29 : i1 to i32
      %cond3A_31 = arith.constant 0 : i32
      %cond3A_32 = arith.cmpi ne, %convert_element_type3A_30, %cond3A_31 : i32
      scf.if %cond3A_32 {
        "tpu.region"() ({
          %run_scoped3A = tpu.sem_alloc : memref<!tpu.dma_semaphore, #tpu.memory_space<semaphore_mem>>
          %dma_start3A = arith.constant 0 : i32
          %dma_start3A_50 = arith.constant 0 : i32
          %dma_start3A_51 = tpu.memref_slice %arg6[%dma_start3A, %dma_start3A_50] : memref<100096x16xf32, #tpu.memory_space<vmem_shared>> -> memref<100096x16xf32, #tpu.memory_space<vmem_shared>>
          tpu.enqueue_indirect_dma source(%arg9 : memref<800x16xf32, #tpu.memory_space<vmem>>) target(%dma_start3A_51 : memref<100096x16xf32, #tpu.memory_space<vmem_shared>>) offsets(%arg7 : memref<800xi32, #tpu.memory_space<vmem>>) semaphore(%run_scoped3A : memref<!tpu.dma_semaphore, #tpu.memory_space<semaphore_mem>>) {add = true}
          %dma_wait3A = arith.constant 0 : i32
          %dma_wait3A_52 = arith.constant 0 : i32
          %dma_wait3A_53 = tpu.memref_slice %arg6[%dma_wait3A, %dma_wait3A_52] : memref<100096x16xf32, #tpu.memory_space<vmem_shared>> -> memref<100096x16xf32, #tpu.memory_space<vmem_shared>>
          tpu.wait_indirect_dma semaphore(%run_scoped3A : memref<!tpu.dma_semaphore, #tpu.memory_space<semaphore_mem>>) src(%arg9 : memref<800x16xf32, #tpu.memory_space<vmem>>) dst(%dma_wait3A_53 : memref<100096x16xf32, #tpu.memory_space<vmem_shared>>)
          tpu.yield
        }) : () -> ()
      } else {
      }
      %mul3A_33 = arith.constant 2 : i32
      %mul3A_34 = arith.muli %mul3A_33, %scan3A_20 : i32
      %add3A_35 = arith.constant 1 : i32
      %add3A_36 = arith.addi %mul3A_34, %add3A_35 : i32
      %add3A_37 = arith.constant 1 : i32
      %add3A_38 = arith.addi %add3A_36, %add3A_37 : i32
      %lt3A_39 = arith.constant 250 : i32
      %lt3A_40 = arith.cmpi slt, %add3A_38, %lt3A_39 : i32
      %convert_element_type3A_41 = arith.extui %lt3A_40 : i1 to i32
      %cond3A_42 = arith.constant 0 : i32
      %cond3A_43 = arith.cmpi ne, %convert_element_type3A_41, %cond3A_42 : i32
      scf.if %cond3A_43 {
        %add3A_50 = arith.constant 1 : i32
        %add3A_51 = arith.addi %add3A_36, %add3A_50 : i32
        %add3A_52 = arith.addi %add3A_6, %add3A_51 : i32
        %mul3A_53 = arith.constant 800 : i32
        %mul3A_54 = arith.muli %add3A_52, %mul3A_53 : i32
        "tpu.region"() ({
          %run_scoped3A = tpu.sem_alloc : memref<!tpu.dma_semaphore, #tpu.memory_space<semaphore_mem>>
          %dma_start3A = tpu.memref_slice %arg2[%mul3A_54] : memref<6400000xi32, #tpu.memory_space<hbm>> -> memref<800xi32, #tpu.memory_space<hbm>>
          %dma_start3A_55 = tpu.memref_slice %arg2[%mul3A_54] : memref<6400000xi32, #tpu.memory_space<hbm>> -> memref<800xi32, #tpu.memory_space<hbm>>
          tpu.enqueue_dma source(%dma_start3A_55 : memref<800xi32, #tpu.memory_space<hbm>>) target(%arg7 : memref<800xi32, #tpu.memory_space<vmem>>) target_semaphore(%run_scoped3A : memref<!tpu.dma_semaphore, #tpu.memory_space<semaphore_mem>>)
          %dma_wait3A = tpu.memref_slice %arg2[%mul3A_54] : memref<6400000xi32, #tpu.memory_space<hbm>> -> memref<800xi32, #tpu.memory_space<hbm>>
          %dma_wait3A_56 = tpu.memref_slice %arg2[%mul3A_54] : memref<6400000xi32, #tpu.memory_space<hbm>> -> memref<800xi32, #tpu.memory_space<hbm>>
          tpu.wait_dma2 semaphore(%run_scoped3A : memref<!tpu.dma_semaphore, #tpu.memory_space<semaphore_mem>>) src(%dma_wait3A_56 : memref<800xi32, #tpu.memory_space<hbm>>) dst(%arg7 : memref<800xi32, #tpu.memory_space<vmem>>)
          tpu.yield
        }) : () -> ()
      } else {
      }
      %lt3A_44 = arith.constant 250 : i32
      %lt3A_45 = arith.cmpi slt, %add3A_36, %lt3A_44 : i32
      %convert_element_type3A_46 = arith.extui %lt3A_45 : i1 to i32
      %cond3A_47 = arith.constant 0 : i32
      %cond3A_48 = arith.cmpi ne, %convert_element_type3A_46, %cond3A_47 : i32
      scf.if %cond3A_48 {
        "tpu.region"() ({
          %run_scoped3A = tpu.sem_alloc : memref<!tpu.dma_semaphore, #tpu.memory_space<semaphore_mem>>
          %dma_start3A = arith.constant 0 : i32
          %dma_start3A_50 = arith.constant 0 : i32
          %dma_start3A_51 = tpu.memref_slice %arg6[%dma_start3A, %dma_start3A_50] : memref<100096x16xf32, #tpu.memory_space<vmem_shared>> -> memref<100096x16xf32, #tpu.memory_space<vmem_shared>>
          tpu.enqueue_indirect_dma source(%arg9 : memref<800x16xf32, #tpu.memory_space<vmem>>) target(%dma_start3A_51 : memref<100096x16xf32, #tpu.memory_space<vmem_shared>>) offsets(%arg8 : memref<800xi32, #tpu.memory_space<vmem>>) semaphore(%run_scoped3A : memref<!tpu.dma_semaphore, #tpu.memory_space<semaphore_mem>>) {add = true}
          %dma_wait3A = arith.constant 0 : i32
          %dma_wait3A_52 = arith.constant 0 : i32
          %dma_wait3A_53 = tpu.memref_slice %arg6[%dma_wait3A, %dma_wait3A_52] : memref<100096x16xf32, #tpu.memory_space<vmem_shared>> -> memref<100096x16xf32, #tpu.memory_space<vmem_shared>>
          tpu.wait_indirect_dma semaphore(%run_scoped3A : memref<!tpu.dma_semaphore, #tpu.memory_space<semaphore_mem>>) src(%arg9 : memref<800x16xf32, #tpu.memory_space<vmem>>) dst(%dma_wait3A_53 : memref<100096x16xf32, #tpu.memory_space<vmem_shared>>)
          tpu.yield
        }) : () -> ()
      } else {
      }
      %scan3A_49 = arith.constant 0 : i32
      scf.yield %scan3A_49 : i32
    }
    %scan3A_16 = arith.constant 126 : i32
    %barrier3A_17 = arith.constant 0 : index
    tpu.barrier barrier_id(%barrier3A_17)
    %mul3A_18 = arith.constant 6256 : i32
    %mul3A_19 = arith.muli %arg1, %mul3A_18 : i32
    "tpu.region"() ({
      %run_scoped3A = tpu.sem_alloc : memref<!tpu.dma_semaphore, #tpu.memory_space<semaphore_mem>>
      %dma_start3A = arith.constant 0 : i32
      %dma_start3A_20 = tpu.memref_slice %arg5[%arg0, %mul3A_19, %dma_start3A] : memref<2x100096x16xf32, #tpu.memory_space<hbm>> -> memref<1x6256x16xf32, #tpu.memory_space<hbm>>
      %dma_start3A_21 = tpu.memref_squeeze %dma_start3A_20 : memref<1x6256x16xf32, #tpu.memory_space<hbm>> -> memref<6256x16xf32, #tpu.memory_space<hbm>>
      %dma_start3A_22 = arith.constant 0 : i32
      %dma_start3A_23 = tpu.memref_slice %arg6[%mul3A_19, %dma_start3A_22] : memref<100096x16xf32, #tpu.memory_space<vmem_shared>> -> memref<6256x16xf32, #tpu.memory_space<vmem_shared>>
      tpu.enqueue_dma source(%dma_start3A_23 : memref<6256x16xf32, #tpu.memory_space<vmem_shared>>) target(%dma_start3A_21 : memref<6256x16xf32, #tpu.memory_space<hbm>>) target_semaphore(%run_scoped3A : memref<!tpu.dma_semaphore, #tpu.memory_space<semaphore_mem>>)
      %dma_wait3A = arith.constant 0 : i32
      %dma_wait3A_24 = tpu.memref_slice %arg5[%arg0, %mul3A_19, %dma_wait3A] : memref<2x100096x16xf32, #tpu.memory_space<hbm>> -> memref<1x6256x16xf32, #tpu.memory_space<hbm>>
      %dma_wait3A_25 = tpu.memref_squeeze %dma_wait3A_24 : memref<1x6256x16xf32, #tpu.memory_space<hbm>> -> memref<6256x16xf32, #tpu.memory_space<hbm>>
      %dma_wait3A_26 = arith.constant 0 : i32
      %dma_wait3A_27 = tpu.memref_slice %arg6[%mul3A_19, %dma_wait3A_26] : memref<100096x16xf32, #tpu.memory_space<vmem_shared>> -> memref<6256x16xf32, #tpu.memory_space<vmem_shared>>
      tpu.wait_dma2 semaphore(%run_scoped3A : memref<!tpu.dma_semaphore, #tpu.memory_space<semaphore_mem>>) src(%dma_wait3A_27 : memref<6256x16xf32, #tpu.memory_space<vmem_shared>>) dst(%dma_wait3A_25 : memref<6256x16xf32, #tpu.memory_space<hbm>>)
      tpu.yield
    }) : () -> ()
    return
  }
}

module attributes {stable_mosaic.version = 14 : i64} {
  func.func @pre1_body(%arg0: i32, %arg1: memref<2x2000x16xf32, #tpu.memory_space<vmem>>, %arg2: memref<2000x2xf32, #tpu.memory_space<vmem>>, %arg3: memref<2x16xf32, #tpu.memory_space<vmem>>, %arg4: memref<2000x1xf32, #tpu.memory_space<vmem>>, %arg5: memref<2000x16xf32, #tpu.memory_space<vmem>>) attributes {dimension_semantics = [#tpu.dimension_semantics<arbitrary>], iteration_bounds = array<i64: 50>, scalar_prefetch = 0 : i64, scratch_operands = 0 : i64, tpu.core_type = #tpu.core_type<tc>, window_params = [{transform_indices = @transform_0, window_bounds = array<i64: 2, 2000, 16>}, {transform_indices = @transform_1, window_bounds = array<i64: 2000, 2>}, {pipeline_mode = #tpu.pipeline_mode<synchronous>, transform_indices = @transform_2, window_bounds = array<i64: 2, 16>}, {transform_indices = @transform_3, window_bounds = array<i64: 2000, 1>}, {transform_indices = @transform_4, window_bounds = array<i64: 2000, 16>}]} {
    %get3A = arith.constant 0 : index
    %get3A_0 = arith.constant 0 : index
    %get3A_1 = arith.constant 0 : index
    %get3A_2 = vector.load %arg1[%get3A, %get3A_0, %get3A_1] : memref<2x2000x16xf32, #tpu.memory_space<vmem>>, vector<2x2000x16xf32>
    %slice3A = vector.extract_strided_slice %get3A_2 {offsets = [0, 0, 0], sizes = [1, 2000, 1], strides = [1, 1, 1]} : vector<2x2000x16xf32> to vector<1x2000x1xf32>
    %squeeze3A = vector.shape_cast %slice3A : vector<1x2000x1xf32> to vector<2000x1xf32>
    %slice3A_3 = vector.extract_strided_slice %get3A_2 {offsets = [1, 0, 0], sizes = [1, 2000, 1], strides = [1, 1, 1]} : vector<2x2000x16xf32> to vector<1x2000x1xf32>
    %squeeze3A_4 = vector.shape_cast %slice3A_3 : vector<1x2000x1xf32> to vector<2000x1xf32>
    %add3A = arith.addf %squeeze3A, %squeeze3A_4 : vector<2000x1xf32>
    %add3A_5 = arith.constant 1.000000e+00 : f32
    %add3A_6 = vector.broadcast %add3A_5 : f32 to vector<2000x1xf32>
    %add3A_7 = arith.addf %add3A, %add3A_6 : vector<2000x1xf32>
    %rsqrt3A = math.rsqrt %add3A_7 : vector<2000x1xf32>
    %swap3A = arith.constant 0 : index
    %swap3A_8 = arith.constant 0 : index
    %swap3A_9 = vector.load %arg4[%swap3A, %swap3A_8] : memref<2000x1xf32, #tpu.memory_space<vmem>>, vector<2000x1xf32>
    tpu.vector_store %arg4[%swap3A, %swap3A_8], %rsqrt3A {strides = array<i32>} : memref<2000x1xf32, #tpu.memory_space<vmem>>, vector<2000x1xf32>,
    %get3A_10 = arith.constant 0 : index
    %get3A_11 = arith.constant 0 : index
    %get3A_12 = vector.load %arg2[%get3A_10, %get3A_11] : memref<2000x2xf32, #tpu.memory_space<vmem>>, vector<2000x2xf32>
    %get3A_13 = arith.constant 0 : index
    %get3A_14 = arith.constant 0 : index
    %get3A_15 = vector.load %arg3[%get3A_13, %get3A_14] : memref<2x16xf32, #tpu.memory_space<vmem>>, vector<2x16xf32>
    %dot_general3A = arith.constant dense<0.000000e+00> : vector<2000x16xf32>
    %dot_general3A_16 = tpu.matmul %get3A_12, %get3A_15, %dot_general3A {dimension_numbers = #tpu.dot_dimension_numbers<[1], [0], [0], [1], [0, 0, 1, 1], [], []>, transpose_lhs_hint = false} : vector<2000x2xf32>, vector<2x16xf32>, vector<2000x16xf32> -> vector<2000x16xf32>
    %mul3A = vector.broadcast %rsqrt3A : vector<2000x1xf32> to vector<2000x16xf32>
    %mul3A_17 = arith.mulf %dot_general3A_16, %mul3A : vector<2000x16xf32>
    %swap3A_18 = arith.constant 0 : index
    %swap3A_19 = arith.constant 0 : index
    %swap3A_20 = vector.load %arg5[%swap3A_18, %swap3A_19] : memref<2000x16xf32, #tpu.memory_space<vmem>>, vector<2000x16xf32>
    tpu.vector_store %arg5[%swap3A_18, %swap3A_19], %mul3A_17 {strides = array<i32>} : memref<2000x16xf32, #tpu.memory_space<vmem>>, vector<2000x16xf32>,
    return
  }
  func.func @transform_0(%arg0: i32) -> (i32, i32, i32) {
    %c0_i32 = arith.constant 0 : i32
    %c0_i32_0 = arith.constant 0 : i32
    %c0_i32_1 = arith.constant 0 : i32
    return %c0_i32, %arg0, %c0_i32_0 : i32, i32, i32
  }
  func.func @transform_1(%arg0: i32) -> (i32, i32) {
    %c0_i32 = arith.constant 0 : i32
    %c0_i32_0 = arith.constant 0 : i32
    return %arg0, %c0_i32 : i32, i32
  }
  func.func @transform_2(%arg0: i32) -> (i32, i32) {
    %c0_i32 = arith.constant 0 : i32
    %c0_i32_0 = arith.constant 0 : i32
    %c0_i32_1 = arith.constant 0 : i32
    return %c0_i32, %c0_i32_0 : i32, i32
  }
  func.func @transform_3(%arg0: i32) -> (i32, i32) {
    %c0_i32 = arith.constant 0 : i32
    %c0_i32_0 = arith.constant 0 : i32
    return %arg0, %c0_i32 : i32, i32
  }
  func.func @transform_4(%arg0: i32) -> (i32, i32) {
    %c0_i32 = arith.constant 0 : i32
    %c0_i32_0 = arith.constant 0 : i32
    return %arg0, %c0_i32 : i32, i32
  }
}

module attributes {stable_mosaic.version = 14 : i64} {
  func.func @mid1_body(%arg0: i32, %arg1: memref<2x2000x16xf32, #tpu.memory_space<vmem>>, %arg2: memref<2000x16xf32, #tpu.memory_space<vmem>>, %arg3: memref<2000x1xf32, #tpu.memory_space<vmem>>, %arg4: memref<1x16xf32, #tpu.memory_space<vmem>>, %arg5: memref<16x32xf32, #tpu.memory_space<vmem>>, %arg6: memref<2x2000x16xf32, #tpu.memory_space<vmem>>) attributes {dimension_semantics = [#tpu.dimension_semantics<arbitrary>], iteration_bounds = array<i64: 50>, scalar_prefetch = 0 : i64, scratch_operands = 0 : i64, tpu.core_type = #tpu.core_type<tc>, window_params = [{transform_indices = @transform_0, window_bounds = array<i64: 2, 2000, 16>}, {transform_indices = @transform_1, window_bounds = array<i64: 2000, 16>}, {transform_indices = @transform_2, window_bounds = array<i64: 2000, 1>}, {pipeline_mode = #tpu.pipeline_mode<synchronous>, transform_indices = @transform_3, window_bounds = array<i64: 1, 16>}, {pipeline_mode = #tpu.pipeline_mode<synchronous>, transform_indices = @transform_4, window_bounds = array<i64: 16, 32>}, {transform_indices = @transform_5, window_bounds = array<i64: 2, 2000, 16>}]} {
    %get3A = arith.constant 0 : index
    %get3A_0 = arith.constant 0 : index
    %get3A_1 = arith.constant 0 : index
    %get3A_2 = vector.load %arg1[%get3A, %get3A_0, %get3A_1] : memref<2x2000x16xf32, #tpu.memory_space<vmem>>, vector<2x2000x16xf32>
    %get3A_3 = arith.constant 0 : index
    %get3A_4 = arith.constant 0 : index
    %get3A_5 = vector.load %arg3[%get3A_3, %get3A_4] : memref<2000x1xf32, #tpu.memory_space<vmem>>, vector<2000x1xf32>
    %slice3A = vector.extract_strided_slice %get3A_2 {offsets = [0, 0, 0], sizes = [1, 2000, 16], strides = [1, 1, 1]} : vector<2x2000x16xf32> to vector<1x2000x16xf32>
    %squeeze3A = vector.shape_cast %slice3A : vector<1x2000x16xf32> to vector<2000x16xf32>
    %slice3A_6 = vector.extract_strided_slice %get3A_2 {offsets = [1, 0, 0], sizes = [1, 2000, 16], strides = [1, 1, 1]} : vector<2x2000x16xf32> to vector<1x2000x16xf32>
    %squeeze3A_7 = vector.shape_cast %slice3A_6 : vector<1x2000x16xf32> to vector<2000x16xf32>
    %add3A = arith.addf %squeeze3A, %squeeze3A_7 : vector<2000x16xf32>
    %get3A_8 = arith.constant 0 : index
    %get3A_9 = arith.constant 0 : index
    %get3A_10 = vector.load %arg2[%get3A_8, %get3A_9] : memref<2000x16xf32, #tpu.memory_space<vmem>>, vector<2000x16xf32>
    %add3A_11 = arith.addf %add3A, %get3A_10 : vector<2000x16xf32>
    %mul3A = vector.broadcast %get3A_5 : vector<2000x1xf32> to vector<2000x16xf32>
    %mul3A_12 = arith.mulf %add3A_11, %mul3A : vector<2000x16xf32>
    %get3A_13 = arith.constant 0 : index
    %get3A_14 = arith.constant 0 : index
    %get3A_15 = vector.load %arg4[%get3A_13, %get3A_14] : memref<1x16xf32, #tpu.memory_space<vmem>>, vector<1x16xf32>
    %add3A_16 = vector.broadcast %get3A_15 : vector<1x16xf32> to vector<2000x16xf32>
    %add3A_17 = arith.addf %mul3A_12, %add3A_16 : vector<2000x16xf32>
    %max3A = arith.constant 0.000000e+00 : f32
    %max3A_18 = vector.broadcast %max3A : f32 to vector<2000x16xf32>
    %max3A_19 = arith.maximumf %add3A_17, %max3A_18 : vector<2000x16xf32>
    %get3A_20 = arith.constant 0 : index
    %get3A_21 = arith.constant 0 : index
    %get3A_22 = vector.load %arg5[%get3A_20, %get3A_21] : memref<16x32xf32, #tpu.memory_space<vmem>>, vector<16x32xf32>
    %dot_general3A = arith.constant dense<0.000000e+00> : vector<2000x32xf32>
    %dot_general3A_23 = tpu.matmul %max3A_19, %get3A_22, %dot_general3A {dimension_numbers = #tpu.dot_dimension_numbers<[1], [0], [0], [1], [0, 0, 1, 1], [], []>, transpose_lhs_hint = false} : vector<2000x16xf32>, vector<16x32xf32>, vector<2000x32xf32> -> vector<2000x32xf32>
    %mul3A_24 = vector.broadcast %get3A_5 : vector<2000x1xf32> to vector<2000x32xf32>
    %mul3A_25 = arith.mulf %dot_general3A_23, %mul3A_24 : vector<2000x32xf32>
    %slice3A_26 = vector.extract_strided_slice %mul3A_25 {offsets = [0, 0], sizes = [2000, 16], strides = [1, 1]} : vector<2000x32xf32> to vector<2000x16xf32>
    %swap3A = arith.constant 0 : index
    %swap3A_27 = arith.constant 0 : index
    %swap3A_28 = arith.constant 0 : index
    %swap3A_29 = vector.load %arg6[%swap3A, %swap3A_27, %swap3A_28] : memref<2x2000x16xf32, #tpu.memory_space<vmem>>, vector<1x2000x16xf32>
    %swap3A_30 = vector.shape_cast %swap3A_29 : vector<1x2000x16xf32> to vector<2000x16xf32>
    %swap3A_31 = vector.shape_cast %slice3A_26 : vector<2000x16xf32> to vector<1x2000x16xf32>
    tpu.vector_store %arg6[%swap3A, %swap3A_27, %swap3A_28], %swap3A_31 {strides = array<i32>} : memref<2x2000x16xf32, #tpu.memory_space<vmem>>, vector<1x2000x16xf32>,
    %slice3A_32 = vector.extract_strided_slice %mul3A_25 {offsets = [0, 16], sizes = [2000, 16], strides = [1, 1]} : vector<2000x32xf32> to vector<2000x16xf32>
    %swap3A_33 = arith.constant 1 : index
    %swap3A_34 = arith.constant 0 : index
    %swap3A_35 = arith.constant 0 : index
    %swap3A_36 = vector.load %arg6[%swap3A_33, %swap3A_34, %swap3A_35] : memref<2x2000x16xf32, #tpu.memory_space<vmem>>, vector<1x2000x16xf32>
    %swap3A_37 = vector.shape_cast %swap3A_36 : vector<1x2000x16xf32> to vector<2000x16xf32>
    %swap3A_38 = vector.shape_cast %slice3A_32 : vector<2000x16xf32> to vector<1x2000x16xf32>
    tpu.vector_store %arg6[%swap3A_33, %swap3A_34, %swap3A_35], %swap3A_38 {strides = array<i32>} : memref<2x2000x16xf32, #tpu.memory_space<vmem>>, vector<1x2000x16xf32>,
    return
  }
  func.func @transform_0(%arg0: i32) -> (i32, i32, i32) {
    %c0_i32 = arith.constant 0 : i32
    %c0_i32_0 = arith.constant 0 : i32
    %c0_i32_1 = arith.constant 0 : i32
    return %c0_i32, %arg0, %c0_i32_0 : i32, i32, i32
  }
  func.func @transform_1(%arg0: i32) -> (i32, i32) {
    %c0_i32 = arith.constant 0 : i32
    %c0_i32_0 = arith.constant 0 : i32
    return %arg0, %c0_i32 : i32, i32
  }
  func.func @transform_2(%arg0: i32) -> (i32, i32) {
    %c0_i32 = arith.constant 0 : i32
    %c0_i32_0 = arith.constant 0 : i32
    return %arg0, %c0_i32 : i32, i32
  }
  func.func @transform_3(%arg0: i32) -> (i32, i32) {
    %c0_i32 = arith.constant 0 : i32
    %c0_i32_0 = arith.constant 0 : i32
    %c0_i32_1 = arith.constant 0 : i32
    return %c0_i32, %c0_i32_0 : i32, i32
  }
  func.func @transform_4(%arg0: i32) -> (i32, i32) {
    %c0_i32 = arith.constant 0 : i32
    %c0_i32_0 = arith.constant 0 : i32
    %c0_i32_1 = arith.constant 0 : i32
    return %c0_i32, %c0_i32_0 : i32, i32
  }
  func.func @transform_5(%arg0: i32) -> (i32, i32, i32) {
    %c0_i32 = arith.constant 0 : i32
    %c0_i32_0 = arith.constant 0 : i32
    %c0_i32_1 = arith.constant 0 : i32
    return %c0_i32, %arg0, %c0_i32_0 : i32, i32, i32
  }
}

module attributes {stable_mosaic.version = 14 : i64} {
  func.func @mid2_body(%arg0: i32, %arg1: memref<2x2000x16xf32, #tpu.memory_space<vmem>>, %arg2: memref<2x2000x16xf32, #tpu.memory_space<vmem>>, %arg3: memref<2000x1xf32, #tpu.memory_space<vmem>>, %arg4: memref<1x32xf32, #tpu.memory_space<vmem>>, %arg5: memref<32x1xf32, #tpu.memory_space<vmem>>, %arg6: memref<2000x16xf32, #tpu.memory_space<vmem>>) attributes {dimension_semantics = [#tpu.dimension_semantics<arbitrary>], iteration_bounds = array<i64: 50>, scalar_prefetch = 0 : i64, scratch_operands = 0 : i64, tpu.core_type = #tpu.core_type<tc>, window_params = [{transform_indices = @transform_0, window_bounds = array<i64: 2, 2000, 16>}, {transform_indices = @transform_1, window_bounds = array<i64: 2, 2000, 16>}, {transform_indices = @transform_2, window_bounds = array<i64: 2000, 1>}, {pipeline_mode = #tpu.pipeline_mode<synchronous>, transform_indices = @transform_3, window_bounds = array<i64: 1, 32>}, {pipeline_mode = #tpu.pipeline_mode<synchronous>, transform_indices = @transform_4, window_bounds = array<i64: 32, 1>}, {transform_indices = @transform_5, window_bounds = array<i64: 2000, 16>}]} {
    %get3A = arith.constant 0 : index
    %get3A_0 = arith.constant 0 : index
    %get3A_1 = arith.constant 0 : index
    %get3A_2 = vector.load %arg1[%get3A, %get3A_0, %get3A_1] : memref<2x2000x16xf32, #tpu.memory_space<vmem>>, vector<2x2000x16xf32>
    %get3A_3 = arith.constant 0 : index
    %get3A_4 = arith.constant 0 : index
    %get3A_5 = arith.constant 0 : index
    %get3A_6 = vector.load %arg2[%get3A_3, %get3A_4, %get3A_5] : memref<2x2000x16xf32, #tpu.memory_space<vmem>>, vector<2x2000x16xf32>
    %get3A_7 = arith.constant 0 : index
    %get3A_8 = arith.constant 0 : index
    %get3A_9 = vector.load %arg3[%get3A_7, %get3A_8] : memref<2000x1xf32, #tpu.memory_space<vmem>>, vector<2000x1xf32>
    %slice3A = vector.extract_strided_slice %get3A_2 {offsets = [0, 0, 0], sizes = [1, 2000, 16], strides = [1, 1, 1]} : vector<2x2000x16xf32> to vector<1x2000x16xf32>
    %squeeze3A = vector.shape_cast %slice3A : vector<1x2000x16xf32> to vector<2000x16xf32>
    %slice3A_10 = vector.extract_strided_slice %get3A_6 {offsets = [0, 0, 0], sizes = [1, 2000, 16], strides = [1, 1, 1]} : vector<2x2000x16xf32> to vector<1x2000x16xf32>
    %squeeze3A_11 = vector.shape_cast %slice3A_10 : vector<1x2000x16xf32> to vector<2000x16xf32>
    %add3A = arith.addf %squeeze3A, %squeeze3A_11 : vector<2000x16xf32>
    %slice3A_12 = vector.extract_strided_slice %get3A_2 {offsets = [1, 0, 0], sizes = [1, 2000, 16], strides = [1, 1, 1]} : vector<2x2000x16xf32> to vector<1x2000x16xf32>
    %squeeze3A_13 = vector.shape_cast %slice3A_12 : vector<1x2000x16xf32> to vector<2000x16xf32>
    %slice3A_14 = vector.extract_strided_slice %get3A_6 {offsets = [1, 0, 0], sizes = [1, 2000, 16], strides = [1, 1, 1]} : vector<2x2000x16xf32> to vector<1x2000x16xf32>
    %squeeze3A_15 = vector.shape_cast %slice3A_14 : vector<1x2000x16xf32> to vector<2000x16xf32>
    %add3A_16 = arith.addf %squeeze3A_13, %squeeze3A_15 : vector<2000x16xf32>
    %concatenate3A = tpu.concatenate %add3A, %add3A_16 in 1 : vector<2000x16xf32>, vector<2000x16xf32> -> vector<2000x32xf32>
    %mul3A = vector.broadcast %get3A_9 : vector<2000x1xf32> to vector<2000x32xf32>
    %mul3A_17 = arith.mulf %concatenate3A, %mul3A : vector<2000x32xf32>
    %get3A_18 = arith.constant 0 : index
    %get3A_19 = arith.constant 0 : index
    %get3A_20 = vector.load %arg4[%get3A_18, %get3A_19] : memref<1x32xf32, #tpu.memory_space<vmem>>, vector<1x32xf32>
    %add3A_21 = vector.broadcast %get3A_20 : vector<1x32xf32> to vector<2000x32xf32>
    %add3A_22 = arith.addf %mul3A_17, %add3A_21 : vector<2000x32xf32>
    %max3A = arith.constant 0.000000e+00 : f32
    %max3A_23 = vector.broadcast %max3A : f32 to vector<2000x32xf32>
    %max3A_24 = arith.maximumf %add3A_22, %max3A_23 : vector<2000x32xf32>
    %get3A_25 = arith.constant 0 : index
    %get3A_26 = arith.constant 0 : index
    %get3A_27 = vector.load %arg5[%get3A_25, %get3A_26] : memref<32x1xf32, #tpu.memory_space<vmem>>, vector<32x1xf32>
    %dot_general3A = arith.constant dense<0.000000e+00> : vector<2000x1xf32>
    %dot_general3A_28 = tpu.matmul %max3A_24, %get3A_27, %dot_general3A {dimension_numbers = #tpu.dot_dimension_numbers<[1], [0], [0], [1], [0, 0, 1, 1], [], []>, transpose_lhs_hint = false} : vector<2000x32xf32>, vector<32x1xf32>, vector<2000x1xf32> -> vector<2000x1xf32>
    %mul3A_29 = arith.mulf %dot_general3A_28, %get3A_9 : vector<2000x1xf32>
    %broadcast_in_dim3A = arith.constant 0.000000e+00 : f32
    %broadcast_in_dim3A_30 = vector.broadcast %broadcast_in_dim3A : f32 to vector<2000x15xf32>
    %concatenate3A_31 = tpu.concatenate %mul3A_29, %broadcast_in_dim3A_30 in 1 : vector<2000x1xf32>, vector<2000x15xf32> -> vector<2000x16xf32>
    %swap3A = arith.constant 0 : index
    %swap3A_32 = arith.constant 0 : index
    %swap3A_33 = vector.load %arg6[%swap3A, %swap3A_32] : memref<2000x16xf32, #tpu.memory_space<vmem>>, vector<2000x16xf32>
    tpu.vector_store %arg6[%swap3A, %swap3A_32], %concatenate3A_31 {strides = array<i32>} : memref<2000x16xf32, #tpu.memory_space<vmem>>, vector<2000x16xf32>,
    return
  }
  func.func @transform_0(%arg0: i32) -> (i32, i32, i32) {
    %c0_i32 = arith.constant 0 : i32
    %c0_i32_0 = arith.constant 0 : i32
    %c0_i32_1 = arith.constant 0 : i32
    return %c0_i32, %arg0, %c0_i32_0 : i32, i32, i32
  }
  func.func @transform_1(%arg0: i32) -> (i32, i32, i32) {
    %c0_i32 = arith.constant 0 : i32
    %c0_i32_0 = arith.constant 0 : i32
    %c0_i32_1 = arith.constant 0 : i32
    return %c0_i32, %arg0, %c0_i32_0 : i32, i32, i32
  }
  func.func @transform_2(%arg0: i32) -> (i32, i32) {
    %c0_i32 = arith.constant 0 : i32
    %c0_i32_0 = arith.constant 0 : i32
    return %arg0, %c0_i32 : i32, i32
  }
  func.func @transform_3(%arg0: i32) -> (i32, i32) {
    %c0_i32 = arith.constant 0 : i32
    %c0_i32_0 = arith.constant 0 : i32
    %c0_i32_1 = arith.constant 0 : i32
    return %c0_i32, %c0_i32_0 : i32, i32
  }
  func.func @transform_4(%arg0: i32) -> (i32, i32) {
    %c0_i32 = arith.constant 0 : i32
    %c0_i32_0 = arith.constant 0 : i32
    %c0_i32_1 = arith.constant 0 : i32
    return %c0_i32, %c0_i32_0 : i32, i32
  }
  func.func @transform_5(%arg0: i32) -> (i32, i32) {
    %c0_i32 = arith.constant 0 : i32
    %c0_i32_0 = arith.constant 0 : i32
    return %arg0, %c0_i32 : i32, i32
  }
}

module attributes {stable_mosaic.version = 14 : i64} {
  func.func @fin_body(%arg0: i32, %arg1: memref<2x2000x16xf32, #tpu.memory_space<vmem>>, %arg2: memref<2000x16xf32, #tpu.memory_space<vmem>>, %arg3: memref<2000x1xf32, #tpu.memory_space<vmem>>, %arg4: memref<1x1xf32, #tpu.memory_space<vmem>>, %arg5: memref<2000x1xf32, #tpu.memory_space<vmem>>) attributes {dimension_semantics = [#tpu.dimension_semantics<arbitrary>], iteration_bounds = array<i64: 50>, scalar_prefetch = 0 : i64, scratch_operands = 0 : i64, tpu.core_type = #tpu.core_type<tc>, window_params = [{transform_indices = @transform_0, window_bounds = array<i64: 2, 2000, 16>}, {transform_indices = @transform_1, window_bounds = array<i64: 2000, 16>}, {transform_indices = @transform_2, window_bounds = array<i64: 2000, 1>}, {pipeline_mode = #tpu.pipeline_mode<synchronous>, transform_indices = @transform_3, window_bounds = array<i64: 1, 1>}, {transform_indices = @transform_4, window_bounds = array<i64: 2000, 1>}]} {
    %get3A = arith.constant 0 : index
    %get3A_0 = arith.constant 0 : index
    %get3A_1 = arith.constant 0 : index
    %get3A_2 = vector.load %arg1[%get3A, %get3A_0, %get3A_1] : memref<2x2000x16xf32, #tpu.memory_space<vmem>>, vector<2x2000x16xf32>
    %slice3A = vector.extract_strided_slice %get3A_2 {offsets = [0, 0, 0], sizes = [1, 2000, 1], strides = [1, 1, 1]} : vector<2x2000x16xf32> to vector<1x2000x1xf32>
    %squeeze3A = vector.shape_cast %slice3A : vector<1x2000x1xf32> to vector<2000x1xf32>
    %slice3A_3 = vector.extract_strided_slice %get3A_2 {offsets = [1, 0, 0], sizes = [1, 2000, 1], strides = [1, 1, 1]} : vector<2x2000x16xf32> to vector<1x2000x1xf32>
    %squeeze3A_4 = vector.shape_cast %slice3A_3 : vector<1x2000x1xf32> to vector<2000x1xf32>
    %add3A = arith.addf %squeeze3A, %squeeze3A_4 : vector<2000x1xf32>
    %get3A_5 = arith.constant 0 : index
    %get3A_6 = arith.constant 0 : index
    %get3A_7 = vector.load %arg2[%get3A_5, %get3A_6] : memref<2000x16xf32, #tpu.memory_space<vmem>>, vector<2000x16xf32>
    %slice3A_8 = vector.extract_strided_slice %get3A_7 {offsets = [0, 0], sizes = [2000, 1], strides = [1, 1]} : vector<2000x16xf32> to vector<2000x1xf32>
    %add3A_9 = arith.addf %add3A, %slice3A_8 : vector<2000x1xf32>
    %get3A_10 = arith.constant 0 : index
    %get3A_11 = arith.constant 0 : index
    %get3A_12 = vector.load %arg3[%get3A_10, %get3A_11] : memref<2000x1xf32, #tpu.memory_space<vmem>>, vector<2000x1xf32>
    %mul3A = arith.mulf %add3A_9, %get3A_12 : vector<2000x1xf32>
    %get3A_13 = arith.constant 0 : index
    %get3A_14 = arith.constant 0 : index
    %get3A_15 = vector.load %arg4[%get3A_13, %get3A_14] : memref<1x1xf32, #tpu.memory_space<vmem>>, vector<1x1xf32>
    %add3A_16 = vector.broadcast %get3A_15 : vector<1x1xf32> to vector<2000x1xf32>
    %add3A_17 = arith.addf %mul3A, %add3A_16 : vector<2000x1xf32>
    %swap3A = arith.constant 0 : index
    %swap3A_18 = arith.constant 0 : index
    %swap3A_19 = vector.load %arg5[%swap3A, %swap3A_18] : memref<2000x1xf32, #tpu.memory_space<vmem>>, vector<2000x1xf32>
    tpu.vector_store %arg5[%swap3A, %swap3A_18], %add3A_17 {strides = array<i32>} : memref<2000x1xf32, #tpu.memory_space<vmem>>, vector<2000x1xf32>,
    return
  }
  func.func @transform_0(%arg0: i32) -> (i32, i32, i32) {
    %c0_i32 = arith.constant 0 : i32
    %c0_i32_0 = arith.constant 0 : i32
    %c0_i32_1 = arith.constant 0 : i32
    return %c0_i32, %arg0, %c0_i32_0 : i32, i32, i32
  }
  func.func @transform_1(%arg0: i32) -> (i32, i32) {
    %c0_i32 = arith.constant 0 : i32
    %c0_i32_0 = arith.constant 0 : i32
    return %arg0, %c0_i32 : i32, i32
  }
  func.func @transform_2(%arg0: i32) -> (i32, i32) {
    %c0_i32 = arith.constant 0 : i32
    %c0_i32_0 = arith.constant 0 : i32
    return %arg0, %c0_i32 : i32, i32
  }
  func.func @transform_3(%arg0: i32) -> (i32, i32) {
    %c0_i32 = arith.constant 0 : i32
    %c0_i32_0 = arith.constant 0 : i32
    %c0_i32_1 = arith.constant 0 : i32
    return %c0_i32, %c0_i32_0 : i32, i32
  }
  func.func @transform_4(%arg0: i32) -> (i32, i32) {
    %c0_i32 = arith.constant 0 : i32
    %c0_i32_0 = arith.constant 0 : i32
    return %arg0, %c0_i32 : i32, i32
  }
}

</mosaic_0001>

<sc_bundles>
// kernel: kernel.10.cloned.1.call-start
scs
__scs_entry_jumppad:
0x0: {  	(pc) =	sbr.rel $0x88, $3  }
0x1: {  	(tag) =	ssettag $0x0;
	lr =	simm.s32 $0x1  }
0x2: {  	[smem:$0x3F99] =	sst lr;
	_ =	strace $0xD0000000  }
0x3: {  	_ = 	snop  }
0x4: {  	_ = 	snop  }
0x5: {  	_ = 	snop  }
0x6: {  	_ = 	snop  }
0x7: {  	_ = 	snop  }
__scs_overlays_trampoline_lowered:
0x8: {  	[smem:$0x3FA8] =	sst s0  }
0x9: {  	[smem:$0x3FA9] =	sst s1  }
0xa: {  	[smem:$0x3FAA] =	sst s2  }
0xb: {  	[smem:$0x3FAB] =	sst s3  }
0xc: {  	[smem:$0x3FAC] =	sst s4  }
0xd: {  	[smem:$0x3FAD] =	sst s5  }
0xe: {  	[smem:$0x3FAE] =	sst s6  }
0xf: {  	[smem:$0x3FAF] =	sst s7  }
0x10: {  	[smem:$0x3FB0] =	sst s8  }
0x11: {  	[smem:$0x3FB1] =	sst s9;
	s0 =	simm.s32 @!p0 $0x0  }
0x12: {  	s1 =	sld [smem:$0x3F97];
	s0 =	simm.s32 @p0 $0x1  }
0x13: {  	[smem:$0x3FB2] =	sst s0;
	s0 =	simm.s32 @!p1 $0x0  }
0x14: {  	s2 =	sld [smem:$0x3F96];
	s0 =	simm.s32 @p1 $0x1  }
0x15: {  	[smem:$0x3FB3] =	sst s0;
	s0 =	simm.s32 @!p2 $0x0  }
0x16: {  	s3 =	sld [smem:$0x3FDB];
	s0 =	simm.s32 @p2 $0x1  }
0x17: {  	s4 =	simm.s32 $0x1BF5;
	[smem:$0x3FB5] =	sst s0  }
0x18: {  	s0 =	sld [smem:$0x3F98];
	_ =	swait.ge [sflag:s4], $0x0  }
0x19: {  	s7 =	sld [smem:$0x3F99]  }
0x1a: {  	s8 =	sadd.s32 $0xFFFFE003, lr  }
0x1b: {  	s9 =	sadd.s32 $0xFFFFFEF7, lr;
	s5 =	simm.s32 $0xFFFFFFFF;
	p2 =	slt.u32 s8, $0xFFFFF086  }
0x1c: {  	p1 =	slt.u32 s9, $0xF7A;
	s5 =	simm.s32 @!p2 $0x0  }
0x1d: {  	s5 =	simm.s32 @p1 $0x1;
	p0 =	seq.s32 s7, s2  }
0x1e: {  	s7 =	smul.u32 @!p0 $0xF7A, s2;
	p2 =	seq.s32 @!p0 s5, $0x0  }
0x1f: {  	s9 =	smul.u32 $0xF7A, s1;
	s8 =	simm.s32 @!p0 $0x1BF5;
	p2 =	por !p2, p0  }
0x20: {  	[sflag:s8] =	ssyncset.s32 @!p0 $0xFFFFF086;
	s6 =	sadd.s32 @!p0 s3, s7;
	s7 =	simm.s32 @!p0 $0x108  }
0x21: {  	s3 =	sadd.s32 s3, s9;
	s6 =	sadd.s32 @!p0 $0x88, s6;
	s7 =	simm.s32 @p2 $0x1082  }
0x22: {  	[simem:s7], [sflag:s8] =	dma.local @!p0 [hbm:s6], $0xF7A  }
0x23: {  	s9 =	sor.u32 $0xD0000000, s2;
	s6 =	simm.s32 $0x108;
	_ =	swait.ge @!p0 [sflag:s8], $0x0  }
0x24: {  	s3 =	sadd.s32 $0x88, s3;
	s6 =	simm.s32 @!p1 $0x1082;
	[sflag:s4] =	ssyncset.s32 $0xFFFFF086  }
0x25: {  	[simem:s6], [sflag:s4] =	dma.local [hbm:s3], $0xF7A  }
0x26: {  	[smem:$0x3F99] =	sst s1;
	(tag) =	ssettag s2;
	_ =	strace s9  }
0x27: {  	s1 =	sld [smem:$0x3FA9]  }
0x28: {  	s2 =	sld [smem:$0x3FAA]  }
0x29: {  	s4 =	sld [smem:$0x3FAC]  }
0x2a: {  	p0 =	seq.s32 s5, $0x0;
	s5 =	sld [smem:$0x3FAD]  }
0x2b: {  	s6 =	sld [smem:$0x3FAE]  }
0x2c: {  	s7 =	sld [smem:$0x3FAF]  }
0x2d: {  	s3 =	simm.s32 $0x108;
	s8 =	sld [smem:$0x3FB0]  }
0x2e: {  	s3 =	simm.s32 @!p0 $0x1082;
	s9 =	sld [smem:$0x3FB1]  }
0x2f: {  	lr =	sadd.s32 s0, s3;
	s0 =	sld [smem:$0x3FA8]  }
0x30: {  	s3 =	sld [smem:$0x3FAB]  }
0x31: {  	[smem:$0x3FB4] =	sst s10  }
0x32: {  	s10 =	sld [smem:$0x3FB2];
	_ =	sdelay $0x3  }
0x33: {  	p0 =	seq.s32 s10, $0x1;
	s10 =	sld [smem:$0x3FB4];
	_ =	sdelay $0x3  }
0x34: {  	[smem:$0x3FB4] =	sst s10  }
0x35: {  	s10 =	sld [smem:$0x3FB3];
	_ =	sdelay $0x3  }
0x36: {  	p1 =	seq.s32 s10, $0x1;
	s10 =	sld [smem:$0x3FB4];
	_ =	sdelay $0x3  }
0x37: {  	[smem:$0x3FB4] =	sst s10  }
0x38: {  	s10 =	sld [smem:$0x3FB5]  }
0x39: {  	_ = 	snop;
	(pc) =	sbr.ind lr, $3  }
0x3a: {  	_ = 	snop  }
0x3b: {  	_ = 	snop  }
0x3c: {  	p2 =	seq.s32 s10, $0x1;
	s10 =	sld [smem:$0x3FB4]  }
0x3d: {  	_ =	shalt  }
0x3e: {  	_ =	shalt  }
0x3f: {  	_ =	shalt  }
0x40: {  	_ =	shalt  }
0x41: {  	_ =	shalt  }
0x42: {  	_ =	shalt  }
0x43: {  	_ =	shalt  }
0x44: {  	_ =	shalt  }
0x45: {  	_ =	shalt  }
0x46: {  	_ =	shalt  }
0x47: {  	_ =	shalt  }
0x48: {  	_ =	shalt  }
0x49: {  	_ =	shalt  }
0x4a: {  	_ =	shalt  }
0x4b: {  	_ =	shalt  }
0x4c: {  	_ =	shalt  }
0x4d: {  	_ =	shalt  }
0x4e: {  	_ =	shalt  }
0x4f: {  	_ =	shalt  }
0x50: {  	_ =	shalt  }
0x51: {  	_ =	shalt  }
0x52: {  	_ =	shalt  }
0x53: {  	_ =	shalt  }
0x54: {  	_ =	shalt  }
0x55: {  	_ =	shalt  }
0x56: {  	_ =	shalt  }
0x57: {  	_ =	shalt  }
0x58: {  	_ =	shalt  }
0x59: {  	_ =	shalt  }
0x5a: {  	_ =	shalt  }
0x5b: {  	_ =	shalt  }
0x5c: {  	_ =	shalt  }
0x5d: {  	_ =	shalt  }
0x5e: {  	_ =	shalt  }
0x5f: {  	_ =	shalt  }
0x60: {  	_ =	shalt  }
0x61: {  	_ =	shalt  }
0x62: {  	_ =	shalt  }
0x63: {  	_ =	shalt  }
0x64: {  	_ =	shalt  }
0x65: {  	_ =	shalt  }
0x66: {  	_ =	shalt  }
0x67: {  	_ =	shalt  }
0x68: {  	_ =	shalt  }
0x69: {  	_ =	shalt  }
0x6a: {  	_ =	shalt  }
0x6b: {  	_ =	shalt  }
0x6c: {  	_ =	shalt  }
0x6d: {  	_ =	shalt  }
0x6e: {  	_ =	shalt  }
0x6f: {  	_ =	shalt  }
0x70: {  	_ =	shalt  }
0x71: {  	_ =	shalt  }
0x72: {  	_ =	shalt  }
0x73: {  	_ =	shalt  }
0x74: {  	_ =	shalt  }
0x75: {  	_ =	shalt  }
0x76: {  	_ =	shalt  }
0x77: {  	_ =	shalt  }
0x78: {  	_ =	shalt  }
0x79: {  	_ =	shalt  }
0x7a: {  	_ =	shalt  }
0x7b: {  	_ =	shalt  }
0x7c: {  	_ =	shalt  }
0x7d: {  	_ =	shalt  }
0x7e: {  	_ =	shalt  }
0x7f: {  	_ =	shalt  }
0x80: {  	_ =	shalt  }
0x81: {  	_ =	shalt  }
0x82: {  	_ =	shalt  }
0x83: {  	_ =	shalt  }
0x84: {  	_ =	shalt  }
0x85: {  	_ =	shalt  }
0x86: {  	_ =	shalt  }
0x87: {  	_ =	shalt  }
.Lfunc_end0:
.L_simem_size_0:
called_computation_lowered:
.L_overlay_start_0:
0x88: {  	s2 =	sld [smem:$0x3FD9]  }
0x89: {  	s3 =	sld [smem:$0x3FFE];
	_ =	sdelay $0x1  }
0x8a: {  	s1 =	srdreg.scid  }
0x8b: {  	s0 =	sand.u32 $0x1, s1  }
0x8c: {  	s17 =	sshll.u32 s0, $0xA;
	s2 =	sadd.s32 s3, s2  }
0x8d: {  	s2 =	sadd.s32 s2, s17  }
0x8e: {  	[smem:$0x3FC0] =	sst s2  }
0x8f: {  	_ = 	snop  }
0x90: {  	s2 =	sld [smem:$0x3FD0];
	(tm) =	ssettm $0x1  }
0x91: {  	s18 =	sld [smem:$0x3FFB];
	_ =	sdelay $0x3  }
0x92: {  	_ =	strace s18  }
0x93: {  	s3 =	sld [smem:$0x3FFC];
	_ =	sdelay $0x3  }
0x94: {  	_ =	strace s3  }
0x95: {  	s3 =	sld [smem:$0x3FFD];
	_ =	sdelay $0x3  }
0x96: {  	_ =	strace s3  }
0x97: {  	_ =	strace $0x8FFFFFFF  }
0x98: {  	s19 =	sld [smem:$0x3FDB];
	_ =	sdelay $0x1  }
0x99: {  	s4 =	simm.s32 $_scs_section_size  }
0x9a: {  	s5 =	simm.s32 $_size__tile_overlayer_lowered;
	s6 =	simm.s32 $_tile_overlayer_lowered  }
0x9b: {  	s22 =	simm.s32 $0x1BFF;
	s21 =	sshll.u32 s6, $0x1;
	s3 =	sadd.s32 s4, s19  }
0x9c: {  	s7 =	simm.s32 $0x0;
	s20 =	sshll.u32 s5, $0x1;
	s5 =	sadd.s32 s21, s3  }
0x9d: {  	[timem:s7], [sflag:s22] =	dma.local [hbm:s5], s20  }
0x9e: {  	_ =	swait.ge [sflag:s22], s20  }
0x9f: {  	s4 =	ssub.s32 $0x0, s20;
	[sflag:s22] =	ssyncset.done $0x0  }
0xa0: {  	[sflag:s22] =	ssyncadd.s32 s4;
	_ =	sdelay $0x1  }
0xa1: {  	s23 =	simm.s32 $0x1B8B  }
0xa2: {  	_ =	swait.ge [sflag:s23], $0x1  }
0xa3: {  	[sflag:s23] =	ssyncset.done $0x0  }
0xa4: {  	s25 =	simm.s32 $0x1B8E;
	s24 =	sld [smem:$0x3FFE];
	[sflag:s23] =	ssyncadd.s32 $0xFFFFFFFF  }
0xa5: {  	s26 =	simm.s32 $execute0_lowered;
	[smem:$0x3FD2] =	sst s25  }
0xa6: {  	s5 =	sshll.u32 s26, $0x1;
	_ =	strace $0x80000046;
	[dreg:$0x1] =	wrdreg $0xFFFFFFFF  }
0xa7: {  	s28 =	simm.s32 $_size_execute0_lowered;
	s3 =	sadd.s32 s3, s5;
	[dreg:$0x0] =	wrdreg $0x0  }
0xa8: {  	s5 =	sshll.u32 s28, $0x1;
	[dreg:$0x2] =	wrdreg s3  }
0xa9: {  	[dreg:$0x3] =	wrdreg s5  }
0xaa: {  	[dreg:$0x4] =	wrdreg $0xC0  }
0xab: {  	_ =	task [dreg:s7], $0x5FFFF  }
0xac: {  	[dreg:$0x1] =	wrdreg $0xFFFFFFFF  }
0xad: {  	[dreg:$0x0] =	wrdreg $0x60  }
0xae: {  	[dreg:$0x2] =	wrdreg s24  }
0xaf: {  	[dreg:$0x3] =	wrdreg s2  }
0xb0: {  	[dreg:$0x4] =	wrdreg $0x0  }
0xb1: {  	[dreg:$0x5] =	wrdreg $0x9  }
0xb2: {  	_ =	task.clear_ibuf [dreg:s7], $0x6FFFF;
	_ =	strace $0x90000046  }
0xb3: {  	s29 =	simm.s32 $0x9;
	_ =	strace $0x80000048  }
0xb4: {  	_ =	swait.ge [sflag:s29], $0x1  }
0xb5: {  	[sflag:s29] =	ssyncadd.s32 $0xFFFFFFFF  }
0xb6: {  	_ =	strace $0x90000048  }
0xb7: {  	_ =	sfence  }
0xb8: {  	s30 =	sld [smem:$0x0];
	_ =	sdelay $0x2  }
0xb9: {  	s31 =	sshll.u32 s1, $0xD;
	s1 =	sshrl.u32 s1, $0x2  }
0xba: {  	s3 =	sand.u32 $0x4000, s31;
	s1 =	sadd.s32 s1, s30  }
0xbb: {  	s0 =	sor.u32 s3, s0;
	s1 =	sshll.u32 s1, $0x11  }
0xbc: {  	s0 =	sor.u32 s1, s0  }
0xbd: {  	s0 =	sadd.s32 $0x8F2B, s0  }
0xbe: {  	[sflag:s0] =	ssyncadd.remote.s32 $0x1  }
0xbf: {  	_ =	sfence.sel $0xFFFF  }
0xc0: {  	[dreg:$0x0] =	wrdreg $0xFFFFFFFF;
	(pc) =	sbr.abs _section_cstart, $3  }
0xc1: {  	[dreg:$0x1] =	wrdreg $0xFFFFFFFF  }
0xc2: {  	_ =	task.clear_ibuf [dreg:s7], $0x2FFFF;
	_ =	strace $0x9FFFFFFF  }
0xc3: {  	(tm) =	ssettm $0x7FFFFFFF  }
tec
execute0_lowered:
.L_overlay_start_1:
0x0: {  	(tag) =	ssettag $0x1  }
0x1: {  	s6 =	rddreg [dreg:$0x0]  }
0x2: {  	s2 =	rddreg [dreg:$0x1]  }
0x3: {  	s3 =	rddreg [dreg:$0x2]  }
0x4: {  	s0 =	rddreg [dreg:$0x3]  }
0x5: {  	s5 =	srdreg.scid;
	s1 =	stileid.u32  }
0x6: {  	s4 =	simm.s32 $0x0;
	s15 =	simm.s32 $0x18700;
	s16 =	simm.s32 $0x18A20  }
0x7: {  	s17 =	simm.s32 $0x2;
	s18 =	simm.s32 $0x320;
	s19 =	simm.s32 $0x0  }
0x8: {  	s9 =	sand.u32 $0x1, s5;
	s7 =	smul.u32 $0x18700, s1;
	[smem:$0x7FF] =	sst s4  }
0x9: {  	s11 =	sadd.s32 $0xC5600, s6;
	s5 =	sadd.s32 $0x188C00, s6;
	s14 =	smul.u32 $0xC350, s1  }
0xa: {  	s12 =	sshll.u32 s1, $0x1;
	s30 =	sshll.u32 s1, $0x6;
	s8 =	smul.u32 $0x187000, s9  }
0xb: {  	s10 =	ssub.s32 $0x2, s9;
	s12 =	sor.u32 s9, s12;
	s31 =	smul.u32 $0x61A8, s9  }
0xc: {  	_ =	strace $0x80000047;
	s29 =	sshrl.u32 s10, $0x1;
	s12 =	smul.u32 $0x61A8, s12  }
0xd: {  	s13 =	sadd.s32 s7, s3;
	s8 =	sadd.s32 s7, s8;
	s10 =	ssub.s32 s10, s29  }
0xe: {  	s8 =	sshrl.u32 s8, $0x3;
	s7 =	sadd.s32 s11, s12;
	s9 =	smax.u32 s10, $0x1  }
0xf: {  	s11 =	sadd.s32 s14, s11;
	s12 =	sshrl.u32 s13, $0x3;
	s13 =	simm.s32 $0x1  }
0x10: {  	s14 =	simm.s32 $0x18D40;
	s8 =	sadd.s32 s8, s6;
	s6 =	sor.u32 $0x1C01, s30  }
0x11: {  	s10 =	sadd.s32 $0x6144, s7;
	s11 =	sadd.s32 s31, s11;
	s8 =	sadd.s32 $0x18BE00, s8  }
.LBB2_1:
0x12: {  	[spmem:s12], [sflag:s6] =	dma.local [hbm:s5], $0x30E0  }
0x13: {  	_ =	swait.ge [sflag:s13], $0x30E0  }
0x14: {  	[sflag:s13] =	ssyncset.done $0x0  }
0x15: {  	[sflag:s13] =	ssyncadd.s32 $0xFFFFCF20  }
0x16: {  	[tilespmem:s14], [sflag:$0x1] =	stream.linear.gather [hbm4b:s2+s4], $0x3200, $0x38;
	[tilespmem:$0x1BF40] =	vst v63  }
0x17: {  	_ =	swait.ge [sflag:s13], $0x3200  }
0x18: {  	[sflag:s13] =	ssyncset.done $0x0  }
0x19: {  	[sflag:s13] =	ssyncadd.s32 $0xFFFFCE00  }
0x1a: {  	[bflag:$0x0] =	sbarrier.arrive $0xFFFF  }
0x1b: {  	[tilespmem:s15], [sflag:$0x1] =	stream.linear.gather [hbm4b:s7+s4], $0x320, $0x38;
	[tilespmem:$0x1BF40] =	vst v63  }
0x1c: {  	_ =	swait.ge [sflag:s13], $0x320  }
0x1d: {  	s20 =	sadd.s32 $0xFFFF9F20, s11;
	[sflag:s13] =	ssyncset.done $0x0  }
0x1e: {  	s21 =	sadd.s32 $0x6144, s20;
	[sflag:s13] =	ssyncadd.s32 $0xFFFFFCE0  }
0x1f: {  	[tilespmem:s16], [sflag:$0x2] =	stream.linear.gather [hbm4b:s21+s4], $0x320, $0x38;
	[tilespmem:$0x1BF40] =	vst v63  }
0x20: {  	_ =	swait.ge [sflag:s17], $0x320  }
0x21: {  	[sflag:s17] =	ssyncset.done $0x0  }
0x22: {  	[sflag:s17] =	ssyncadd.s32 $0xFFFFFCE0  }
0x23: {  	[spmem:s3] =	stream.indirect.scatter.add.f32 [tilespmem:s14], [sflag:$0x2], $0x10, s15, s18, $0xb8;
	[tilespmem:$0x1BF40] =	vst v63  }
0x24: {  	_ =	swait.ge [sflag:s17], $0x3200  }
0x25: {  	[sflag:s17] =	ssyncset.done $0x0  }
0x26: {  	s20 =	sadd.s32 $0x61A8, s20;
	[sflag:s17] =	ssyncadd.s32 $0xFFFFCE00  }
0x27: {  	[tilespmem:s15], [sflag:$0x2] =	stream.linear.gather [hbm4b:s20+s4], $0x320, $0x38;
	[tilespmem:$0x1BF40] =	vst v63  }
0x28: {  	_ =	swait.ge [sflag:s17], $0x320  }
0x29: {  	[sflag:s17] =	ssyncset.done $0x0  }
0x2a: {  	[sflag:s17] =	ssyncadd.s32 $0xFFFFFCE0  }
0x2b: {  	[spmem:s3] =	stream.indirect.scatter.add.f32 [tilespmem:s14], [sflag:$0x1], $0x10, s16, s18, $0xb8;
	[tilespmem:$0x1BF40] =	vst v63  }
0x2c: {  	_ =	swait.ge [sflag:s13], $0x3200  }
0x2d: {  	s21 =	simm.s32 $0xFFFFA0B0;
	s20 =	sadd.s32 $0xFFFF9FE8, s11;
	[sflag:s13] =	ssyncset.done $0x0  }
.LBB2_2:
0x2e: {  	s22 =	sadd.s32 $0x6144, s20  }
0x2f: {  	[sflag:s13] =	ssyncadd.s32 $0xFFFFCE00;
	s23 =	smov.u32 s21;
	s24 =	sadd.s32 $0xC8, s21  }
0x30: {  	[tilespmem:s16], [sflag:$0x2] =	stream.linear.gather [hbm4b:s22+s4], $0x320, $0x38;
	[tilespmem:$0x1BF40] =	vst v63  }
0x31: {  	p0 =	sne.s32 s21, $0xFFFFFF38;
	_ =	swait.ge [sflag:s17], $0x320  }
0x32: {  	[sflag:s17] =	ssyncset.done $0x0  }
0x33: {  	[sflag:s17] =	ssyncadd.s32 $0xFFFFFCE0  }
0x34: {  	[spmem:s3] =	stream.indirect.scatter.add.f32 [tilespmem:s14], [sflag:$0x2], $0x10, s15, s18, $0xb8;
	[tilespmem:$0x1BF40] =	vst v63  }
0x35: {  	_ =	swait.ge [sflag:s17], $0x3200  }
0x36: {  	[sflag:s17] =	ssyncset.done $0x0  }
0x37: {  	s20 =	sadd.s32 $0x61A8, s20;
	[sflag:s17] =	ssyncadd.s32 $0xFFFFCE00  }
0x38: {  	[tilespmem:s15], [sflag:$0x2] =	stream.linear.gather [hbm4b:s20+s4], $0x320, $0x38;
	[tilespmem:$0x1BF40] =	vst v63  }
0x39: {  	_ =	swait.ge [sflag:s17], $0x320  }
.Ltmp0:
0x3a: {  	[sflag:s17] =	ssyncset.done $0x0;
	(pc) =	sbr.rel @p0 .LBB2_2-.Ltmp0, $4  }
0x3b: {  	[sflag:s17] =	ssyncadd.s32 $0xFFFFFCE0  }
0x3c: {  	[spmem:s3] =	stream.indirect.scatter.add.f32 [tilespmem:s14], [sflag:$0x1], $0x10, s16, s18, $0xb8;
	[tilespmem:$0x1BF40] =	vst v63  }
0x3d: {  	_ =	swait.ge [sflag:s13], $0x3200  }
0x3e: {  	s21 =	smov.u32 s24;
	s20 =	sadd.s32 s23, s11;
	[sflag:s13] =	ssyncset.done $0x0  }
0x3f: {  	s21 =	sadd.s32 $0x6144, s20;
	[sflag:s13] =	ssyncadd.s32 $0xFFFFCE00  }
0x40: {  	[tilespmem:s16], [sflag:$0x2] =	stream.linear.gather [hbm4b:s21+s4], $0x320, $0x38;
	[tilespmem:$0x1BF40] =	vst v63  }
0x41: {  	_ =	swait.ge [sflag:s17], $0x320  }
0x42: {  	[sflag:s17] =	ssyncset.done $0x0  }
0x43: {  	[sflag:s17] =	ssyncadd.s32 $0xFFFFFCE0  }
0x44: {  	[spmem:s3] =	stream.indirect.scatter.add.f32 [tilespmem:s14], [sflag:$0x2], $0x10, s15, s18, $0xb8;
	[tilespmem:$0x1BF40] =	vst v63  }
0x45: {  	_ =	swait.ge [sflag:s17], $0x3200  }
0x46: {  	[sflag:s17] =	ssyncset.done $0x0  }
0x47: {  	s31 =	sadd.s32 $0x61A8, s20;
	[sflag:s17] =	ssyncadd.s32 $0xFFFFCE00  }
0x48: {  	[tilespmem:s15], [sflag:$0x2] =	stream.linear.gather [hbm4b:s31+s4], $0x320, $0x38;
	[tilespmem:$0x1BF40] =	vst v63  }
0x49: {  	_ =	swait.ge [sflag:s17], $0x320  }
0x4a: {  	[sflag:s17] =	ssyncset.done $0x0  }
0x4b: {  	[sflag:s17] =	ssyncadd.s32 $0xFFFFFCE0  }
0x4c: {  	[spmem:s3] =	stream.indirect.scatter.add.f32 [tilespmem:s14], [sflag:$0x1], $0x10, s16, s18, $0xb8;
	[tilespmem:$0x1BF40] =	vst v63  }
0x4d: {  	_ =	swait.ge [sflag:s13], $0x3200  }
0x4e: {  	[sflag:s13] =	ssyncset.done $0x0  }
0x4f: {  	[sflag:s13] =	ssyncadd.s32 $0xFFFFCE00  }
0x50: {  	[tilespmem:s16], [sflag:$0x2] =	stream.linear.gather [hbm4b:s10+s4], $0x320, $0x38;
	[tilespmem:$0x1BF40] =	vst v63  }
0x51: {  	_ =	swait.ge [sflag:s17], $0x320  }
0x52: {  	[sflag:s17] =	ssyncset.done $0x0  }
0x53: {  	[sflag:s17] =	ssyncadd.s32 $0xFFFFFCE0  }
0x54: {  	[spmem:s3] =	stream.indirect.scatter.add.f32 [tilespmem:s14], [sflag:$0x2], $0x10, s15, s18, $0xb8;
	[tilespmem:$0x1BF40] =	vst v63  }
0x55: {  	_ =	swait.ge [sflag:s17], $0x3200  }
0x56: {  	[sflag:s17] =	ssyncset.done $0x0  }
0x57: {  	[sflag:s17] =	ssyncadd.s32 $0xFFFFCE00  }
0x58: {  	[spmem:s3] =	stream.indirect.scatter.add.f32 [tilespmem:s14], [sflag:$0x1], $0x10, s16, s18, $0xb8;
	[tilespmem:$0x1BF40] =	vst v63  }
0x59: {  	_ =	swait.ge [sflag:s13], $0x3200  }
0x5a: {  	s19 =	sadd.s32 $0x1, s19;
	[sflag:s13] =	ssyncset.done $0x0  }
0x5b: {  	p0 =	sne.s32 s19, s9;
	[sflag:s13] =	ssyncadd.s32 $0xFFFFCE00  }
.Ltmp1:
0x5c: {  	[bflag:$0x0] =	sbarrier.arrive $0xFFFF;
	(pc) =	sbr.rel @p0 .LBB2_1-.Ltmp1, $4  }
0x5d: {  	[hbm:s8], [sflag:s6] =	dma.local [spmem:s12], $0x30E0  }
0x5e: {  	_ =	swait.ge [sflag:s13], $0x30E0  }
0x5f: {  	[sflag:s13] =	ssyncset.done $0x0  }
0x60: {  	[sflag:s13] =	ssyncadd.s32 $0xFFFFCF20  }
0x61: {  	_ =	sfence.sel $0x180000  }
0x62: {  	[bflag:$0x0] =	sbarrier.arrive $0xFFFF  }
0x63: {  	p0 =	sne.s32 s1, $0x0;
	_ =	strace $0x90000047  }
0x64: {  	s0 =	sadd.s32 @!p0 $0x100000, s0;
	[bflag:$0x2] =	sbarrier.arrive $0xFFFF  }
0x65: {  	[sflag:s0] =	ssyncadd.tile.s32 @!p0 $0x1;
	_ =	shalt  }
.Lfunc_end2:
_tile_overlayer_lowered:
.L_overlay_start_2:
0x66: {  	(tag) =	ssettag $0x2  }
0x67: {  	s0 =	rddreg [dreg:$0x0];
	s2 =	stileid.u32  }
0x68: {  	s1 =	rddreg [dreg:$0x1];
	p0 =	sne.s32 s2, $0x0  }
0x69: {  	s3 =	rddreg [dreg:$0x2];
	[bflag:$0x3] =	sbarrier.arrive $0xFFFF;
	s2 =	simm.s32 @!p0 $0x1C01  }
0x6a: {  	[timem:s3], [sflag:s2] =	dma.local @!p0 [hbm:s0], s1  }
0x6b: {  	s0 =	simm.s32 @!p0 $0x1  }
0x6c: {  	_ =	swait.ge @!p0 [sflag:s0], s1  }
0x6d: {  	s1 =	ssub.s32 @!p0 $0x0, s1;
	[sflag:s0] =	ssyncset.done @!p0 $0x0  }
0x6e: {  	[sflag:s0] =	ssyncadd.s32 @!p0 s1  }
0x6f: {  	[bflag:$0x3] =	sbarrier.arrive $0xFFFF  }
0x70: {  	_ =	shalt  }

// kernel: kernel.13.cloned.1.call-start
scs
__scs_entry_jumppad:
0x0: {  	(pc) =	sbr.rel $0x88, $3  }
0x1: {  	(tag) =	ssettag $0x0;
	lr =	simm.s32 $0x1  }
0x2: {  	[smem:$0x3F99] =	sst lr;
	_ =	strace $0xD0000000  }
0x3: {  	_ = 	snop  }
0x4: {  	_ = 	snop  }
0x5: {  	_ = 	snop  }
0x6: {  	_ = 	snop  }
0x7: {  	_ = 	snop  }
__scs_overlays_trampoline_lowered:
0x8: {  	[smem:$0x3FA8] =	sst s0  }
0x9: {  	[smem:$0x3FA9] =	sst s1  }
0xa: {  	[smem:$0x3FAA] =	sst s2  }
0xb: {  	[smem:$0x3FAB] =	sst s3  }
0xc: {  	[smem:$0x3FAC] =	sst s4  }
0xd: {  	[smem:$0x3FAD] =	sst s5  }
0xe: {  	[smem:$0x3FAE] =	sst s6  }
0xf: {  	[smem:$0x3FAF] =	sst s7  }
0x10: {  	[smem:$0x3FB0] =	sst s8  }
0x11: {  	[smem:$0x3FB1] =	sst s9;
	s0 =	simm.s32 @!p0 $0x0  }
0x12: {  	s1 =	sld [smem:$0x3F97];
	s0 =	simm.s32 @p0 $0x1  }
0x13: {  	[smem:$0x3FB2] =	sst s0;
	s0 =	simm.s32 @!p1 $0x0  }
0x14: {  	s2 =	sld [smem:$0x3F96];
	s0 =	simm.s32 @p1 $0x1  }
0x15: {  	[smem:$0x3FB3] =	sst s0;
	s0 =	simm.s32 @!p2 $0x0  }
0x16: {  	s3 =	sld [smem:$0x3FDB];
	s0 =	simm.s32 @p2 $0x1  }
0x17: {  	s4 =	simm.s32 $0x1BF5;
	[smem:$0x3FB5] =	sst s0  }
0x18: {  	s0 =	sld [smem:$0x3F98];
	_ =	swait.ge [sflag:s4], $0x0  }
0x19: {  	s7 =	sld [smem:$0x3F99]  }
0x1a: {  	s8 =	sadd.s32 $0xFFFFE003, lr  }
0x1b: {  	s9 =	sadd.s32 $0xFFFFFEF7, lr;
	s5 =	simm.s32 $0xFFFFFFFF;
	p2 =	slt.u32 s8, $0xFFFFF086  }
0x1c: {  	p1 =	slt.u32 s9, $0xF7A;
	s5 =	simm.s32 @!p2 $0x0  }
0x1d: {  	s5 =	simm.s32 @p1 $0x1;
	p0 =	seq.s32 s7, s2  }
0x1e: {  	s7 =	smul.u32 @!p0 $0xF7A, s2;
	p2 =	seq.s32 @!p0 s5, $0x0  }
0x1f: {  	s9 =	smul.u32 $0xF7A, s1;
	s8 =	simm.s32 @!p0 $0x1BF5;
	p2 =	por !p2, p0  }
0x20: {  	[sflag:s8] =	ssyncset.s32 @!p0 $0xFFFFF086;
	s6 =	sadd.s32 @!p0 s3, s7;
	s7 =	simm.s32 @!p0 $0x108  }
0x21: {  	s3 =	sadd.s32 s3, s9;
	s6 =	sadd.s32 @!p0 $0x88, s6;
	s7 =	simm.s32 @p2 $0x1082  }
0x22: {  	[simem:s7], [sflag:s8] =	dma.local @!p0 [hbm:s6], $0xF7A  }
0x23: {  	s9 =	sor.u32 $0xD0000000, s2;
	s6 =	simm.s32 $0x108;
	_ =	swait.ge @!p0 [sflag:s8], $0x0  }
0x24: {  	s3 =	sadd.s32 $0x88, s3;
	s6 =	simm.s32 @!p1 $0x1082;
	[sflag:s4] =	ssyncset.s32 $0xFFFFF086  }
0x25: {  	[simem:s6], [sflag:s4] =	dma.local [hbm:s3], $0xF7A  }
0x26: {  	[smem:$0x3F99] =	sst s1;
	(tag) =	ssettag s2;
	_ =	strace s9  }
0x27: {  	s1 =	sld [smem:$0x3FA9]  }
0x28: {  	s2 =	sld [smem:$0x3FAA]  }
0x29: {  	s4 =	sld [smem:$0x3FAC]  }
0x2a: {  	p0 =	seq.s32 s5, $0x0;
	s5 =	sld [smem:$0x3FAD]  }
0x2b: {  	s6 =	sld [smem:$0x3FAE]  }
0x2c: {  	s7 =	sld [smem:$0x3FAF]  }
0x2d: {  	s3 =	simm.s32 $0x108;
	s8 =	sld [smem:$0x3FB0]  }
0x2e: {  	s3 =	simm.s32 @!p0 $0x1082;
	s9 =	sld [smem:$0x3FB1]  }
0x2f: {  	lr =	sadd.s32 s0, s3;
	s0 =	sld [smem:$0x3FA8]  }
0x30: {  	s3 =	sld [smem:$0x3FAB]  }
0x31: {  	[smem:$0x3FB4] =	sst s10  }
0x32: {  	s10 =	sld [smem:$0x3FB2];
	_ =	sdelay $0x3  }
0x33: {  	p0 =	seq.s32 s10, $0x1;
	s10 =	sld [smem:$0x3FB4];
	_ =	sdelay $0x3  }
0x34: {  	[smem:$0x3FB4] =	sst s10  }
0x35: {  	s10 =	sld [smem:$0x3FB3];
	_ =	sdelay $0x3  }
0x36: {  	p1 =	seq.s32 s10, $0x1;
	s10 =	sld [smem:$0x3FB4];
	_ =	sdelay $0x3  }
0x37: {  	[smem:$0x3FB4] =	sst s10  }
0x38: {  	s10 =	sld [smem:$0x3FB5]  }
0x39: {  	_ = 	snop;
	(pc) =	sbr.ind lr, $3  }
0x3a: {  	_ = 	snop  }
0x3b: {  	_ = 	snop  }
0x3c: {  	p2 =	seq.s32 s10, $0x1;
	s10 =	sld [smem:$0x3FB4]  }
0x3d: {  	_ =	shalt  }
0x3e: {  	_ =	shalt  }
0x3f: {  	_ =	shalt  }
0x40: {  	_ =	shalt  }
0x41: {  	_ =	shalt  }
0x42: {  	_ =	shalt  }
0x43: {  	_ =	shalt  }
0x44: {  	_ =	shalt  }
0x45: {  	_ =	shalt  }
0x46: {  	_ =	shalt  }
0x47: {  	_ =	shalt  }
0x48: {  	_ =	shalt  }
0x49: {  	_ =	shalt  }
0x4a: {  	_ =	shalt  }
0x4b: {  	_ =	shalt  }
0x4c: {  	_ =	shalt  }
0x4d: {  	_ =	shalt  }
0x4e: {  	_ =	shalt  }
0x4f: {  	_ =	shalt  }
0x50: {  	_ =	shalt  }
0x51: {  	_ =	shalt  }
0x52: {  	_ =	shalt  }
0x53: {  	_ =	shalt  }
0x54: {  	_ =	shalt  }
0x55: {  	_ =	shalt  }
0x56: {  	_ =	shalt  }
0x57: {  	_ =	shalt  }
0x58: {  	_ =	shalt  }
0x59: {  	_ =	shalt  }
0x5a: {  	_ =	shalt  }
0x5b: {  	_ =	shalt  }
0x5c: {  	_ =	shalt  }
0x5d: {  	_ =	shalt  }
0x5e: {  	_ =	shalt  }
0x5f: {  	_ =	shalt  }
0x60: {  	_ =	shalt  }
0x61: {  	_ =	shalt  }
0x62: {  	_ =	shalt  }
0x63: {  	_ =	shalt  }
0x64: {  	_ =	shalt  }
0x65: {  	_ =	shalt  }
0x66: {  	_ =	shalt  }
0x67: {  	_ =	shalt  }
0x68: {  	_ =	shalt  }
0x69: {  	_ =	shalt  }
0x6a: {  	_ =	shalt  }
0x6b: {  	_ =	shalt  }
0x6c: {  	_ =	shalt  }
0x6d: {  	_ =	shalt  }
0x6e: {  	_ =	shalt  }
0x6f: {  	_ =	shalt  }
0x70: {  	_ =	shalt  }
0x71: {  	_ =	shalt  }
0x72: {  	_ =	shalt  }
0x73: {  	_ =	shalt  }
0x74: {  	_ =	shalt  }
0x75: {  	_ =	shalt  }
0x76: {  	_ =	shalt  }
0x77: {  	_ =	shalt  }
0x78: {  	_ =	shalt  }
0x79: {  	_ =	shalt  }
0x7a: {  	_ =	shalt  }
0x7b: {  	_ =	shalt  }
0x7c: {  	_ =	shalt  }
0x7d: {  	_ =	shalt  }
0x7e: {  	_ =	shalt  }
0x7f: {  	_ =	shalt  }
0x80: {  	_ =	shalt  }
0x81: {  	_ =	shalt  }
0x82: {  	_ =	shalt  }
0x83: {  	_ =	shalt  }
0x84: {  	_ =	shalt  }
0x85: {  	_ =	shalt  }
0x86: {  	_ =	shalt  }
0x87: {  	_ =	shalt  }
.Lfunc_end0:
.L_simem_size_0:
called_computation.1_lowered:
.L_overlay_start_0:
0x88: {  	s2 =	sld [smem:$0x3FD9]  }
0x89: {  	s3 =	sld [smem:$0x3FFE];
	_ =	sdelay $0x1  }
0x8a: {  	s1 =	srdreg.scid  }
0x8b: {  	s0 =	sand.u32 $0x1, s1  }
0x8c: {  	s16 =	sshll.u32 s0, $0xA;
	s2 =	sadd.s32 s3, s2  }
0x8d: {  	s2 =	sadd.s32 s2, s16  }
0x8e: {  	[smem:$0x3FC0] =	sst s2  }
0x8f: {  	_ = 	snop  }
0x90: {  	(tm) =	ssettm $0x1  }
0x91: {  	s17 =	sld [smem:$0x3FFB];
	_ =	sdelay $0x3  }
0x92: {  	_ =	strace s17  }
0x93: {  	s2 =	sld [smem:$0x3FFC];
	_ =	sdelay $0x3  }
0x94: {  	_ =	strace s2  }
0x95: {  	s2 =	sld [smem:$0x3FFD];
	_ =	sdelay $0x3  }
0x96: {  	_ =	strace s2  }
0x97: {  	_ =	strace $0x8FFFFFFF  }
0x98: {  	s18 =	sld [smem:$0x3FDB];
	_ =	sdelay $0x1  }
0x99: {  	s19 =	simm.s32 $_scs_section_size  }
0x9a: {  	s4 =	simm.s32 $_size__tile_overlayer_lowered;
	s5 =	simm.s32 $_tile_overlayer_lowered  }
0x9b: {  	s22 =	simm.s32 $0x1BFF;
	s21 =	sshll.u32 s5, $0x1;
	s2 =	sadd.s32 s19, s18  }
0x9c: {  	s6 =	simm.s32 $0x0;
	s20 =	sshll.u32 s4, $0x1;
	s4 =	sadd.s32 s21, s2  }
0x9d: {  	[timem:s6], [sflag:s22] =	dma.local [hbm:s4], s20  }
0x9e: {  	_ =	swait.ge [sflag:s22], s20  }
0x9f: {  	s3 =	ssub.s32 $0x0, s20;
	[sflag:s22] =	ssyncset.done $0x0  }
0xa0: {  	[sflag:s22] =	ssyncadd.s32 s3;
	_ =	sdelay $0x1  }
0xa1: {  	s23 =	simm.s32 $0x1B8B  }
0xa2: {  	_ =	swait.ge [sflag:s23], $0x1  }
0xa3: {  	[sflag:s23] =	ssyncset.done $0x0  }
0xa4: {  	s25 =	simm.s32 $0x1B8E;
	s24 =	sld [smem:$0x3FFE];
	[sflag:s23] =	ssyncadd.s32 $0xFFFFFFFF  }
0xa5: {  	s26 =	simm.s32 $execute0_lowered;
	[smem:$0x3FD2] =	sst s25  }
0xa6: {  	s4 =	sshll.u32 s26, $0x1;
	_ =	strace $0x80000049;
	[dreg:$0x1] =	wrdreg $0xFFFFFFFF  }
0xa7: {  	s28 =	simm.s32 $_size_execute0_lowered;
	s2 =	sadd.s32 s2, s4;
	[dreg:$0x0] =	wrdreg $0x0  }
0xa8: {  	s4 =	sshll.u32 s28, $0x1;
	[dreg:$0x2] =	wrdreg s2  }
0xa9: {  	[dreg:$0x3] =	wrdreg s4  }
0xaa: {  	[dreg:$0x4] =	wrdreg $0xC0  }
0xab: {  	_ =	task [dreg:s6], $0x5FFFF  }
0xac: {  	[dreg:$0x1] =	wrdreg $0xFFFFFFFF  }
0xad: {  	[dreg:$0x0] =	wrdreg $0x60  }
0xae: {  	[dreg:$0x2] =	wrdreg s24  }
0xaf: {  	[dreg:$0x3] =	wrdreg $0x0  }
0xb0: {  	[dreg:$0x4] =	wrdreg $0x9  }
0xb1: {  	_ =	task.clear_ibuf [dreg:s6], $0x5FFFF;
	_ =	strace $0x90000049  }
0xb2: {  	s29 =	simm.s32 $0x9;
	_ =	strace $0x8000004B  }
0xb3: {  	_ =	swait.ge [sflag:s29], $0x1  }
0xb4: {  	[sflag:s29] =	ssyncadd.s32 $0xFFFFFFFF  }
0xb5: {  	_ =	strace $0x9000004B  }
0xb6: {  	_ =	sfence  }
0xb7: {  	s30 =	sld [smem:$0x0];
	_ =	sdelay $0x2  }
0xb8: {  	s31 =	sshll.u32 s1, $0xD;
	s1 =	sshrl.u32 s1, $0x2  }
0xb9: {  	s3 =	sand.u32 $0x4000, s31;
	s1 =	sadd.s32 s1, s30  }
0xba: {  	s0 =	sor.u32 s3, s0;
	s1 =	sshll.u32 s1, $0x11  }
0xbb: {  	s0 =	sor.u32 s1, s0  }
0xbc: {  	s0 =	sadd.s32 $0x8F2B, s0  }
0xbd: {  	[sflag:s0] =	ssyncadd.remote.s32 $0x1  }
0xbe: {  	_ =	sfence.sel $0xFFFF  }
0xbf: {  	[dreg:$0x0] =	wrdreg $0xFFFFFFFF;
	(pc) =	sbr.abs _section_cstart, $3  }
0xc0: {  	[dreg:$0x1] =	wrdreg $0xFFFFFFFF  }
0xc1: {  	_ =	task.clear_ibuf [dreg:s6], $0x2FFFF;
	_ =	strace $0x9FFFFFFF  }
0xc2: {  	(tm) =	ssettm $0x7FFFFFFF  }
0xc3: {  	_ =	shalt  }
tec
execute0_lowered:
.L_overlay_start_1:
0x0: {  	(tag) =	ssettag $0x1  }
0x1: {  	s6 =	rddreg [dreg:$0x0]  }
0x2: {  	s1 =	rddreg [dreg:$0x1];
	s3 =	simm.s32 $0x0  }
0x3: {  	s4 =	srdreg.scid;
	s2 =	stileid.u32;
	s19 =	simm.s32 $0x320  }
0x4: {  	s20 =	simm.s32 $0x19380;
	s21 =	simm.s32 $0x19060;
	s22 =	simm.s32 $0x18A20  }
0x5: {  	s23 =	simm.s32 $0x1;
	s28 =	simm.s32 $0x0;
	[smem:$0x7FF] =	sst s3  }
0x6: {  	s12 =	sand.u32 $0x1, s4;
	s7 =	smul.u32 $0x18700, s2;
	s4 =	sadd.s32 $0x18BE00, s6  }
0x7: {  	s13 =	sadd.s32 $0x2000, s6;
	s14 =	sadd.s32 $0xC5600, s6;
	s30 =	smul.u32 $0xC350, s2  }
0x8: {  	s5 =	sadd.s32 $0x188C00, s6;
	s9 =	sshll.u32 s2, $0x1;
	s8 =	smul.u32 $0x187000, s12  }
0x9: {  	s25 =	sshll.u32 s2, $0x6;
	s9 =	sor.u32 s12, s9;
	s31 =	smul.u32 $0x61A8, s12  }
0xa: {  	_ =	strace $0x8000004A;
	s10 =	ssub.s32 $0x2, s12;
	s15 =	smul.u32 $0x30D40, s9  }
0xb: {  	s11 =	sshrl.u32 s10, $0x1;
	s24 =	smul.u32 $0x61A8, s9;
	s8 =	sadd.s32 s7, s8  }
0xc: {  	s18 =	sadd.s32 s7, s1;
	s17 =	ssub.s32 s10, s11;
	s8 =	sshrl.u32 s8, $0x3  }
0xd: {  	s26 =	sshrl.u32 s15, $0x3;
	s7 =	sadd.s32 s13, s24;
	s12 =	smax.u32 s17, $0x1  }
0xe: {  	s15 =	sshrl.u32 s18, $0x3;
	s17 =	simm.s32 $0x18D40;
	s18 =	simm.s32 $0x18700  }
0xf: {  	s16 =	sadd.s32 s8, s6;
	s6 =	sor.u32 $0x1C03, s25;
	s29 =	sadd.s32 $0x64, s26  }
0x10: {  	s8 =	sadd.s32 s14, s24;
	s24 =	simm.s32 $0x1C580;
	s25 =	simm.s32 $0x4  }
0x11: {  	s26 =	simm.s32 $0x2;
	s9 =	sadd.s32 s13, s29;
	s10 =	sadd.s32 s14, s29  }
0x12: {  	s11 =	sadd.s32 $0x1BCC00, s16;
	s13 =	sadd.s32 s30, s13;
	s14 =	sadd.s32 s30, s14  }
0x13: {  	s16 =	simm.s32 $0x3;
	s13 =	sadd.s32 s31, s13;
	s14 =	sadd.s32 s31, s14  }
.LBB2_1:
0x14: {  	[spmem:s15], [sflag:s6] =	dma.local [hbm:s5], $0x30E0  }
0x15: {  	_ =	swait.ge [sflag:s16], $0x30E0  }
0x16: {  	[sflag:s16] =	ssyncset.done $0x0  }
0x17: {  	[sflag:s16] =	ssyncadd.s32 $0xFFFFCF20  }
0x18: {  	[bflag:$0x0] =	sbarrier.arrive $0xFFFF  }
0x19: {  	[tilespmem:s17], [sflag:$0x3] =	stream.linear.gather [hbm4b:s7+s3], $0x320, $0x38;
	[tilespmem:$0x1F780] =	vst v63  }
0x1a: {  	_ =	swait.ge [sflag:s16], $0x320  }
0x1b: {  	[sflag:s16] =	ssyncset.done $0x0  }
0x1c: {  	[sflag:s16] =	ssyncadd.s32 $0xFFFFFCE0  }
0x1d: {  	[tilespmem:s18], [sflag:$0x3] =	stream.linear.gather [hbm4b:s8+s3], $0x320, $0x38;
	[tilespmem:$0x1F780] =	vst v63  }
0x1e: {  	_ =	swait.ge [sflag:s16], $0x320  }
0x1f: {  	[sflag:s16] =	ssyncset.done $0x0  }
0x20: {  	[sflag:s16] =	ssyncadd.s32 $0xFFFFFCE0  }
0x21: {  	[tilespmem:s20], [sflag:$0x1] =	stream.indirect.gather [hbm4b:s4+s19], $0x10, s17, s19, $0xb8;
	[tilespmem:$0x1F780] =	vst v63  }
0x22: {  	_ = 	snop  }
0x23: {  	[tilespmem:s21], [sflag:$0x3] =	stream.linear.gather [hbm4b:s9+s3], $0x320, $0x38;
	[tilespmem:$0x1F780] =	vst v63  }
0x24: {  	_ =	swait.ge [sflag:s16], $0x320  }
0x25: {  	[sflag:s16] =	ssyncset.done $0x0  }
0x26: {  	[sflag:s16] =	ssyncadd.s32 $0xFFFFFCE0  }
0x27: {  	[tilespmem:s22], [sflag:$0x3] =	stream.linear.gather [hbm4b:s10+s3], $0x320, $0x38;
	[tilespmem:$0x1F780] =	vst v63  }
0x28: {  	_ =	swait.ge [sflag:s16], $0x320  }
0x29: {  	[sflag:s16] =	ssyncset.done $0x0  }
0x2a: {  	[sflag:s16] =	ssyncadd.s32 $0xFFFFFCE0  }
0x2b: {  	_ =	swait.ge [sflag:s23], $0x3200  }
0x2c: {  	[sflag:s23] =	ssyncset.done $0x0  }
0x2d: {  	[sflag:s23] =	ssyncadd.s32 $0xFFFFCE00  }
0x2e: {  	[tilespmem:s24], [sflag:$0x2] =	stream.indirect.gather [hbm4b:s4+s19], $0x10, s21, s19, $0xb8;
	[tilespmem:$0x1F780] =	vst v63  }
0x2f: {  	_ = 	snop  }
0x30: {  	[spmem:s1] =	stream.indirect.scatter.add.f32 [tilespmem:s20], [sflag:$0x4], $0x10, s18, s19, $0xb8;
	[tilespmem:$0x1F780] =	vst v63  }
0x31: {  	_ =	swait.ge [sflag:s25], $0x3200  }
0x32: {  	s29 =	sadd.s32 $0x0, s13;
	[sflag:s25] =	ssyncset.done $0x0  }
0x33: {  	s30 =	sadd.s32 $0xC8, s29;
	[sflag:s25] =	ssyncadd.s32 $0xFFFFCE00  }
0x34: {  	[tilespmem:s17], [sflag:$0x4] =	stream.linear.gather [hbm4b:s30+s3], $0x320, $0x38;
	[tilespmem:$0x1F780] =	vst v63  }
0x35: {  	_ =	swait.ge [sflag:s25], $0x320  }
0x36: {  	s0 =	sadd.s32 $0x0, s14;
	[sflag:s25] =	ssyncset.done $0x0  }
0x37: {  	s31 =	sadd.s32 $0xC8, s0;
	[sflag:s25] =	ssyncadd.s32 $0xFFFFFCE0  }
0x38: {  	[tilespmem:s18], [sflag:$0x4] =	stream.linear.gather [hbm4b:s31+s3], $0x320, $0x38;
	[tilespmem:$0x1F780] =	vst v63  }
0x39: {  	_ =	swait.ge [sflag:s25], $0x320  }
0x3a: {  	[sflag:s25] =	ssyncset.done $0x0  }
0x3b: {  	[sflag:s25] =	ssyncadd.s32 $0xFFFFFCE0  }
0x3c: {  	_ =	swait.ge [sflag:s26], $0x3200  }
0x3d: {  	[sflag:s26] =	ssyncset.done $0x0  }
0x3e: {  	[sflag:s26] =	ssyncadd.s32 $0xFFFFCE00  }
0x3f: {  	[tilespmem:s20], [sflag:$0x1] =	stream.indirect.gather [hbm4b:s4+s19], $0x10, s17, s19, $0xb8;
	[tilespmem:$0x1F780] =	vst v63  }
0x40: {  	_ = 	snop  }
0x41: {  	[spmem:s1] =	stream.indirect.scatter.add.f32 [tilespmem:s24], [sflag:$0x4], $0x10, s22, s19, $0xb8;
	[tilespmem:$0x1F780] =	vst v63  }
0x42: {  	_ =	swait.ge [sflag:s25], $0x3200  }
0x43: {  	[sflag:s25] =	ssyncset.done $0x0  }
0x44: {  	s29 =	sadd.s32 $0x12C, s29;
	[sflag:s25] =	ssyncadd.s32 $0xFFFFCE00  }
0x45: {  	[tilespmem:s21], [sflag:$0x4] =	stream.linear.gather [hbm4b:s29+s3], $0x320, $0x38;
	[tilespmem:$0x1F780] =	vst v63  }
0x46: {  	_ =	swait.ge [sflag:s25], $0x320  }
0x47: {  	[sflag:s25] =	ssyncset.done $0x0  }
0x48: {  	s29 =	sadd.s32 $0x12C, s0;
	[sflag:s25] =	ssyncadd.s32 $0xFFFFFCE0  }
0x49: {  	[tilespmem:s22], [sflag:$0x3] =	stream.linear.gather [hbm4b:s29+s3], $0x320, $0x38;
	[tilespmem:$0x1F780] =	vst v63  }
0x4a: {  	_ =	swait.ge [sflag:s16], $0x320  }
0x4b: {  	s29 =	simm.s32 $0xC8;
	[sflag:s16] =	ssyncset.done $0x0  }
.LBB2_2:
0x4c: {  	p0 =	sne.s32 s29, $0x6018  }
0x4d: {  	[sflag:s16] =	ssyncadd.s32 $0xFFFFFCE0;
	s30 =	smov.u32 s29;
	s29 =	sadd.s32 $0xC8, s29  }
0x4e: {  	_ =	swait.ge [sflag:s23], $0x3200  }
0x4f: {  	[sflag:s23] =	ssyncset.done $0x0  }
0x50: {  	[sflag:s23] =	ssyncadd.s32 $0xFFFFCE00  }
0x51: {  	[tilespmem:s24], [sflag:$0x2] =	stream.indirect.gather [hbm4b:s4+s19], $0x10, s21, s19, $0xb8;
	[tilespmem:$0x1F780] =	vst v63  }
0x52: {  	_ = 	snop  }
0x53: {  	[spmem:s1] =	stream.indirect.scatter.add.f32 [tilespmem:s20], [sflag:$0x4], $0x10, s18, s19, $0xb8;
	[tilespmem:$0x1F780] =	vst v63  }
0x54: {  	_ =	swait.ge [sflag:s25], $0x3200  }
0x55: {  	s31 =	sadd.s32 s30, s13;
	[sflag:s25] =	ssyncset.done $0x0  }
0x56: {  	s0 =	sadd.s32 $0xC8, s31;
	[sflag:s25] =	ssyncadd.s32 $0xFFFFCE00  }
0x57: {  	[tilespmem:s17], [sflag:$0x4] =	stream.linear.gather [hbm4b:s0+s3], $0x320, $0x38;
	[tilespmem:$0x1F780] =	vst v63  }
0x58: {  	_ =	swait.ge [sflag:s25], $0x320  }
0x59: {  	s0 =	sadd.s32 s30, s14;
	[sflag:s25] =	ssyncset.done $0x0  }
0x5a: {  	s30 =	sadd.s32 $0xC8, s0;
	[sflag:s25] =	ssyncadd.s32 $0xFFFFFCE0  }
0x5b: {  	[tilespmem:s18], [sflag:$0x4] =	stream.linear.gather [hbm4b:s30+s3], $0x320, $0x38;
	[tilespmem:$0x1F780] =	vst v63  }
0x5c: {  	_ =	swait.ge [sflag:s25], $0x320  }
0x5d: {  	[sflag:s25] =	ssyncset.done $0x0  }
0x5e: {  	[sflag:s25] =	ssyncadd.s32 $0xFFFFFCE0  }
0x5f: {  	_ =	swait.ge [sflag:s26], $0x3200  }
0x60: {  	[sflag:s26] =	ssyncset.done $0x0  }
0x61: {  	[sflag:s26] =	ssyncadd.s32 $0xFFFFCE00  }
0x62: {  	[tilespmem:s20], [sflag:$0x1] =	stream.indirect.gather [hbm4b:s4+s19], $0x10, s17, s19, $0xb8;
	[tilespmem:$0x1F780] =	vst v63  }
0x63: {  	_ = 	snop  }
0x64: {  	[spmem:s1] =	stream.indirect.scatter.add.f32 [tilespmem:s24], [sflag:$0x4], $0x10, s22, s19, $0xb8;
	[tilespmem:$0x1F780] =	vst v63  }
0x65: {  	_ =	swait.ge [sflag:s25], $0x3200  }
0x66: {  	[sflag:s25] =	ssyncset.done $0x0  }
0x67: {  	s30 =	sadd.s32 $0x12C, s31;
	[sflag:s25] =	ssyncadd.s32 $0xFFFFCE00  }
0x68: {  	[tilespmem:s21], [sflag:$0x4] =	stream.linear.gather [hbm4b:s30+s3], $0x320, $0x38;
	[tilespmem:$0x1F780] =	vst v63  }
0x69: {  	_ =	swait.ge [sflag:s25], $0x320  }
.Ltmp0:
0x6a: {  	[sflag:s25] =	ssyncset.done $0x0;
	(pc) =	sbr.rel @p0 .LBB2_2-.Ltmp0, $4  }
0x6b: {  	s0 =	sadd.s32 $0x12C, s0;
	[sflag:s25] =	ssyncadd.s32 $0xFFFFFCE0  }
0x6c: {  	[tilespmem:s22], [sflag:$0x3] =	stream.linear.gather [hbm4b:s0+s3], $0x320, $0x38;
	[tilespmem:$0x1F780] =	vst v63  }
0x6d: {  	_ =	swait.ge [sflag:s16], $0x320  }
0x6e: {  	[sflag:s16] =	ssyncset.done $0x0  }
0x6f: {  	[sflag:s16] =	ssyncadd.s32 $0xFFFFFCE0  }
0x70: {  	_ =	swait.ge [sflag:s23], $0x3200  }
0x71: {  	[sflag:s23] =	ssyncset.done $0x0  }
0x72: {  	[sflag:s23] =	ssyncadd.s32 $0xFFFFCE00  }
0x73: {  	[tilespmem:s24], [sflag:$0x2] =	stream.indirect.gather [hbm4b:s4+s19], $0x10, s21, s19, $0xb8;
	[tilespmem:$0x1F780] =	vst v63  }
0x74: {  	_ = 	snop  }
0x75: {  	[spmem:s1] =	stream.indirect.scatter.add.f32 [tilespmem:s20], [sflag:$0x4], $0x10, s18, s19, $0xb8;
	[tilespmem:$0x1F780] =	vst v63  }
0x76: {  	_ =	swait.ge [sflag:s25], $0x3200  }
0x77: {  	[sflag:s25] =	ssyncset.done $0x0  }
0x78: {  	[sflag:s25] =	ssyncadd.s32 $0xFFFFCE00  }
0x79: {  	_ =	swait.ge [sflag:s26], $0x3200  }
0x7a: {  	[sflag:s26] =	ssyncset.done $0x0  }
0x7b: {  	[sflag:s26] =	ssyncadd.s32 $0xFFFFCE00  }
0x7c: {  	[spmem:s1] =	stream.indirect.scatter.add.f32 [tilespmem:s24], [sflag:$0x4], $0x10, s22, s19, $0xb8;
	[tilespmem:$0x1F780] =	vst v63  }
0x7d: {  	_ =	swait.ge [sflag:s25], $0x3200  }
0x7e: {  	s28 =	sadd.s32 $0x1, s28;
	[sflag:s25] =	ssyncset.done $0x0  }
0x7f: {  	p0 =	sne.s32 s28, s12;
	[sflag:s25] =	ssyncadd.s32 $0xFFFFCE00  }
.Ltmp1:
0x80: {  	[bflag:$0x0] =	sbarrier.arrive $0xFFFF;
	(pc) =	sbr.rel @p0 .LBB2_1-.Ltmp1, $4  }
0x81: {  	[hbm:s11], [sflag:s6] =	dma.local [spmem:s15], $0x30E0  }
0x82: {  	_ =	swait.ge [sflag:s16], $0x30E0  }
0x83: {  	[sflag:s16] =	ssyncset.done $0x0  }
0x84: {  	[sflag:s16] =	ssyncadd.s32 $0xFFFFCF20  }
0x85: {  	_ =	sfence.sel $0x180000  }
0x86: {  	[bflag:$0x0] =	sbarrier.arrive $0xFFFF  }
0x87: {  	_ =	strace $0x9000004A  }
0x88: {  	[bflag:$0x2] =	sbarrier.arrive $0xFFFF  }
0x89: {  	p0 =	sne.s32 s2, $0x0;
	s0 =	rddreg [dreg:$0x2]  }
0x8a: {  	s0 =	sadd.s32 @!p0 $0x100000, s0  }
0x8b: {  	[sflag:s0] =	ssyncadd.tile.s32 @!p0 $0x1;
	_ =	shalt  }
.Lfunc_end2:
_tile_overlayer_lowered:
.L_overlay_start_2:
0x8c: {  	(tag) =	ssettag $0x2  }
0x8d: {  	s0 =	rddreg [dreg:$0x0];
	s2 =	stileid.u32  }
0x8e: {  	s1 =	rddreg [dreg:$0x1];
	p0 =	sne.s32 s2, $0x0  }
0x8f: {  	s3 =	rddreg [dreg:$0x2];
	[bflag:$0x3] =	sbarrier.arrive $0xFFFF;
	s2 =	simm.s32 @!p0 $0x1C03  }
0x90: {  	[timem:s3], [sflag:s2] =	dma.local @!p0 [hbm:s0], s1  }
0x91: {  	s0 =	simm.s32 @!p0 $0x3  }
0x92: {  	_ =	swait.ge @!p0 [sflag:s0], s1  }
0x93: {  	s1 =	ssub.s32 @!p0 $0x0, s1;
	[sflag:s0] =	ssyncset.done @!p0 $0x0  }
0x94: {  	[sflag:s0] =	ssyncadd.s32 @!p0 s1  }
0x95: {  	[bflag:$0x3] =	sbarrier.arrive $0xFFFF  }
0x96: {  	_ =	shalt  }

// kernel: kernel.16.cloned.1.call-start
scs
__scs_entry_jumppad:
0x0: {  	(pc) =	sbr.rel $0x88, $3  }
0x1: {  	(tag) =	ssettag $0x0;
	lr =	simm.s32 $0x1  }
0x2: {  	[smem:$0x3F99] =	sst lr;
	_ =	strace $0xD0000000  }
0x3: {  	_ = 	snop  }
0x4: {  	_ = 	snop  }
0x5: {  	_ = 	snop  }
0x6: {  	_ = 	snop  }
0x7: {  	_ = 	snop  }
__scs_overlays_trampoline_lowered:
0x8: {  	[smem:$0x3FA8] =	sst s0  }
0x9: {  	[smem:$0x3FA9] =	sst s1  }
0xa: {  	[smem:$0x3FAA] =	sst s2  }
0xb: {  	[smem:$0x3FAB] =	sst s3  }
0xc: {  	[smem:$0x3FAC] =	sst s4  }
0xd: {  	[smem:$0x3FAD] =	sst s5  }
0xe: {  	[smem:$0x3FAE] =	sst s6  }
0xf: {  	[smem:$0x3FAF] =	sst s7  }
0x10: {  	[smem:$0x3FB0] =	sst s8  }
0x11: {  	[smem:$0x3FB1] =	sst s9;
	s0 =	simm.s32 @!p0 $0x0  }
0x12: {  	s1 =	sld [smem:$0x3F97];
	s0 =	simm.s32 @p0 $0x1  }
0x13: {  	[smem:$0x3FB2] =	sst s0;
	s0 =	simm.s32 @!p1 $0x0  }
0x14: {  	s2 =	sld [smem:$0x3F96];
	s0 =	simm.s32 @p1 $0x1  }
0x15: {  	[smem:$0x3FB3] =	sst s0;
	s0 =	simm.s32 @!p2 $0x0  }
0x16: {  	s3 =	sld [smem:$0x3FDB];
	s0 =	simm.s32 @p2 $0x1  }
0x17: {  	s4 =	simm.s32 $0x1BF5;
	[smem:$0x3FB5] =	sst s0  }
0x18: {  	s0 =	sld [smem:$0x3F98];
	_ =	swait.ge [sflag:s4], $0x0  }
0x19: {  	s7 =	sld [smem:$0x3F99]  }
0x1a: {  	s8 =	sadd.s32 $0xFFFFE003, lr  }
0x1b: {  	s9 =	sadd.s32 $0xFFFFFEF7, lr;
	s5 =	simm.s32 $0xFFFFFFFF;
	p2 =	slt.u32 s8, $0xFFFFF086  }
0x1c: {  	p1 =	slt.u32 s9, $0xF7A;
	s5 =	simm.s32 @!p2 $0x0  }
0x1d: {  	s5 =	simm.s32 @p1 $0x1;
	p0 =	seq.s32 s7, s2  }
0x1e: {  	s7 =	smul.u32 @!p0 $0xF7A, s2;
	p2 =	seq.s32 @!p0 s5, $0x0  }
0x1f: {  	s9 =	smul.u32 $0xF7A, s1;
	s8 =	simm.s32 @!p0 $0x1BF5;
	p2 =	por !p2, p0  }
0x20: {  	[sflag:s8] =	ssyncset.s32 @!p0 $0xFFFFF086;
	s6 =	sadd.s32 @!p0 s3, s7;
	s7 =	simm.s32 @!p0 $0x108  }
0x21: {  	s3 =	sadd.s32 s3, s9;
	s6 =	sadd.s32 @!p0 $0x88, s6;
	s7 =	simm.s32 @p2 $0x1082  }
0x22: {  	[simem:s7], [sflag:s8] =	dma.local @!p0 [hbm:s6], $0xF7A  }
0x23: {  	s9 =	sor.u32 $0xD0000000, s2;
	s6 =	simm.s32 $0x108;
	_ =	swait.ge @!p0 [sflag:s8], $0x0  }
0x24: {  	s3 =	sadd.s32 $0x88, s3;
	s6 =	simm.s32 @!p1 $0x1082;
	[sflag:s4] =	ssyncset.s32 $0xFFFFF086  }
0x25: {  	[simem:s6], [sflag:s4] =	dma.local [hbm:s3], $0xF7A  }
0x26: {  	[smem:$0x3F99] =	sst s1;
	(tag) =	ssettag s2;
	_ =	strace s9  }
0x27: {  	s1 =	sld [smem:$0x3FA9]  }
0x28: {  	s2 =	sld [smem:$0x3FAA]  }
0x29: {  	s4 =	sld [smem:$0x3FAC]  }
0x2a: {  	p0 =	seq.s32 s5, $0x0;
	s5 =	sld [smem:$0x3FAD]  }
0x2b: {  	s6 =	sld [smem:$0x3FAE]  }
0x2c: {  	s7 =	sld [smem:$0x3FAF]  }
0x2d: {  	s3 =	simm.s32 $0x108;
	s8 =	sld [smem:$0x3FB0]  }
0x2e: {  	s3 =	simm.s32 @!p0 $0x1082;
	s9 =	sld [smem:$0x3FB1]  }
0x2f: {  	lr =	sadd.s32 s0, s3;
	s0 =	sld [smem:$0x3FA8]  }
0x30: {  	s3 =	sld [smem:$0x3FAB]  }
0x31: {  	[smem:$0x3FB4] =	sst s10  }
0x32: {  	s10 =	sld [smem:$0x3FB2];
	_ =	sdelay $0x3  }
0x33: {  	p0 =	seq.s32 s10, $0x1;
	s10 =	sld [smem:$0x3FB4];
	_ =	sdelay $0x3  }
0x34: {  	[smem:$0x3FB4] =	sst s10  }
0x35: {  	s10 =	sld [smem:$0x3FB3];
	_ =	sdelay $0x3  }
0x36: {  	p1 =	seq.s32 s10, $0x1;
	s10 =	sld [smem:$0x3FB4];
	_ =	sdelay $0x3  }
0x37: {  	[smem:$0x3FB4] =	sst s10  }
0x38: {  	s10 =	sld [smem:$0x3FB5]  }
0x39: {  	_ = 	snop;
	(pc) =	sbr.ind lr, $3  }
0x3a: {  	_ = 	snop  }
0x3b: {  	_ = 	snop  }
0x3c: {  	p2 =	seq.s32 s10, $0x1;
	s10 =	sld [smem:$0x3FB4]  }
0x3d: {  	_ =	shalt  }
0x3e: {  	_ =	shalt  }
0x3f: {  	_ =	shalt  }
0x40: {  	_ =	shalt  }
0x41: {  	_ =	shalt  }
0x42: {  	_ =	shalt  }
0x43: {  	_ =	shalt  }
0x44: {  	_ =	shalt  }
0x45: {  	_ =	shalt  }
0x46: {  	_ =	shalt  }
0x47: {  	_ =	shalt  }
0x48: {  	_ =	shalt  }
0x49: {  	_ =	shalt  }
0x4a: {  	_ =	shalt  }
0x4b: {  	_ =	shalt  }
0x4c: {  	_ =	shalt  }
0x4d: {  	_ =	shalt  }
0x4e: {  	_ =	shalt  }
0x4f: {  	_ =	shalt  }
0x50: {  	_ =	shalt  }
0x51: {  	_ =	shalt  }
0x52: {  	_ =	shalt  }
0x53: {  	_ =	shalt  }
0x54: {  	_ =	shalt  }
0x55: {  	_ =	shalt  }
0x56: {  	_ =	shalt  }
0x57: {  	_ =	shalt  }
0x58: {  	_ =	shalt  }
0x59: {  	_ =	shalt  }
0x5a: {  	_ =	shalt  }
0x5b: {  	_ =	shalt  }
0x5c: {  	_ =	shalt  }
0x5d: {  	_ =	shalt  }
0x5e: {  	_ =	shalt  }
0x5f: {  	_ =	shalt  }
0x60: {  	_ =	shalt  }
0x61: {  	_ =	shalt  }
0x62: {  	_ =	shalt  }
0x63: {  	_ =	shalt  }
0x64: {  	_ =	shalt  }
0x65: {  	_ =	shalt  }
0x66: {  	_ =	shalt  }
0x67: {  	_ =	shalt  }
0x68: {  	_ =	shalt  }
0x69: {  	_ =	shalt  }
0x6a: {  	_ =	shalt  }
0x6b: {  	_ =	shalt  }
0x6c: {  	_ =	shalt  }
0x6d: {  	_ =	shalt  }
0x6e: {  	_ =	shalt  }
0x6f: {  	_ =	shalt  }
0x70: {  	_ =	shalt  }
0x71: {  	_ =	shalt  }
0x72: {  	_ =	shalt  }
0x73: {  	_ =	shalt  }
0x74: {  	_ =	shalt  }
0x75: {  	_ =	shalt  }
0x76: {  	_ =	shalt  }
0x77: {  	_ =	shalt  }
0x78: {  	_ =	shalt  }
0x79: {  	_ =	shalt  }
0x7a: {  	_ =	shalt  }
0x7b: {  	_ =	shalt  }
0x7c: {  	_ =	shalt  }
0x7d: {  	_ =	shalt  }
0x7e: {  	_ =	shalt  }
0x7f: {  	_ =	shalt  }
0x80: {  	_ =	shalt  }
0x81: {  	_ =	shalt  }
0x82: {  	_ =	shalt  }
0x83: {  	_ =	shalt  }
0x84: {  	_ =	shalt  }
0x85: {  	_ =	shalt  }
0x86: {  	_ =	shalt  }
0x87: {  	_ =	shalt  }
.Lfunc_end0:
.L_simem_size_0:
called_computation.2_lowered:
.L_overlay_start_0:
0x88: {  	s2 =	sld [smem:$0x3FD9]  }
0x89: {  	s3 =	sld [smem:$0x3FFE];
	_ =	sdelay $0x1  }
0x8a: {  	s1 =	srdreg.scid  }
0x8b: {  	s0 =	sand.u32 $0x1, s1  }
0x8c: {  	s16 =	sshll.u32 s0, $0xA;
	s2 =	sadd.s32 s3, s2  }
0x8d: {  	s2 =	sadd.s32 s2, s16  }
0x8e: {  	[smem:$0x3FC0] =	sst s2  }
0x8f: {  	_ = 	snop  }
0x90: {  	(tm) =	ssettm $0x1  }
0x91: {  	s17 =	sld [smem:$0x3FFB];
	_ =	sdelay $0x3  }
0x92: {  	_ =	strace s17  }
0x93: {  	s2 =	sld [smem:$0x3FFC];
	_ =	sdelay $0x3  }
0x94: {  	_ =	strace s2  }
0x95: {  	s2 =	sld [smem:$0x3FFD];
	_ =	sdelay $0x3  }
0x96: {  	_ =	strace s2  }
0x97: {  	_ =	strace $0x8FFFFFFF  }
0x98: {  	s18 =	sld [smem:$0x3FDB];
	_ =	sdelay $0x1  }
0x99: {  	s19 =	simm.s32 $_scs_section_size  }
0x9a: {  	s4 =	simm.s32 $_size__tile_overlayer_lowered;
	s5 =	simm.s32 $_tile_overlayer_lowered  }
0x9b: {  	s22 =	simm.s32 $0x1BFF;
	s21 =	sshll.u32 s5, $0x1;
	s2 =	sadd.s32 s19, s18  }
0x9c: {  	s6 =	simm.s32 $0x0;
	s20 =	sshll.u32 s4, $0x1;
	s4 =	sadd.s32 s21, s2  }
0x9d: {  	[timem:s6], [sflag:s22] =	dma.local [hbm:s4], s20  }
0x9e: {  	_ =	swait.ge [sflag:s22], s20  }
0x9f: {  	s3 =	ssub.s32 $0x0, s20;
	[sflag:s22] =	ssyncset.done $0x0  }
0xa0: {  	[sflag:s22] =	ssyncadd.s32 s3;
	_ =	sdelay $0x1  }
0xa1: {  	s23 =	simm.s32 $0x1B8B  }
0xa2: {  	_ =	swait.ge [sflag:s23], $0x1  }
0xa3: {  	[sflag:s23] =	ssyncset.done $0x0  }
0xa4: {  	s25 =	simm.s32 $0x1B8E;
	s24 =	sld [smem:$0x3FFE];
	[sflag:s23] =	ssyncadd.s32 $0xFFFFFFFF  }
0xa5: {  	s26 =	simm.s32 $execute0_lowered;
	[smem:$0x3FD2] =	sst s25  }
0xa6: {  	s4 =	sshll.u32 s26, $0x1;
	_ =	strace $0x8000004C;
	[dreg:$0x1] =	wrdreg $0xFFFFFFFF  }
0xa7: {  	s28 =	simm.s32 $_size_execute0_lowered;
	s2 =	sadd.s32 s2, s4;
	[dreg:$0x0] =	wrdreg $0x0  }
0xa8: {  	s4 =	sshll.u32 s28, $0x1;
	[dreg:$0x2] =	wrdreg s2  }
0xa9: {  	[dreg:$0x3] =	wrdreg s4  }
0xaa: {  	[dreg:$0x4] =	wrdreg $0xC0  }
0xab: {  	_ =	task [dreg:s6], $0x5FFFF  }
0xac: {  	[dreg:$0x1] =	wrdreg $0xFFFFFFFF  }
0xad: {  	[dreg:$0x0] =	wrdreg $0x60  }
0xae: {  	[dreg:$0x2] =	wrdreg s24  }
0xaf: {  	[dreg:$0x3] =	wrdreg $0x0  }
0xb0: {  	[dreg:$0x4] =	wrdreg $0x9  }
0xb1: {  	_ =	task.clear_ibuf [dreg:s6], $0x5FFFF;
	_ =	strace $0x9000004C  }
0xb2: {  	s29 =	simm.s32 $0x9;
	_ =	strace $0x8000004E  }
0xb3: {  	_ =	swait.ge [sflag:s29], $0x1  }
0xb4: {  	[sflag:s29] =	ssyncadd.s32 $0xFFFFFFFF  }
0xb5: {  	_ =	strace $0x9000004E  }
0xb6: {  	_ =	sfence  }
0xb7: {  	s30 =	sld [smem:$0x0];
	_ =	sdelay $0x2  }
0xb8: {  	s31 =	sshll.u32 s1, $0xD;
	s1 =	sshrl.u32 s1, $0x2  }
0xb9: {  	s3 =	sand.u32 $0x4000, s31;
	s1 =	sadd.s32 s1, s30  }
0xba: {  	s0 =	sor.u32 s3, s0;
	s1 =	sshll.u32 s1, $0x11  }
0xbb: {  	s0 =	sor.u32 s1, s0  }
0xbc: {  	s0 =	sadd.s32 $0x8F2B, s0  }
0xbd: {  	[sflag:s0] =	ssyncadd.remote.s32 $0x1  }
0xbe: {  	_ =	sfence.sel $0xFFFF  }
0xbf: {  	[dreg:$0x0] =	wrdreg $0xFFFFFFFF;
	(pc) =	sbr.abs _section_cstart, $3  }
0xc0: {  	[dreg:$0x1] =	wrdreg $0xFFFFFFFF  }
0xc1: {  	_ =	task.clear_ibuf [dreg:s6], $0x2FFFF;
	_ =	strace $0x9FFFFFFF  }
0xc2: {  	(tm) =	ssettm $0x7FFFFFFF  }
0xc3: {  	_ =	shalt  }
tec
execute0_lowered:
.L_overlay_start_1:
0x0: {  	(tag) =	ssettag $0x1  }
0x1: {  	s5 =	rddreg [dreg:$0x0];
	s0 =	srdreg.scid  }
0x2: {  	s2 =	rddreg [dreg:$0x1];
	s1 =	stileid.u32  }
0x3: {  	s3 =	simm.s32 $0x0;
	s16 =	simm.s32 $0x18700;
	s17 =	simm.s32 $0x320  }
0x4: {  	s18 =	simm.s32 $0x19380;
	s19 =	simm.s32 $0x19060;
	s20 =	simm.s32 $0x18A20  }
0x5: {  	s21 =	simm.s32 $0x1;
	s22 =	simm.s32 $0x1C580;
	s23 =	simm.s32 $0x4  }
0x6: {  	s24 =	simm.s32 $0x2;
	s25 =	simm.s32 $0x0;
	s7 =	smul.u32 $0x18700, s1  }
0x7: {  	s6 =	sand.u32 $0x1, s0;
	s0 =	rddreg [dreg:$0x2];
	s29 =	smul.u32 $0x61A80, s1  }
0x8: {  	[smem:$0x7FF] =	sst s3;
	s10 =	sadd.s32 $0x2000, s5;
	s14 =	smul.u32 $0xC350, s1  }
0x9: {  	s11 =	sadd.s32 $0xC5600, s5;
	s30 =	sshll.u32 s1, $0x6;
	s4 =	smul.u32 $0x30D40, s6  }
0xa: {  	s8 =	smul.u32 $0x187000, s6;
	_ =	strace $0x8000004D;
	s6 =	ssub.s32 $0x2, s6  }
0xb: {  	s28 =	sshrl.u32 s6, $0x1;
	s15 =	sadd.s32 s7, s2;
	s9 =	sadd.s32 s4, s5  }
0xc: {  	s8 =	sadd.s32 s7, s8;
	s4 =	sadd.s32 $0x188C00, s5;
	s13 =	ssub.s32 s6, s28  }
0xd: {  	s6 =	sadd.s32 s10, s14;
	s7 =	sadd.s32 s11, s14;
	s8 =	sshrl.u32 s8, $0x3  }
0xe: {  	s14 =	simm.s32 $0x3;
	s12 =	sadd.s32 s8, s5;
	s8 =	sshrl.u32 s29, $0x3  }
0xf: {  	s5 =	sor.u32 $0x1C03, s30;
	s31 =	sadd.s32 $0x64, s8;
	s8 =	sadd.s32 $0x18BE00, s9  }
0x10: {  	s9 =	sadd.s32 s10, s31;
	s10 =	sadd.s32 s11, s31;
	s11 =	sadd.s32 $0x1EDA00, s12  }
0x11: {  	s12 =	smax.u32 s13, $0x1;
	s13 =	sshrl.u32 s15, $0x3;
	s15 =	simm.s32 $0x18D40  }
.LBB2_1:
0x12: {  	[spmem:s13], [sflag:s5] =	dma.local [hbm:s4], $0x30E0  }
0x13: {  	_ =	swait.ge [sflag:s14], $0x30E0  }
0x14: {  	[sflag:s14] =	ssyncset.done $0x0  }
0x15: {  	[sflag:s14] =	ssyncadd.s32 $0xFFFFCF20  }
0x16: {  	[bflag:$0x0] =	sbarrier.arrive $0xFFFF  }
0x17: {  	[tilespmem:s15], [sflag:$0x3] =	stream.linear.gather [hbm4b:s6+s3], $0x320, $0x38;
	[tilespmem:$0x1F780] =	vst v63  }
0x18: {  	_ =	swait.ge [sflag:s14], $0x320  }
0x19: {  	[sflag:s14] =	ssyncset.done $0x0  }
0x1a: {  	[sflag:s14] =	ssyncadd.s32 $0xFFFFFCE0  }
0x1b: {  	[tilespmem:s16], [sflag:$0x3] =	stream.linear.gather [hbm4b:s7+s3], $0x320, $0x38;
	[tilespmem:$0x1F780] =	vst v63  }
0x1c: {  	_ =	swait.ge [sflag:s14], $0x320  }
0x1d: {  	[sflag:s14] =	ssyncset.done $0x0  }
0x1e: {  	[sflag:s14] =	ssyncadd.s32 $0xFFFFFCE0  }
0x1f: {  	[tilespmem:s18], [sflag:$0x1] =	stream.indirect.gather [hbm4b:s8+s17], $0x10, s15, s17, $0xb8;
	[tilespmem:$0x1F780] =	vst v63  }
0x20: {  	_ = 	snop  }
0x21: {  	[tilespmem:s19], [sflag:$0x3] =	stream.linear.gather [hbm4b:s9+s3], $0x320, $0x38;
	[tilespmem:$0x1F780] =	vst v63  }
0x22: {  	_ =	swait.ge [sflag:s14], $0x320  }
0x23: {  	[sflag:s14] =	ssyncset.done $0x0  }
0x24: {  	[sflag:s14] =	ssyncadd.s32 $0xFFFFFCE0  }
0x25: {  	[tilespmem:s20], [sflag:$0x3] =	stream.linear.gather [hbm4b:s10+s3], $0x320, $0x38;
	[tilespmem:$0x1F780] =	vst v63  }
0x26: {  	_ =	swait.ge [sflag:s14], $0x320  }
0x27: {  	[sflag:s14] =	ssyncset.done $0x0  }
0x28: {  	[sflag:s14] =	ssyncadd.s32 $0xFFFFFCE0  }
0x29: {  	_ =	swait.ge [sflag:s21], $0x3200  }
0x2a: {  	[sflag:s21] =	ssyncset.done $0x0  }
0x2b: {  	[sflag:s21] =	ssyncadd.s32 $0xFFFFCE00  }
0x2c: {  	[tilespmem:s22], [sflag:$0x2] =	stream.indirect.gather [hbm4b:s8+s17], $0x10, s19, s17, $0xb8;
	[tilespmem:$0x1F780] =	vst v63  }
0x2d: {  	_ = 	snop  }
0x2e: {  	[spmem:s2] =	stream.indirect.scatter.add.f32 [tilespmem:s18], [sflag:$0x4], $0x10, s16, s17, $0xb8;
	[tilespmem:$0x1F780] =	vst v63  }
0x2f: {  	_ =	swait.ge [sflag:s23], $0x3200  }
0x30: {  	s26 =	sadd.s32 $0xFFFF3D78, s6;
	[sflag:s23] =	ssyncset.done $0x0  }
0x31: {  	s28 =	sadd.s32 $0xC350, s26;
	[sflag:s23] =	ssyncadd.s32 $0xFFFFCE00  }
0x32: {  	[tilespmem:s15], [sflag:$0x4] =	stream.linear.gather [hbm4b:s28+s3], $0x320, $0x38;
	[tilespmem:$0x1F780] =	vst v63  }
0x33: {  	_ =	swait.ge [sflag:s23], $0x320  }
0x34: {  	s30 =	sadd.s32 $0xFFFF3D78, s7;
	[sflag:s23] =	ssyncset.done $0x0  }
0x35: {  	s29 =	sadd.s32 $0xC350, s30;
	[sflag:s23] =	ssyncadd.s32 $0xFFFFFCE0  }
0x36: {  	[tilespmem:s16], [sflag:$0x4] =	stream.linear.gather [hbm4b:s29+s3], $0x320, $0x38;
	[tilespmem:$0x1F780] =	vst v63  }
0x37: {  	_ =	swait.ge [sflag:s23], $0x320  }
0x38: {  	[sflag:s23] =	ssyncset.done $0x0  }
0x39: {  	[sflag:s23] =	ssyncadd.s32 $0xFFFFFCE0  }
0x3a: {  	_ =	swait.ge [sflag:s24], $0x3200  }
0x3b: {  	[sflag:s24] =	ssyncset.done $0x0  }
0x3c: {  	[sflag:s24] =	ssyncadd.s32 $0xFFFFCE00  }
0x3d: {  	[tilespmem:s18], [sflag:$0x1] =	stream.indirect.gather [hbm4b:s8+s17], $0x10, s15, s17, $0xb8;
	[tilespmem:$0x1F780] =	vst v63  }
0x3e: {  	_ = 	snop  }
0x3f: {  	[spmem:s2] =	stream.indirect.scatter.add.f32 [tilespmem:s22], [sflag:$0x4], $0x10, s20, s17, $0xb8;
	[tilespmem:$0x1F780] =	vst v63  }
0x40: {  	_ =	swait.ge [sflag:s23], $0x3200  }
0x41: {  	[sflag:s23] =	ssyncset.done $0x0  }
0x42: {  	s26 =	sadd.s32 $0xC3B4, s26;
	[sflag:s23] =	ssyncadd.s32 $0xFFFFCE00  }
0x43: {  	[tilespmem:s19], [sflag:$0x4] =	stream.linear.gather [hbm4b:s26+s3], $0x320, $0x38;
	[tilespmem:$0x1F780] =	vst v63  }
0x44: {  	_ =	swait.ge [sflag:s23], $0x320  }
0x45: {  	[sflag:s23] =	ssyncset.done $0x0  }
0x46: {  	s31 =	sadd.s32 $0xC3B4, s30;
	[sflag:s23] =	ssyncadd.s32 $0xFFFFFCE0  }
0x47: {  	[tilespmem:s20], [sflag:$0x3] =	stream.linear.gather [hbm4b:s31+s3], $0x320, $0x38;
	[tilespmem:$0x1F780] =	vst v63  }
0x48: {  	_ =	swait.ge [sflag:s14], $0x320  }
0x49: {  	s26 =	simm.s32 $0xFFFF3E40;
	[sflag:s14] =	ssyncset.done $0x0  }
.LBB2_2:
0x4a: {  	p0 =	sne.s32 s26, $0xFFFFFF38  }
0x4b: {  	[sflag:s14] =	ssyncadd.s32 $0xFFFFFCE0;
	s28 =	smov.u32 s26;
	s26 =	sadd.s32 $0xC8, s26  }
0x4c: {  	_ =	swait.ge [sflag:s21], $0x3200  }
0x4d: {  	[sflag:s21] =	ssyncset.done $0x0  }
0x4e: {  	[sflag:s21] =	ssyncadd.s32 $0xFFFFCE00  }
0x4f: {  	[tilespmem:s22], [sflag:$0x2] =	stream.indirect.gather [hbm4b:s8+s17], $0x10, s19, s17, $0xb8;
	[tilespmem:$0x1F780] =	vst v63  }
0x50: {  	_ = 	snop  }
0x51: {  	[spmem:s2] =	stream.indirect.scatter.add.f32 [tilespmem:s18], [sflag:$0x4], $0x10, s16, s17, $0xb8;
	[tilespmem:$0x1F780] =	vst v63  }
0x52: {  	_ =	swait.ge [sflag:s23], $0x3200  }
0x53: {  	s29 =	sadd.s32 s28, s6;
	[sflag:s23] =	ssyncset.done $0x0  }
0x54: {  	s30 =	sadd.s32 $0xC350, s29;
	[sflag:s23] =	ssyncadd.s32 $0xFFFFCE00  }
0x55: {  	[tilespmem:s15], [sflag:$0x4] =	stream.linear.gather [hbm4b:s30+s3], $0x320, $0x38;
	[tilespmem:$0x1F780] =	vst v63  }
0x56: {  	_ =	swait.ge [sflag:s23], $0x320  }
0x57: {  	s28 =	sadd.s32 s28, s7;
	[sflag:s23] =	ssyncset.done $0x0  }
0x58: {  	s30 =	sadd.s32 $0xC350, s28;
	[sflag:s23] =	ssyncadd.s32 $0xFFFFFCE0  }
0x59: {  	[tilespmem:s16], [sflag:$0x4] =	stream.linear.gather [hbm4b:s30+s3], $0x320, $0x38;
	[tilespmem:$0x1F780] =	vst v63  }
0x5a: {  	_ =	swait.ge [sflag:s23], $0x320  }
0x5b: {  	[sflag:s23] =	ssyncset.done $0x0  }
0x5c: {  	[sflag:s23] =	ssyncadd.s32 $0xFFFFFCE0  }
0x5d: {  	_ =	swait.ge [sflag:s24], $0x3200  }
0x5e: {  	[sflag:s24] =	ssyncset.done $0x0  }
0x5f: {  	[sflag:s24] =	ssyncadd.s32 $0xFFFFCE00  }
0x60: {  	[tilespmem:s18], [sflag:$0x1] =	stream.indirect.gather [hbm4b:s8+s17], $0x10, s15, s17, $0xb8;
	[tilespmem:$0x1F780] =	vst v63  }
0x61: {  	_ = 	snop  }
0x62: {  	[spmem:s2] =	stream.indirect.scatter.add.f32 [tilespmem:s22], [sflag:$0x4], $0x10, s20, s17, $0xb8;
	[tilespmem:$0x1F780] =	vst v63  }
0x63: {  	_ =	swait.ge [sflag:s23], $0x3200  }
0x64: {  	[sflag:s23] =	ssyncset.done $0x0  }
0x65: {  	s29 =	sadd.s32 $0xC3B4, s29;
	[sflag:s23] =	ssyncadd.s32 $0xFFFFCE00  }
0x66: {  	[tilespmem:s19], [sflag:$0x4] =	stream.linear.gather [hbm4b:s29+s3], $0x320, $0x38;
	[tilespmem:$0x1F780] =	vst v63  }
0x67: {  	_ =	swait.ge [sflag:s23], $0x320  }
.Ltmp0:
0x68: {  	[sflag:s23] =	ssyncset.done $0x0;
	(pc) =	sbr.rel @p0 .LBB2_2-.Ltmp0, $4  }
0x69: {  	s28 =	sadd.s32 $0xC3B4, s28;
	[sflag:s23] =	ssyncadd.s32 $0xFFFFFCE0  }
0x6a: {  	[tilespmem:s20], [sflag:$0x3] =	stream.linear.gather [hbm4b:s28+s3], $0x320, $0x38;
	[tilespmem:$0x1F780] =	vst v63  }
0x6b: {  	_ =	swait.ge [sflag:s14], $0x320  }
0x6c: {  	[sflag:s14] =	ssyncset.done $0x0  }
0x6d: {  	[sflag:s14] =	ssyncadd.s32 $0xFFFFFCE0  }
0x6e: {  	_ =	swait.ge [sflag:s21], $0x3200  }
0x6f: {  	[sflag:s21] =	ssyncset.done $0x0  }
0x70: {  	[sflag:s21] =	ssyncadd.s32 $0xFFFFCE00  }
0x71: {  	[tilespmem:s22], [sflag:$0x2] =	stream.indirect.gather [hbm4b:s8+s17], $0x10, s19, s17, $0xb8;
	[tilespmem:$0x1F780] =	vst v63  }
0x72: {  	_ = 	snop  }
0x73: {  	[spmem:s2] =	stream.indirect.scatter.add.f32 [tilespmem:s18], [sflag:$0x4], $0x10, s16, s17, $0xb8;
	[tilespmem:$0x1F780] =	vst v63  }
0x74: {  	_ =	swait.ge [sflag:s23], $0x3200  }
0x75: {  	[sflag:s23] =	ssyncset.done $0x0  }
0x76: {  	[sflag:s23] =	ssyncadd.s32 $0xFFFFCE00  }
0x77: {  	_ =	swait.ge [sflag:s24], $0x3200  }
0x78: {  	[sflag:s24] =	ssyncset.done $0x0  }
0x79: {  	[sflag:s24] =	ssyncadd.s32 $0xFFFFCE00  }
0x7a: {  	[spmem:s2] =	stream.indirect.scatter.add.f32 [tilespmem:s22], [sflag:$0x4], $0x10, s20, s17, $0xb8;
	[tilespmem:$0x1F780] =	vst v63  }
0x7b: {  	_ =	swait.ge [sflag:s23], $0x3200  }
0x7c: {  	s25 =	sadd.s32 $0x1, s25;
	[sflag:s23] =	ssyncset.done $0x0  }
0x7d: {  	p0 =	sne.s32 s25, s12;
	[sflag:s23] =	ssyncadd.s32 $0xFFFFCE00  }
.Ltmp1:
0x7e: {  	[bflag:$0x0] =	sbarrier.arrive $0xFFFF;
	(pc) =	sbr.rel @p0 .LBB2_1-.Ltmp1, $4  }
0x7f: {  	[hbm:s11], [sflag:s5] =	dma.local [spmem:s13], $0x30E0  }
0x80: {  	_ =	swait.ge [sflag:s14], $0x30E0  }
0x81: {  	[sflag:s14] =	ssyncset.done $0x0  }
0x82: {  	[sflag:s14] =	ssyncadd.s32 $0xFFFFCF20  }
0x83: {  	_ =	sfence.sel $0x180000  }
0x84: {  	[bflag:$0x0] =	sbarrier.arrive $0xFFFF  }
0x85: {  	p0 =	sne.s32 s1, $0x0;
	_ =	strace $0x9000004D  }
0x86: {  	s0 =	sadd.s32 @!p0 $0x100000, s0;
	[bflag:$0x2] =	sbarrier.arrive $0xFFFF  }
0x87: {  	[sflag:s0] =	ssyncadd.tile.s32 @!p0 $0x1;
	_ =	shalt  }
.Lfunc_end2:
_tile_overlayer_lowered:
.L_overlay_start_2:
0x88: {  	(tag) =	ssettag $0x2  }
0x89: {  	s0 =	rddreg [dreg:$0x0];
	s2 =	stileid.u32  }
0x8a: {  	s1 =	rddreg [dreg:$0x1];
	p0 =	sne.s32 s2, $0x0  }
0x8b: {  	s3 =	rddreg [dreg:$0x2];
	[bflag:$0x3] =	sbarrier.arrive $0xFFFF;
	s2 =	simm.s32 @!p0 $0x1C03  }
0x8c: {  	[timem:s3], [sflag:s2] =	dma.local @!p0 [hbm:s0], s1  }
0x8d: {  	s0 =	simm.s32 @!p0 $0x3  }
0x8e: {  	_ =	swait.ge @!p0 [sflag:s0], s1  }
0x8f: {  	s1 =	ssub.s32 @!p0 $0x0, s1;
	[sflag:s0] =	ssyncset.done @!p0 $0x0  }
0x90: {  	[sflag:s0] =	ssyncadd.s32 @!p0 s1  }
0x91: {  	[bflag:$0x3] =	sbarrier.arrive $0xFFFF  }
0x92: {  	_ =	shalt  }

// kernel: kernel.19.cloned.1.call-start
scs
__scs_entry_jumppad:
0x0: {  	(pc) =	sbr.rel $0x88, $3  }
0x1: {  	(tag) =	ssettag $0x0;
	lr =	simm.s32 $0x1  }
0x2: {  	[smem:$0x3F99] =	sst lr;
	_ =	strace $0xD0000000  }
0x3: {  	_ = 	snop  }
0x4: {  	_ = 	snop  }
0x5: {  	_ = 	snop  }
0x6: {  	_ = 	snop  }
0x7: {  	_ = 	snop  }
__scs_overlays_trampoline_lowered:
0x8: {  	[smem:$0x3FA8] =	sst s0  }
0x9: {  	[smem:$0x3FA9] =	sst s1  }
0xa: {  	[smem:$0x3FAA] =	sst s2  }
0xb: {  	[smem:$0x3FAB] =	sst s3  }
0xc: {  	[smem:$0x3FAC] =	sst s4  }
0xd: {  	[smem:$0x3FAD] =	sst s5  }
0xe: {  	[smem:$0x3FAE] =	sst s6  }
0xf: {  	[smem:$0x3FAF] =	sst s7  }
0x10: {  	[smem:$0x3FB0] =	sst s8  }
0x11: {  	[smem:$0x3FB1] =	sst s9;
	s0 =	simm.s32 @!p0 $0x0  }
0x12: {  	s1 =	sld [smem:$0x3F97];
	s0 =	simm.s32 @p0 $0x1  }
0x13: {  	[smem:$0x3FB2] =	sst s0;
	s0 =	simm.s32 @!p1 $0x0  }
0x14: {  	s2 =	sld [smem:$0x3F96];
	s0 =	simm.s32 @p1 $0x1  }
0x15: {  	[smem:$0x3FB3] =	sst s0;
	s0 =	simm.s32 @!p2 $0x0  }
0x16: {  	s3 =	sld [smem:$0x3FDB];
	s0 =	simm.s32 @p2 $0x1  }
0x17: {  	s4 =	simm.s32 $0x1BF5;
	[smem:$0x3FB5] =	sst s0  }
0x18: {  	s0 =	sld [smem:$0x3F98];
	_ =	swait.ge [sflag:s4], $0x0  }
0x19: {  	s7 =	sld [smem:$0x3F99]  }
0x1a: {  	s8 =	sadd.s32 $0xFFFFE003, lr  }
0x1b: {  	s9 =	sadd.s32 $0xFFFFFEF7, lr;
	s5 =	simm.s32 $0xFFFFFFFF;
	p2 =	slt.u32 s8, $0xFFFFF086  }
0x1c: {  	p1 =	slt.u32 s9, $0xF7A;
	s5 =	simm.s32 @!p2 $0x0  }
0x1d: {  	s5 =	simm.s32 @p1 $0x1;
	p0 =	seq.s32 s7, s2  }
0x1e: {  	s7 =	smul.u32 @!p0 $0xF7A, s2;
	p2 =	seq.s32 @!p0 s5, $0x0  }
0x1f: {  	s9 =	smul.u32 $0xF7A, s1;
	s8 =	simm.s32 @!p0 $0x1BF5;
	p2 =	por !p2, p0  }
0x20: {  	[sflag:s8] =	ssyncset.s32 @!p0 $0xFFFFF086;
	s6 =	sadd.s32 @!p0 s3, s7;
	s7 =	simm.s32 @!p0 $0x108  }
0x21: {  	s3 =	sadd.s32 s3, s9;
	s6 =	sadd.s32 @!p0 $0x88, s6;
	s7 =	simm.s32 @p2 $0x1082  }
0x22: {  	[simem:s7], [sflag:s8] =	dma.local @!p0 [hbm:s6], $0xF7A  }
0x23: {  	s9 =	sor.u32 $0xD0000000, s2;
	s6 =	simm.s32 $0x108;
	_ =	swait.ge @!p0 [sflag:s8], $0x0  }
0x24: {  	s3 =	sadd.s32 $0x88, s3;
	s6 =	simm.s32 @!p1 $0x1082;
	[sflag:s4] =	ssyncset.s32 $0xFFFFF086  }
0x25: {  	[simem:s6], [sflag:s4] =	dma.local [hbm:s3], $0xF7A  }
0x26: {  	[smem:$0x3F99] =	sst s1;
	(tag) =	ssettag s2;
	_ =	strace s9  }
0x27: {  	s1 =	sld [smem:$0x3FA9]  }
0x28: {  	s2 =	sld [smem:$0x3FAA]  }
0x29: {  	s4 =	sld [smem:$0x3FAC]  }
0x2a: {  	p0 =	seq.s32 s5, $0x0;
	s5 =	sld [smem:$0x3FAD]  }
0x2b: {  	s6 =	sld [smem:$0x3FAE]  }
0x2c: {  	s7 =	sld [smem:$0x3FAF]  }
0x2d: {  	s3 =	simm.s32 $0x108;
	s8 =	sld [smem:$0x3FB0]  }
0x2e: {  	s3 =	simm.s32 @!p0 $0x1082;
	s9 =	sld [smem:$0x3FB1]  }
0x2f: {  	lr =	sadd.s32 s0, s3;
	s0 =	sld [smem:$0x3FA8]  }
0x30: {  	s3 =	sld [smem:$0x3FAB]  }
0x31: {  	[smem:$0x3FB4] =	sst s10  }
0x32: {  	s10 =	sld [smem:$0x3FB2];
	_ =	sdelay $0x3  }
0x33: {  	p0 =	seq.s32 s10, $0x1;
	s10 =	sld [smem:$0x3FB4];
	_ =	sdelay $0x3  }
0x34: {  	[smem:$0x3FB4] =	sst s10  }
0x35: {  	s10 =	sld [smem:$0x3FB3];
	_ =	sdelay $0x3  }
0x36: {  	p1 =	seq.s32 s10, $0x1;
	s10 =	sld [smem:$0x3FB4];
	_ =	sdelay $0x3  }
0x37: {  	[smem:$0x3FB4] =	sst s10  }
0x38: {  	s10 =	sld [smem:$0x3FB5]  }
0x39: {  	_ = 	snop;
	(pc) =	sbr.ind lr, $3  }
0x3a: {  	_ = 	snop  }
0x3b: {  	_ = 	snop  }
0x3c: {  	p2 =	seq.s32 s10, $0x1;
	s10 =	sld [smem:$0x3FB4]  }
0x3d: {  	_ =	shalt  }
0x3e: {  	_ =	shalt  }
0x3f: {  	_ =	shalt  }
0x40: {  	_ =	shalt  }
0x41: {  	_ =	shalt  }
0x42: {  	_ =	shalt  }
0x43: {  	_ =	shalt  }
0x44: {  	_ =	shalt  }
0x45: {  	_ =	shalt  }
0x46: {  	_ =	shalt  }
0x47: {  	_ =	shalt  }
0x48: {  	_ =	shalt  }
0x49: {  	_ =	shalt  }
0x4a: {  	_ =	shalt  }
0x4b: {  	_ =	shalt  }
0x4c: {  	_ =	shalt  }
0x4d: {  	_ =	shalt  }
0x4e: {  	_ =	shalt  }
0x4f: {  	_ =	shalt  }
0x50: {  	_ =	shalt  }
0x51: {  	_ =	shalt  }
0x52: {  	_ =	shalt  }
0x53: {  	_ =	shalt  }
0x54: {  	_ =	shalt  }
0x55: {  	_ =	shalt  }
0x56: {  	_ =	shalt  }
0x57: {  	_ =	shalt  }
0x58: {  	_ =	shalt  }
0x59: {  	_ =	shalt  }
0x5a: {  	_ =	shalt  }
0x5b: {  	_ =	shalt  }
0x5c: {  	_ =	shalt  }
0x5d: {  	_ =	shalt  }
0x5e: {  	_ =	shalt  }
0x5f: {  	_ =	shalt  }
0x60: {  	_ =	shalt  }
0x61: {  	_ =	shalt  }
0x62: {  	_ =	shalt  }
0x63: {  	_ =	shalt  }
0x64: {  	_ =	shalt  }
0x65: {  	_ =	shalt  }
0x66: {  	_ =	shalt  }
0x67: {  	_ =	shalt  }
0x68: {  	_ =	shalt  }
0x69: {  	_ =	shalt  }
0x6a: {  	_ =	shalt  }
0x6b: {  	_ =	shalt  }
0x6c: {  	_ =	shalt  }
0x6d: {  	_ =	shalt  }
0x6e: {  	_ =	shalt  }
0x6f: {  	_ =	shalt  }
0x70: {  	_ =	shalt  }
0x71: {  	_ =	shalt  }
0x72: {  	_ =	shalt  }
0x73: {  	_ =	shalt  }
0x74: {  	_ =	shalt  }
0x75: {  	_ =	shalt  }
0x76: {  	_ =	shalt  }
0x77: {  	_ =	shalt  }
0x78: {  	_ =	shalt  }
0x79: {  	_ =	shalt  }
0x7a: {  	_ =	shalt  }
0x7b: {  	_ =	shalt  }
0x7c: {  	_ =	shalt  }
0x7d: {  	_ =	shalt  }
0x7e: {  	_ =	shalt  }
0x7f: {  	_ =	shalt  }
0x80: {  	_ =	shalt  }
0x81: {  	_ =	shalt  }
0x82: {  	_ =	shalt  }
0x83: {  	_ =	shalt  }
0x84: {  	_ =	shalt  }
0x85: {  	_ =	shalt  }
0x86: {  	_ =	shalt  }
0x87: {  	_ =	shalt  }
.Lfunc_end0:
.L_simem_size_0:
called_computation.3_lowered:
.L_overlay_start_0:
0x88: {  	s2 =	sld [smem:$0x3FD9]  }
0x89: {  	s3 =	sld [smem:$0x3FFE];
	_ =	sdelay $0x1  }
0x8a: {  	s1 =	srdreg.scid  }
0x8b: {  	s0 =	sand.u32 $0x1, s1  }
0x8c: {  	s16 =	sshll.u32 s0, $0xA;
	s2 =	sadd.s32 s3, s2  }
0x8d: {  	s2 =	sadd.s32 s2, s16  }
0x8e: {  	[smem:$0x3FC0] =	sst s2  }
0x8f: {  	_ = 	snop  }
0x90: {  	(tm) =	ssettm $0x1  }
0x91: {  	s17 =	sld [smem:$0x3FFB];
	_ =	sdelay $0x3  }
0x92: {  	_ =	strace s17  }
0x93: {  	s2 =	sld [smem:$0x3FFC];
	_ =	sdelay $0x3  }
0x94: {  	_ =	strace s2  }
0x95: {  	s2 =	sld [smem:$0x3FFD];
	_ =	sdelay $0x3  }
0x96: {  	_ =	strace s2  }
0x97: {  	_ =	strace $0x8FFFFFFF  }
0x98: {  	s18 =	sld [smem:$0x3FDB];
	_ =	sdelay $0x1  }
0x99: {  	s19 =	simm.s32 $_scs_section_size  }
0x9a: {  	s4 =	simm.s32 $_size__tile_overlayer_lowered;
	s5 =	simm.s32 $_tile_overlayer_lowered  }
0x9b: {  	s22 =	simm.s32 $0x1BFF;
	s21 =	sshll.u32 s5, $0x1;
	s2 =	sadd.s32 s19, s18  }
0x9c: {  	s6 =	simm.s32 $0x0;
	s20 =	sshll.u32 s4, $0x1;
	s4 =	sadd.s32 s21, s2  }
0x9d: {  	[timem:s6], [sflag:s22] =	dma.local [hbm:s4], s20  }
0x9e: {  	_ =	swait.ge [sflag:s22], s20  }
0x9f: {  	s3 =	ssub.s32 $0x0, s20;
	[sflag:s22] =	ssyncset.done $0x0  }
0xa0: {  	[sflag:s22] =	ssyncadd.s32 s3;
	_ =	sdelay $0x1  }
0xa1: {  	s23 =	simm.s32 $0x1B8B  }
0xa2: {  	_ =	swait.ge [sflag:s23], $0x1  }
0xa3: {  	[sflag:s23] =	ssyncset.done $0x0  }
0xa4: {  	s25 =	simm.s32 $0x1B8E;
	s24 =	sld [smem:$0x3FFE];
	[sflag:s23] =	ssyncadd.s32 $0xFFFFFFFF  }
0xa5: {  	s26 =	simm.s32 $execute0_lowered;
	[smem:$0x3FD2] =	sst s25  }
0xa6: {  	s4 =	sshll.u32 s26, $0x1;
	_ =	strace $0x8000004F;
	[dreg:$0x1] =	wrdreg $0xFFFFFFFF  }
0xa7: {  	s28 =	simm.s32 $_size_execute0_lowered;
	s2 =	sadd.s32 s2, s4;
	[dreg:$0x0] =	wrdreg $0x0  }
0xa8: {  	s4 =	sshll.u32 s28, $0x1;
	[dreg:$0x2] =	wrdreg s2  }
0xa9: {  	[dreg:$0x3] =	wrdreg s4  }
0xaa: {  	[dreg:$0x4] =	wrdreg $0xC0  }
0xab: {  	_ =	task [dreg:s6], $0x5FFFF  }
0xac: {  	[dreg:$0x1] =	wrdreg $0xFFFFFFFF  }
0xad: {  	[dreg:$0x0] =	wrdreg $0x60  }
0xae: {  	[dreg:$0x2] =	wrdreg s24  }
0xaf: {  	[dreg:$0x3] =	wrdreg $0x0  }
0xb0: {  	[dreg:$0x4] =	wrdreg $0x9  }
0xb1: {  	_ =	task.clear_ibuf [dreg:s6], $0x5FFFF;
	_ =	strace $0x9000004F  }
0xb2: {  	s29 =	simm.s32 $0x9;
	_ =	strace $0x80000051  }
0xb3: {  	_ =	swait.ge [sflag:s29], $0x1  }
0xb4: {  	[sflag:s29] =	ssyncadd.s32 $0xFFFFFFFF  }
0xb5: {  	_ =	strace $0x90000051  }
0xb6: {  	_ =	sfence  }
0xb7: {  	s30 =	sld [smem:$0x0];
	_ =	sdelay $0x2  }
0xb8: {  	s31 =	sshll.u32 s1, $0xD;
	s1 =	sshrl.u32 s1, $0x2  }
0xb9: {  	s3 =	sand.u32 $0x4000, s31;
	s1 =	sadd.s32 s1, s30  }
0xba: {  	s0 =	sor.u32 s3, s0;
	s1 =	sshll.u32 s1, $0x11  }
0xbb: {  	s0 =	sor.u32 s1, s0  }
0xbc: {  	s0 =	sadd.s32 $0x8F2B, s0  }
0xbd: {  	[sflag:s0] =	ssyncadd.remote.s32 $0x1  }
0xbe: {  	_ =	sfence.sel $0xFFFF  }
0xbf: {  	[dreg:$0x0] =	wrdreg $0xFFFFFFFF;
	(pc) =	sbr.abs _section_cstart, $3  }
0xc0: {  	[dreg:$0x1] =	wrdreg $0xFFFFFFFF  }
0xc1: {  	_ =	task.clear_ibuf [dreg:s6], $0x2FFFF;
	_ =	strace $0x9FFFFFFF  }
0xc2: {  	(tm) =	ssettm $0x7FFFFFFF  }
0xc3: {  	_ =	shalt  }
tec
execute0_lowered:
.L_overlay_start_1:
0x0: {  	(tag) =	ssettag $0x1  }
0x1: {  	s6 =	rddreg [dreg:$0x0]  }
0x2: {  	s1 =	rddreg [dreg:$0x1];
	s3 =	simm.s32 $0x0  }
0x3: {  	s4 =	srdreg.scid;
	s2 =	stileid.u32;
	s19 =	simm.s32 $0x320  }
0x4: {  	s20 =	simm.s32 $0x19380;
	s21 =	simm.s32 $0x19060;
	s22 =	simm.s32 $0x18A20  }
0x5: {  	s23 =	simm.s32 $0x1;
	s28 =	simm.s32 $0x0;
	[smem:$0x7FF] =	sst s3  }
0x6: {  	s12 =	sand.u32 $0x1, s4;
	s7 =	smul.u32 $0x18700, s2;
	s4 =	sadd.s32 $0x6E4000, s6  }
0x7: {  	s13 =	sadd.s32 $0x2000, s6;
	s14 =	sadd.s32 $0xC5600, s6;
	s30 =	smul.u32 $0xC350, s2  }
0x8: {  	s5 =	sadd.s32 $0x188C00, s6;
	s9 =	sshll.u32 s2, $0x1;
	s8 =	smul.u32 $0x187000, s12  }
0x9: {  	s25 =	sshll.u32 s2, $0x6;
	s9 =	sor.u32 s12, s9;
	s31 =	smul.u32 $0x61A8, s12  }
0xa: {  	_ =	strace $0x80000050;
	s10 =	ssub.s32 $0x2, s12;
	s15 =	smul.u32 $0x30D40, s9  }
0xb: {  	s11 =	sshrl.u32 s10, $0x1;
	s24 =	smul.u32 $0x61A8, s9;
	s8 =	sadd.s32 s7, s8  }
0xc: {  	s18 =	sadd.s32 s7, s1;
	s17 =	ssub.s32 s10, s11;
	s8 =	sshrl.u32 s8, $0x3  }
0xd: {  	s26 =	sshrl.u32 s15, $0x3;
	s7 =	sadd.s32 s13, s24;
	s12 =	smax.u32 s17, $0x1  }
0xe: {  	s15 =	sshrl.u32 s18, $0x3;
	s17 =	simm.s32 $0x18D40;
	s18 =	simm.s32 $0x18700  }
0xf: {  	s16 =	sadd.s32 s8, s6;
	s6 =	sor.u32 $0x1C03, s25;
	s29 =	sadd.s32 $0x64, s26  }
0x10: {  	s8 =	sadd.s32 s14, s24;
	s24 =	simm.s32 $0x1C580;
	s25 =	simm.s32 $0x4  }
0x11: {  	s26 =	simm.s32 $0x2;
	s9 =	sadd.s32 s13, s29;
	s10 =	sadd.s32 s14, s29  }
0x12: {  	s11 =	sadd.s32 $0x714E00, s16;
	s13 =	sadd.s32 s30, s13;
	s14 =	sadd.s32 s30, s14  }
0x13: {  	s16 =	simm.s32 $0x3;
	s13 =	sadd.s32 s31, s13;
	s14 =	sadd.s32 s31, s14  }
.LBB2_1:
0x14: {  	[spmem:s15], [sflag:s6] =	dma.local [hbm:s5], $0x30E0  }
0x15: {  	_ =	swait.ge [sflag:s16], $0x30E0  }
0x16: {  	[sflag:s16] =	ssyncset.done $0x0  }
0x17: {  	[sflag:s16] =	ssyncadd.s32 $0xFFFFCF20  }
0x18: {  	[bflag:$0x0] =	sbarrier.arrive $0xFFFF  }
0x19: {  	[tilespmem:s17], [sflag:$0x3] =	stream.linear.gather [hbm4b:s7+s3], $0x320, $0x38;
	[tilespmem:$0x1F780] =	vst v63  }
0x1a: {  	_ =	swait.ge [sflag:s16], $0x320  }
0x1b: {  	[sflag:s16] =	ssyncset.done $0x0  }
0x1c: {  	[sflag:s16] =	ssyncadd.s32 $0xFFFFFCE0  }
0x1d: {  	[tilespmem:s18], [sflag:$0x3] =	stream.linear.gather [hbm4b:s8+s3], $0x320, $0x38;
	[tilespmem:$0x1F780] =	vst v63  }
0x1e: {  	_ =	swait.ge [sflag:s16], $0x320  }
0x1f: {  	[sflag:s16] =	ssyncset.done $0x0  }
0x20: {  	[sflag:s16] =	ssyncadd.s32 $0xFFFFFCE0  }
0x21: {  	[tilespmem:s20], [sflag:$0x1] =	stream.indirect.gather [hbm4b:s4+s19], $0x10, s17, s19, $0xb8;
	[tilespmem:$0x1F780] =	vst v63  }
0x22: {  	_ = 	snop  }
0x23: {  	[tilespmem:s21], [sflag:$0x3] =	stream.linear.gather [hbm4b:s9+s3], $0x320, $0x38;
	[tilespmem:$0x1F780] =	vst v63  }
0x24: {  	_ =	swait.ge [sflag:s16], $0x320  }
0x25: {  	[sflag:s16] =	ssyncset.done $0x0  }
0x26: {  	[sflag:s16] =	ssyncadd.s32 $0xFFFFFCE0  }
0x27: {  	[tilespmem:s22], [sflag:$0x3] =	stream.linear.gather [hbm4b:s10+s3], $0x320, $0x38;
	[tilespmem:$0x1F780] =	vst v63  }
0x28: {  	_ =	swait.ge [sflag:s16], $0x320  }
0x29: {  	[sflag:s16] =	ssyncset.done $0x0  }
0x2a: {  	[sflag:s16] =	ssyncadd.s32 $0xFFFFFCE0  }
0x2b: {  	_ =	swait.ge [sflag:s23], $0x3200  }
0x2c: {  	[sflag:s23] =	ssyncset.done $0x0  }
0x2d: {  	[sflag:s23] =	ssyncadd.s32 $0xFFFFCE00  }
0x2e: {  	[tilespmem:s24], [sflag:$0x2] =	stream.indirect.gather [hbm4b:s4+s19], $0x10, s21, s19, $0xb8;
	[tilespmem:$0x1F780] =	vst v63  }
0x2f: {  	_ = 	snop  }
0x30: {  	[spmem:s1] =	stream.indirect.scatter.add.f32 [tilespmem:s20], [sflag:$0x4], $0x10, s18, s19, $0xb8;
	[tilespmem:$0x1F780] =	vst v63  }
0x31: {  	_ =	swait.ge [sflag:s25], $0x3200  }
0x32: {  	s29 =	sadd.s32 $0x0, s13;
	[sflag:s25] =	ssyncset.done $0x0  }
0x33: {  	s30 =	sadd.s32 $0xC8, s29;
	[sflag:s25] =	ssyncadd.s32 $0xFFFFCE00  }
0x34: {  	[tilespmem:s17], [sflag:$0x4] =	stream.linear.gather [hbm4b:s30+s3], $0x320, $0x38;
	[tilespmem:$0x1F780] =	vst v63  }
0x35: {  	_ =	swait.ge [sflag:s25], $0x320  }
0x36: {  	s0 =	sadd.s32 $0x0, s14;
	[sflag:s25] =	ssyncset.done $0x0  }
0x37: {  	s31 =	sadd.s32 $0xC8, s0;
	[sflag:s25] =	ssyncadd.s32 $0xFFFFFCE0  }
0x38: {  	[tilespmem:s18], [sflag:$0x4] =	stream.linear.gather [hbm4b:s31+s3], $0x320, $0x38;
	[tilespmem:$0x1F780] =	vst v63  }
0x39: {  	_ =	swait.ge [sflag:s25], $0x320  }
0x3a: {  	[sflag:s25] =	ssyncset.done $0x0  }
0x3b: {  	[sflag:s25] =	ssyncadd.s32 $0xFFFFFCE0  }
0x3c: {  	_ =	swait.ge [sflag:s26], $0x3200  }
0x3d: {  	[sflag:s26] =	ssyncset.done $0x0  }
0x3e: {  	[sflag:s26] =	ssyncadd.s32 $0xFFFFCE00  }
0x3f: {  	[tilespmem:s20], [sflag:$0x1] =	stream.indirect.gather [hbm4b:s4+s19], $0x10, s17, s19, $0xb8;
	[tilespmem:$0x1F780] =	vst v63  }
0x40: {  	_ = 	snop  }
0x41: {  	[spmem:s1] =	stream.indirect.scatter.add.f32 [tilespmem:s24], [sflag:$0x4], $0x10, s22, s19, $0xb8;
	[tilespmem:$0x1F780] =	vst v63  }
0x42: {  	_ =	swait.ge [sflag:s25], $0x3200  }
0x43: {  	[sflag:s25] =	ssyncset.done $0x0  }
0x44: {  	s29 =	sadd.s32 $0x12C, s29;
	[sflag:s25] =	ssyncadd.s32 $0xFFFFCE00  }
0x45: {  	[tilespmem:s21], [sflag:$0x4] =	stream.linear.gather [hbm4b:s29+s3], $0x320, $0x38;
	[tilespmem:$0x1F780] =	vst v63  }
0x46: {  	_ =	swait.ge [sflag:s25], $0x320  }
0x47: {  	[sflag:s25] =	ssyncset.done $0x0  }
0x48: {  	s29 =	sadd.s32 $0x12C, s0;
	[sflag:s25] =	ssyncadd.s32 $0xFFFFFCE0  }
0x49: {  	[tilespmem:s22], [sflag:$0x3] =	stream.linear.gather [hbm4b:s29+s3], $0x320, $0x38;
	[tilespmem:$0x1F780] =	vst v63  }
0x4a: {  	_ =	swait.ge [sflag:s16], $0x320  }
0x4b: {  	s29 =	simm.s32 $0xC8;
	[sflag:s16] =	ssyncset.done $0x0  }
.LBB2_2:
0x4c: {  	p0 =	sne.s32 s29, $0x6018  }
0x4d: {  	[sflag:s16] =	ssyncadd.s32 $0xFFFFFCE0;
	s30 =	smov.u32 s29;
	s29 =	sadd.s32 $0xC8, s29  }
0x4e: {  	_ =	swait.ge [sflag:s23], $0x3200  }
0x4f: {  	[sflag:s23] =	ssyncset.done $0x0  }
0x50: {  	[sflag:s23] =	ssyncadd.s32 $0xFFFFCE00  }
0x51: {  	[tilespmem:s24], [sflag:$0x2] =	stream.indirect.gather [hbm4b:s4+s19], $0x10, s21, s19, $0xb8;
	[tilespmem:$0x1F780] =	vst v63  }
0x52: {  	_ = 	snop  }
0x53: {  	[spmem:s1] =	stream.indirect.scatter.add.f32 [tilespmem:s20], [sflag:$0x4], $0x10, s18, s19, $0xb8;
	[tilespmem:$0x1F780] =	vst v63  }
0x54: {  	_ =	swait.ge [sflag:s25], $0x3200  }
0x55: {  	s31 =	sadd.s32 s30, s13;
	[sflag:s25] =	ssyncset.done $0x0  }
0x56: {  	s0 =	sadd.s32 $0xC8, s31;
	[sflag:s25] =	ssyncadd.s32 $0xFFFFCE00  }
0x57: {  	[tilespmem:s17], [sflag:$0x4] =	stream.linear.gather [hbm4b:s0+s3], $0x320, $0x38;
	[tilespmem:$0x1F780] =	vst v63  }
0x58: {  	_ =	swait.ge [sflag:s25], $0x320  }
0x59: {  	s0 =	sadd.s32 s30, s14;
	[sflag:s25] =	ssyncset.done $0x0  }
0x5a: {  	s30 =	sadd.s32 $0xC8, s0;
	[sflag:s25] =	ssyncadd.s32 $0xFFFFFCE0  }
0x5b: {  	[tilespmem:s18], [sflag:$0x4] =	stream.linear.gather [hbm4b:s30+s3], $0x320, $0x38;
	[tilespmem:$0x1F780] =	vst v63  }
0x5c: {  	_ =	swait.ge [sflag:s25], $0x320  }
0x5d: {  	[sflag:s25] =	ssyncset.done $0x0  }
0x5e: {  	[sflag:s25] =	ssyncadd.s32 $0xFFFFFCE0  }
0x5f: {  	_ =	swait.ge [sflag:s26], $0x3200  }
0x60: {  	[sflag:s26] =	ssyncset.done $0x0  }
0x61: {  	[sflag:s26] =	ssyncadd.s32 $0xFFFFCE00  }
0x62: {  	[tilespmem:s20], [sflag:$0x1] =	stream.indirect.gather [hbm4b:s4+s19], $0x10, s17, s19, $0xb8;
	[tilespmem:$0x1F780] =	vst v63  }
0x63: {  	_ = 	snop  }
0x64: {  	[spmem:s1] =	stream.indirect.scatter.add.f32 [tilespmem:s24], [sflag:$0x4], $0x10, s22, s19, $0xb8;
	[tilespmem:$0x1F780] =	vst v63  }
0x65: {  	_ =	swait.ge [sflag:s25], $0x3200  }
0x66: {  	[sflag:s25] =	ssyncset.done $0x0  }
0x67: {  	s30 =	sadd.s32 $0x12C, s31;
	[sflag:s25] =	ssyncadd.s32 $0xFFFFCE00  }
0x68: {  	[tilespmem:s21], [sflag:$0x4] =	stream.linear.gather [hbm4b:s30+s3], $0x320, $0x38;
	[tilespmem:$0x1F780] =	vst v63  }
0x69: {  	_ =	swait.ge [sflag:s25], $0x320  }
.Ltmp0:
0x6a: {  	[sflag:s25] =	ssyncset.done $0x0;
	(pc) =	sbr.rel @p0 .LBB2_2-.Ltmp0, $4  }
0x6b: {  	s0 =	sadd.s32 $0x12C, s0;
	[sflag:s25] =	ssyncadd.s32 $0xFFFFFCE0  }
0x6c: {  	[tilespmem:s22], [sflag:$0x3] =	stream.linear.gather [hbm4b:s0+s3], $0x320, $0x38;
	[tilespmem:$0x1F780] =	vst v63  }
0x6d: {  	_ =	swait.ge [sflag:s16], $0x320  }
0x6e: {  	[sflag:s16] =	ssyncset.done $0x0  }
0x6f: {  	[sflag:s16] =	ssyncadd.s32 $0xFFFFFCE0  }
0x70: {  	_ =	swait.ge [sflag:s23], $0x3200  }
0x71: {  	[sflag:s23] =	ssyncset.done $0x0  }
0x72: {  	[sflag:s23] =	ssyncadd.s32 $0xFFFFCE00  }
0x73: {  	[tilespmem:s24], [sflag:$0x2] =	stream.indirect.gather [hbm4b:s4+s19], $0x10, s21, s19, $0xb8;
	[tilespmem:$0x1F780] =	vst v63  }
0x74: {  	_ = 	snop  }
0x75: {  	[spmem:s1] =	stream.indirect.scatter.add.f32 [tilespmem:s20], [sflag:$0x4], $0x10, s18, s19, $0xb8;
	[tilespmem:$0x1F780] =	vst v63  }
0x76: {  	_ =	swait.ge [sflag:s25], $0x3200  }
0x77: {  	[sflag:s25] =	ssyncset.done $0x0  }
0x78: {  	[sflag:s25] =	ssyncadd.s32 $0xFFFFCE00  }
0x79: {  	_ =	swait.ge [sflag:s26], $0x3200  }
0x7a: {  	[sflag:s26] =	ssyncset.done $0x0  }
0x7b: {  	[sflag:s26] =	ssyncadd.s32 $0xFFFFCE00  }
0x7c: {  	[spmem:s1] =	stream.indirect.scatter.add.f32 [tilespmem:s24], [sflag:$0x4], $0x10, s22, s19, $0xb8;
	[tilespmem:$0x1F780] =	vst v63  }
0x7d: {  	_ =	swait.ge [sflag:s25], $0x3200  }
0x7e: {  	s28 =	sadd.s32 $0x1, s28;
	[sflag:s25] =	ssyncset.done $0x0  }
0x7f: {  	p0 =	sne.s32 s28, s12;
	[sflag:s25] =	ssyncadd.s32 $0xFFFFCE00  }
.Ltmp1:
0x80: {  	[bflag:$0x0] =	sbarrier.arrive $0xFFFF;
	(pc) =	sbr.rel @p0 .LBB2_1-.Ltmp1, $4  }
0x81: {  	[hbm:s11], [sflag:s6] =	dma.local [spmem:s15], $0x30E0  }
0x82: {  	_ =	swait.ge [sflag:s16], $0x30E0  }
0x83: {  	[sflag:s16] =	ssyncset.done $0x0  }
0x84: {  	[sflag:s16] =	ssyncadd.s32 $0xFFFFCF20  }
0x85: {  	_ =	sfence.sel $0x180000  }
0x86: {  	[bflag:$0x0] =	sbarrier.arrive $0xFFFF  }
0x87: {  	_ =	strace $0x90000050  }
0x88: {  	[bflag:$0x2] =	sbarrier.arrive $0xFFFF  }
0x89: {  	p0 =	sne.s32 s2, $0x0;
	s0 =	rddreg [dreg:$0x2]  }
0x8a: {  	s0 =	sadd.s32 @!p0 $0x100000, s0  }
0x8b: {  	[sflag:s0] =	ssyncadd.tile.s32 @!p0 $0x1;
	_ =	shalt  }
.Lfunc_end2:
_tile_overlayer_lowered:
.L_overlay_start_2:
0x8c: {  	(tag) =	ssettag $0x2  }
0x8d: {  	s0 =	rddreg [dreg:$0x0];
	s2 =	stileid.u32  }
0x8e: {  	s1 =	rddreg [dreg:$0x1];
	p0 =	sne.s32 s2, $0x0  }
0x8f: {  	s3 =	rddreg [dreg:$0x2];
	[bflag:$0x3] =	sbarrier.arrive $0xFFFF;
	s2 =	simm.s32 @!p0 $0x1C03  }
0x90: {  	[timem:s3], [sflag:s2] =	dma.local @!p0 [hbm:s0], s1  }
0x91: {  	s0 =	simm.s32 @!p0 $0x3  }
0x92: {  	_ =	swait.ge @!p0 [sflag:s0], s1  }
0x93: {  	s1 =	ssub.s32 @!p0 $0x0, s1;
	[sflag:s0] =	ssyncset.done @!p0 $0x0  }
0x94: {  	[sflag:s0] =	ssyncadd.s32 @!p0 s1  }
0x95: {  	[bflag:$0x3] =	sbarrier.arrive $0xFFFF  }
0x96: {  	_ =	shalt  }

</sc_bundles>
